<compile_context>
chip_gen: v7x
topology: tpu7x:2x2x1
jax: 0.10.2.dev20260603
libtpu: 0.0.44.dev20260713+nightly
codegen_flags: <defaults>
</compile_context>

<pallas_src>
import functools
import jax
import jax.numpy as jnp
from jax import lax
from jax.experimental import pallas as pl
from jax.experimental.pallas import tpu as pltpu
from jax.experimental.pallas import tpu_sc as plsc

BATCH = 4096
SEQ = 50
DIM = 128
NC, NS = 2, 16
NW = NC * NS
ROWS_PER_W = BATCH // NW
HALF = 2
CROWS = ROWS_PER_W // HALF
NCHUNK = SEQ * HALF
NBUF = 10


@functools.partial(
    pl.kernel,
    out_type=jax.ShapeDtypeStruct((SEQ, BATCH, DIM), jnp.float32),
    mesh=plsc.VectorSubcoreMesh(core_axis_name="c", subcore_axis_name="s"),
    compiler_params=pltpu.CompilerParams(
        disable_bounds_checks=True,
        disable_semaphore_checks=True,
    ),
    scratch_types=(
        [pltpu.VMEM((SEQ, ROWS_PER_W), jnp.int32)]
        + [pltpu.VMEM((CROWS, DIM), jnp.float32) for _ in range(NBUF)]
        + [pltpu.SemaphoreType.DMA for _ in range(2 * NBUF)]
    ),
)
def _gather_kernel(xt_hbm, table_hbm, out_hbm, idx_v, *scratch):
    bufs = scratch[:NBUF]
    gsem = scratch[NBUF:2 * NBUF]
    ssem = scratch[2 * NBUF:]
    wid = lax.axis_index("s") * NC + lax.axis_index("c")
    base = wid * ROWS_PER_W
    pltpu.sync_copy(xt_hbm.at[:, pl.ds(base, ROWS_PER_W)], idx_v)

    def gather_start(b, c):
        s, h = c // HALF, c % HALF
        pltpu.async_copy(table_hbm.at[idx_v.at[s].at[pl.ds(h * CROWS, CROWS)]],
                         bufs[b], gsem[b])

    def gather_wait(b, c):
        s, h = c // HALF, c % HALF
        pltpu.make_async_copy(
            table_hbm.at[idx_v.at[s].at[pl.ds(h * CROWS, CROWS)]],
            bufs[b], gsem[b]).wait()

    def store_start(b, c):
        s, h = c // HALF, c % HALF
        pltpu.async_copy(bufs[b],
                         out_hbm.at[s].at[pl.ds(base + h * CROWS, CROWS)],
                         ssem[b])

    def store_wait(b, c):
        s, h = c // HALF, c % HALF
        pltpu.make_async_copy(bufs[b],
                              out_hbm.at[s].at[pl.ds(base + h * CROWS, CROWS)],
                              ssem[b]).wait()

    for b in range(NBUF):
        gather_start(b, b)

    def body(t, carry):
        for b in range(NBUF):
            c = t * NBUF + b
            gather_wait(b, c)
            store_start(b, c)
        for b in range(NBUF):
            c = t * NBUF + b
            cn = c + NBUF

            @pl.when(cn < NCHUNK)
            def _():
                store_wait(b, c)
                gather_start(b, cn)

        return carry

    lax.fori_loop(0, NCHUNK // NBUF, body, 0)
    for b in range(NBUF):
        store_wait(b, NCHUNK - NBUF + b)


def kernel(x, table):
    xt = jnp.transpose(x.astype(jnp.int32))
    out_t = _gather_kernel(xt, table)
    return jnp.transpose(out_t, (1, 0, 2))

# --- scband reference (transcript-rebuilt; emitter-appended) ---
"""Pipeline reference for scband-word-embedding-16612933501395 (READ-ONLY COPY).

The authoritative reference and input builder live on the scoring server;
editing this copy changes nothing except your own understanding.
"""

import jax, jax.numpy as jnp
import numpy as np

NUM_EMBEDDINGS = 100000
EMBEDDING_DIM = 128

def setup_inputs(seed: int = 0) -> dict:
    key = jax.random.key(seed)
    k1, k2 = jax.random.split(key)
    x = jax.random.randint(k1, (4096, 50), 0, NUM_EMBEDDINGS, dtype=jnp.int64 if jax.config.jax_enable_x64 else jnp.int32)
    table = jax.random.normal(k2, (NUM_EMBEDDINGS, EMBEDDING_DIM), dtype=jnp.float32)
    return {"x": x, "table": table}

def reference(x, table):
    # nn.Embedding forward: row gather from the embedding table
    return jnp.take(table, x, axis=0)

if __name__ == "__main__":
    import jax
    _d = setup_inputs()
    print(jax.jit(kernel)(*tuple(_d.values())))

</pallas_src>

<mosaic_0001>
#map = affine_map<(d0, d1) -> (0, 0)>
#map1 = affine_map<(d0, d1) -> (0, 0, 0)>
module attributes {stable_mosaic.version = 14 : i64} {
  func.func @_gather_kernel(%arg0: i32, %arg1: i32, %arg2: memref<50x4096xi32, #tpu.memory_space<hbm>>, %arg3: memref<100000x128xf32, #tpu.memory_space<hbm>>, %arg4: memref<50x4096x128xf32, #tpu.memory_space<hbm>>, %arg5: memref<50x128xi32, #tpu.memory_space<vmem>>, %arg6: memref<64x128xf32, #tpu.memory_space<vmem>>, %arg7: memref<64x128xf32, #tpu.memory_space<vmem>>, %arg8: memref<64x128xf32, #tpu.memory_space<vmem>>, %arg9: memref<64x128xf32, #tpu.memory_space<vmem>>, %arg10: memref<64x128xf32, #tpu.memory_space<vmem>>, %arg11: memref<64x128xf32, #tpu.memory_space<vmem>>, %arg12: memref<64x128xf32, #tpu.memory_space<vmem>>, %arg13: memref<64x128xf32, #tpu.memory_space<vmem>>, %arg14: memref<64x128xf32, #tpu.memory_space<vmem>>, %arg15: memref<64x128xf32, #tpu.memory_space<vmem>>, %arg16: memref<!tpu.dma_semaphore, #tpu.memory_space<semaphore_mem>>, %arg17: memref<!tpu.dma_semaphore, #tpu.memory_space<semaphore_mem>>, %arg18: memref<!tpu.dma_semaphore, #tpu.memory_space<semaphore_mem>>, %arg19: memref<!tpu.dma_semaphore, #tpu.memory_space<semaphore_mem>>, %arg20: memref<!tpu.dma_semaphore, #tpu.memory_space<semaphore_mem>>, %arg21: memref<!tpu.dma_semaphore, #tpu.memory_space<semaphore_mem>>, %arg22: memref<!tpu.dma_semaphore, #tpu.memory_space<semaphore_mem>>, %arg23: memref<!tpu.dma_semaphore, #tpu.memory_space<semaphore_mem>>, %arg24: memref<!tpu.dma_semaphore, #tpu.memory_space<semaphore_mem>>, %arg25: memref<!tpu.dma_semaphore, #tpu.memory_space<semaphore_mem>>, %arg26: memref<!tpu.dma_semaphore, #tpu.memory_space<semaphore_mem>>, %arg27: memref<!tpu.dma_semaphore, #tpu.memory_space<semaphore_mem>>, %arg28: memref<!tpu.dma_semaphore, #tpu.memory_space<semaphore_mem>>, %arg29: memref<!tpu.dma_semaphore, #tpu.memory_space<semaphore_mem>>, %arg30: memref<!tpu.dma_semaphore, #tpu.memory_space<semaphore_mem>>, %arg31: memref<!tpu.dma_semaphore, #tpu.memory_space<semaphore_mem>>, %arg32: memref<!tpu.dma_semaphore, #tpu.memory_space<semaphore_mem>>, %arg33: memref<!tpu.dma_semaphore, #tpu.memory_space<semaphore_mem>>, %arg34: memref<!tpu.dma_semaphore, #tpu.memory_space<semaphore_mem>>, %arg35: memref<!tpu.dma_semaphore, #tpu.memory_space<semaphore_mem>>) attributes {dimension_semantics = [#tpu.dimension_semantics<core_parallel>, #tpu.dimension_semantics<subcore_parallel>], iteration_bounds = array<i64: 2, 16>, scalar_prefetch = 0 : i64, scratch_operands = 31 : i64, tpu.core_type = #tpu.core_type<sc_vector_subcore>, window_params = [{transform_indices = #map}, {transform_indices = #map}, {transform_indices = #map1}]} {
    %mul3A = arith.constant 2 : i32
    %mul3A_0 = arith.muli %arg1, %mul3A : i32
    %add3A = arith.addi %mul3A_0, %arg0 : i32
    %mul3A_1 = arith.constant 128 : i32
    %mul3A_2 = arith.muli %add3A, %mul3A_1 : i32
    "tpu.region"() ({
      %run_scoped3A = tpu.sem_alloc : memref<!tpu.dma_semaphore, #tpu.memory_space<semaphore_mem>>
      %dma_start3A_246 = arith.constant 0 : i32
      %dma_start3A_247 = tpu.memref_slice %arg2[%dma_start3A_246, %mul3A_2] : memref<50x4096xi32, #tpu.memory_space<hbm>> -> memref<50x128xi32, #tpu.memory_space<hbm>>
      %dma_start3A_248 = arith.constant 0 : i32
      %dma_start3A_249 = tpu.memref_slice %arg2[%dma_start3A_248, %mul3A_2] : memref<50x4096xi32, #tpu.memory_space<hbm>> -> memref<50x128xi32, #tpu.memory_space<hbm>>
      tpu.enqueue_dma source(%dma_start3A_249 : memref<50x128xi32, #tpu.memory_space<hbm>>) target(%arg5 : memref<50x128xi32, #tpu.memory_space<vmem>>) target_semaphore(%run_scoped3A : memref<!tpu.dma_semaphore, #tpu.memory_space<semaphore_mem>>)
      %dma_wait3A_250 = arith.constant 0 : i32
      %dma_wait3A_251 = tpu.memref_slice %arg2[%dma_wait3A_250, %mul3A_2] : memref<50x4096xi32, #tpu.memory_space<hbm>> -> memref<50x128xi32, #tpu.memory_space<hbm>>
      %dma_wait3A_252 = arith.constant 0 : i32
      %dma_wait3A_253 = tpu.memref_slice %arg2[%dma_wait3A_252, %mul3A_2] : memref<50x4096xi32, #tpu.memory_space<hbm>> -> memref<50x128xi32, #tpu.memory_space<hbm>>
      tpu.wait_dma2 semaphore(%run_scoped3A : memref<!tpu.dma_semaphore, #tpu.memory_space<semaphore_mem>>) src(%dma_wait3A_253 : memref<50x128xi32, #tpu.memory_space<hbm>>) dst(%arg5 : memref<50x128xi32, #tpu.memory_space<vmem>>)
      tpu.yield
    }) : () -> ()
    %dma_start3A = arith.constant 0 : i32
    %dma_start3A_3 = arith.constant 0 : i32
    %dma_start3A_4 = tpu.memref_slice %arg5[%dma_start3A, %dma_start3A_3] : memref<50x128xi32, #tpu.memory_space<vmem>> -> memref<1x128xi32, #tpu.memory_space<vmem>>
    %dma_start3A_5 = tpu.memref_squeeze %dma_start3A_4 : memref<1x128xi32, #tpu.memory_space<vmem>> -> memref<128xi32, #tpu.memory_space<vmem>>
    %dma_start3A_6 = arith.constant 0 : i32
    %dma_start3A_7 = tpu.memref_slice %dma_start3A_5[%dma_start3A_6] : memref<128xi32, #tpu.memory_space<vmem>> -> memref<64xi32, #tpu.memory_space<vmem>>
    %dma_start3A_8 = arith.constant 0 : i32
    %dma_start3A_9 = arith.constant 0 : i32
    %dma_start3A_10 = tpu.memref_slice %arg3[%dma_start3A_8, %dma_start3A_9] : memref<100000x128xf32, #tpu.memory_space<hbm>> -> memref<100000x128xf32, #tpu.memory_space<hbm>>
    tpu.enqueue_indirect_dma source(%dma_start3A_10 : memref<100000x128xf32, #tpu.memory_space<hbm>>) target(%arg6 : memref<64x128xf32, #tpu.memory_space<vmem>>) offsets(%dma_start3A_7 : memref<64xi32, #tpu.memory_space<vmem>>) semaphore(%arg16 : memref<!tpu.dma_semaphore, #tpu.memory_space<semaphore_mem>>)
    %dma_start3A_11 = arith.constant 0 : i32
    %dma_start3A_12 = arith.constant 0 : i32
    %dma_start3A_13 = tpu.memref_slice %arg5[%dma_start3A_11, %dma_start3A_12] : memref<50x128xi32, #tpu.memory_space<vmem>> -> memref<1x128xi32, #tpu.memory_space<vmem>>
    %dma_start3A_14 = tpu.memref_squeeze %dma_start3A_13 : memref<1x128xi32, #tpu.memory_space<vmem>> -> memref<128xi32, #tpu.memory_space<vmem>>
    %dma_start3A_15 = arith.constant 64 : i32
    %dma_start3A_16 = tpu.memref_slice %dma_start3A_14[%dma_start3A_15] : memref<128xi32, #tpu.memory_space<vmem>> -> memref<64xi32, #tpu.memory_space<vmem>>
    %dma_start3A_17 = arith.constant 0 : i32
    %dma_start3A_18 = arith.constant 0 : i32
    %dma_start3A_19 = tpu.memref_slice %arg3[%dma_start3A_17, %dma_start3A_18] : memref<100000x128xf32, #tpu.memory_space<hbm>> -> memref<100000x128xf32, #tpu.memory_space<hbm>>
    tpu.enqueue_indirect_dma source(%dma_start3A_19 : memref<100000x128xf32, #tpu.memory_space<hbm>>) target(%arg7 : memref<64x128xf32, #tpu.memory_space<vmem>>) offsets(%dma_start3A_16 : memref<64xi32, #tpu.memory_space<vmem>>) semaphore(%arg17 : memref<!tpu.dma_semaphore, #tpu.memory_space<semaphore_mem>>)
    %dma_start3A_20 = arith.constant 1 : i32
    %dma_start3A_21 = arith.constant 0 : i32
    %dma_start3A_22 = tpu.memref_slice %arg5[%dma_start3A_20, %dma_start3A_21] : memref<50x128xi32, #tpu.memory_space<vmem>> -> memref<1x128xi32, #tpu.memory_space<vmem>>
    %dma_start3A_23 = tpu.memref_squeeze %dma_start3A_22 : memref<1x128xi32, #tpu.memory_space<vmem>> -> memref<128xi32, #tpu.memory_space<vmem>>
    %dma_start3A_24 = arith.constant 0 : i32
    %dma_start3A_25 = tpu.memref_slice %dma_start3A_23[%dma_start3A_24] : memref<128xi32, #tpu.memory_space<vmem>> -> memref<64xi32, #tpu.memory_space<vmem>>
    %dma_start3A_26 = arith.constant 0 : i32
    %dma_start3A_27 = arith.constant 0 : i32
    %dma_start3A_28 = tpu.memref_slice %arg3[%dma_start3A_26, %dma_start3A_27] : memref<100000x128xf32, #tpu.memory_space<hbm>> -> memref<100000x128xf32, #tpu.memory_space<hbm>>
    tpu.enqueue_indirect_dma source(%dma_start3A_28 : memref<100000x128xf32, #tpu.memory_space<hbm>>) target(%arg8 : memref<64x128xf32, #tpu.memory_space<vmem>>) offsets(%dma_start3A_25 : memref<64xi32, #tpu.memory_space<vmem>>) semaphore(%arg18 : memref<!tpu.dma_semaphore, #tpu.memory_space<semaphore_mem>>)
    %dma_start3A_29 = arith.constant 1 : i32
    %dma_start3A_30 = arith.constant 0 : i32
    %dma_start3A_31 = tpu.memref_slice %arg5[%dma_start3A_29, %dma_start3A_30] : memref<50x128xi32, #tpu.memory_space<vmem>> -> memref<1x128xi32, #tpu.memory_space<vmem>>
    %dma_start3A_32 = tpu.memref_squeeze %dma_start3A_31 : memref<1x128xi32, #tpu.memory_space<vmem>> -> memref<128xi32, #tpu.memory_space<vmem>>
    %dma_start3A_33 = arith.constant 64 : i32
    %dma_start3A_34 = tpu.memref_slice %dma_start3A_32[%dma_start3A_33] : memref<128xi32, #tpu.memory_space<vmem>> -> memref<64xi32, #tpu.memory_space<vmem>>
    %dma_start3A_35 = arith.constant 0 : i32
    %dma_start3A_36 = arith.constant 0 : i32
    %dma_start3A_37 = tpu.memref_slice %arg3[%dma_start3A_35, %dma_start3A_36] : memref<100000x128xf32, #tpu.memory_space<hbm>> -> memref<100000x128xf32, #tpu.memory_space<hbm>>
    tpu.enqueue_indirect_dma source(%dma_start3A_37 : memref<100000x128xf32, #tpu.memory_space<hbm>>) target(%arg9 : memref<64x128xf32, #tpu.memory_space<vmem>>) offsets(%dma_start3A_34 : memref<64xi32, #tpu.memory_space<vmem>>) semaphore(%arg19 : memref<!tpu.dma_semaphore, #tpu.memory_space<semaphore_mem>>)
    %dma_start3A_38 = arith.constant 2 : i32
    %dma_start3A_39 = arith.constant 0 : i32
    %dma_start3A_40 = tpu.memref_slice %arg5[%dma_start3A_38, %dma_start3A_39] : memref<50x128xi32, #tpu.memory_space<vmem>> -> memref<1x128xi32, #tpu.memory_space<vmem>>
    %dma_start3A_41 = tpu.memref_squeeze %dma_start3A_40 : memref<1x128xi32, #tpu.memory_space<vmem>> -> memref<128xi32, #tpu.memory_space<vmem>>
    %dma_start3A_42 = arith.constant 0 : i32
    %dma_start3A_43 = tpu.memref_slice %dma_start3A_41[%dma_start3A_42] : memref<128xi32, #tpu.memory_space<vmem>> -> memref<64xi32, #tpu.memory_space<vmem>>
    %dma_start3A_44 = arith.constant 0 : i32
    %dma_start3A_45 = arith.constant 0 : i32
    %dma_start3A_46 = tpu.memref_slice %arg3[%dma_start3A_44, %dma_start3A_45] : memref<100000x128xf32, #tpu.memory_space<hbm>> -> memref<100000x128xf32, #tpu.memory_space<hbm>>
    tpu.enqueue_indirect_dma source(%dma_start3A_46 : memref<100000x128xf32, #tpu.memory_space<hbm>>) target(%arg10 : memref<64x128xf32, #tpu.memory_space<vmem>>) offsets(%dma_start3A_43 : memref<64xi32, #tpu.memory_space<vmem>>) semaphore(%arg20 : memref<!tpu.dma_semaphore, #tpu.memory_space<semaphore_mem>>)
    %dma_start3A_47 = arith.constant 2 : i32
    %dma_start3A_48 = arith.constant 0 : i32
    %dma_start3A_49 = tpu.memref_slice %arg5[%dma_start3A_47, %dma_start3A_48] : memref<50x128xi32, #tpu.memory_space<vmem>> -> memref<1x128xi32, #tpu.memory_space<vmem>>
    %dma_start3A_50 = tpu.memref_squeeze %dma_start3A_49 : memref<1x128xi32, #tpu.memory_space<vmem>> -> memref<128xi32, #tpu.memory_space<vmem>>
    %dma_start3A_51 = arith.constant 64 : i32
    %dma_start3A_52 = tpu.memref_slice %dma_start3A_50[%dma_start3A_51] : memref<128xi32, #tpu.memory_space<vmem>> -> memref<64xi32, #tpu.memory_space<vmem>>
    %dma_start3A_53 = arith.constant 0 : i32
    %dma_start3A_54 = arith.constant 0 : i32
    %dma_start3A_55 = tpu.memref_slice %arg3[%dma_start3A_53, %dma_start3A_54] : memref<100000x128xf32, #tpu.memory_space<hbm>> -> memref<100000x128xf32, #tpu.memory_space<hbm>>
    tpu.enqueue_indirect_dma source(%dma_start3A_55 : memref<100000x128xf32, #tpu.memory_space<hbm>>) target(%arg11 : memref<64x128xf32, #tpu.memory_space<vmem>>) offsets(%dma_start3A_52 : memref<64xi32, #tpu.memory_space<vmem>>) semaphore(%arg21 : memref<!tpu.dma_semaphore, #tpu.memory_space<semaphore_mem>>)
    %dma_start3A_56 = arith.constant 3 : i32
    %dma_start3A_57 = arith.constant 0 : i32
    %dma_start3A_58 = tpu.memref_slice %arg5[%dma_start3A_56, %dma_start3A_57] : memref<50x128xi32, #tpu.memory_space<vmem>> -> memref<1x128xi32, #tpu.memory_space<vmem>>
    %dma_start3A_59 = tpu.memref_squeeze %dma_start3A_58 : memref<1x128xi32, #tpu.memory_space<vmem>> -> memref<128xi32, #tpu.memory_space<vmem>>
    %dma_start3A_60 = arith.constant 0 : i32
    %dma_start3A_61 = tpu.memref_slice %dma_start3A_59[%dma_start3A_60] : memref<128xi32, #tpu.memory_space<vmem>> -> memref<64xi32, #tpu.memory_space<vmem>>
    %dma_start3A_62 = arith.constant 0 : i32
    %dma_start3A_63 = arith.constant 0 : i32
    %dma_start3A_64 = tpu.memref_slice %arg3[%dma_start3A_62, %dma_start3A_63] : memref<100000x128xf32, #tpu.memory_space<hbm>> -> memref<100000x128xf32, #tpu.memory_space<hbm>>
    tpu.enqueue_indirect_dma source(%dma_start3A_64 : memref<100000x128xf32, #tpu.memory_space<hbm>>) target(%arg12 : memref<64x128xf32, #tpu.memory_space<vmem>>) offsets(%dma_start3A_61 : memref<64xi32, #tpu.memory_space<vmem>>) semaphore(%arg22 : memref<!tpu.dma_semaphore, #tpu.memory_space<semaphore_mem>>)
    %dma_start3A_65 = arith.constant 3 : i32
    %dma_start3A_66 = arith.constant 0 : i32
    %dma_start3A_67 = tpu.memref_slice %arg5[%dma_start3A_65, %dma_start3A_66] : memref<50x128xi32, #tpu.memory_space<vmem>> -> memref<1x128xi32, #tpu.memory_space<vmem>>
    %dma_start3A_68 = tpu.memref_squeeze %dma_start3A_67 : memref<1x128xi32, #tpu.memory_space<vmem>> -> memref<128xi32, #tpu.memory_space<vmem>>
    %dma_start3A_69 = arith.constant 64 : i32
    %dma_start3A_70 = tpu.memref_slice %dma_start3A_68[%dma_start3A_69] : memref<128xi32, #tpu.memory_space<vmem>> -> memref<64xi32, #tpu.memory_space<vmem>>
    %dma_start3A_71 = arith.constant 0 : i32
    %dma_start3A_72 = arith.constant 0 : i32
    %dma_start3A_73 = tpu.memref_slice %arg3[%dma_start3A_71, %dma_start3A_72] : memref<100000x128xf32, #tpu.memory_space<hbm>> -> memref<100000x128xf32, #tpu.memory_space<hbm>>
    tpu.enqueue_indirect_dma source(%dma_start3A_73 : memref<100000x128xf32, #tpu.memory_space<hbm>>) target(%arg13 : memref<64x128xf32, #tpu.memory_space<vmem>>) offsets(%dma_start3A_70 : memref<64xi32, #tpu.memory_space<vmem>>) semaphore(%arg23 : memref<!tpu.dma_semaphore, #tpu.memory_space<semaphore_mem>>)
    %dma_start3A_74 = arith.constant 4 : i32
    %dma_start3A_75 = arith.constant 0 : i32
    %dma_start3A_76 = tpu.memref_slice %arg5[%dma_start3A_74, %dma_start3A_75] : memref<50x128xi32, #tpu.memory_space<vmem>> -> memref<1x128xi32, #tpu.memory_space<vmem>>
    %dma_start3A_77 = tpu.memref_squeeze %dma_start3A_76 : memref<1x128xi32, #tpu.memory_space<vmem>> -> memref<128xi32, #tpu.memory_space<vmem>>
    %dma_start3A_78 = arith.constant 0 : i32
    %dma_start3A_79 = tpu.memref_slice %dma_start3A_77[%dma_start3A_78] : memref<128xi32, #tpu.memory_space<vmem>> -> memref<64xi32, #tpu.memory_space<vmem>>
    %dma_start3A_80 = arith.constant 0 : i32
    %dma_start3A_81 = arith.constant 0 : i32
    %dma_start3A_82 = tpu.memref_slice %arg3[%dma_start3A_80, %dma_start3A_81] : memref<100000x128xf32, #tpu.memory_space<hbm>> -> memref<100000x128xf32, #tpu.memory_space<hbm>>
    tpu.enqueue_indirect_dma source(%dma_start3A_82 : memref<100000x128xf32, #tpu.memory_space<hbm>>) target(%arg14 : memref<64x128xf32, #tpu.memory_space<vmem>>) offsets(%dma_start3A_79 : memref<64xi32, #tpu.memory_space<vmem>>) semaphore(%arg24 : memref<!tpu.dma_semaphore, #tpu.memory_space<semaphore_mem>>)
    %dma_start3A_83 = arith.constant 4 : i32
    %dma_start3A_84 = arith.constant 0 : i32
    %dma_start3A_85 = tpu.memref_slice %arg5[%dma_start3A_83, %dma_start3A_84] : memref<50x128xi32, #tpu.memory_space<vmem>> -> memref<1x128xi32, #tpu.memory_space<vmem>>
    %dma_start3A_86 = tpu.memref_squeeze %dma_start3A_85 : memref<1x128xi32, #tpu.memory_space<vmem>> -> memref<128xi32, #tpu.memory_space<vmem>>
    %dma_start3A_87 = arith.constant 64 : i32
    %dma_start3A_88 = tpu.memref_slice %dma_start3A_86[%dma_start3A_87] : memref<128xi32, #tpu.memory_space<vmem>> -> memref<64xi32, #tpu.memory_space<vmem>>
    %dma_start3A_89 = arith.constant 0 : i32
    %dma_start3A_90 = arith.constant 0 : i32
    %dma_start3A_91 = tpu.memref_slice %arg3[%dma_start3A_89, %dma_start3A_90] : memref<100000x128xf32, #tpu.memory_space<hbm>> -> memref<100000x128xf32, #tpu.memory_space<hbm>>
    tpu.enqueue_indirect_dma source(%dma_start3A_91 : memref<100000x128xf32, #tpu.memory_space<hbm>>) target(%arg15 : memref<64x128xf32, #tpu.memory_space<vmem>>) offsets(%dma_start3A_88 : memref<64xi32, #tpu.memory_space<vmem>>) semaphore(%arg25 : memref<!tpu.dma_semaphore, #tpu.memory_space<semaphore_mem>>)
    %scan3A = arith.constant 0 : i32
    %scan3A_92 = arith.constant 0 : i32
    %scan3A_93 = arith.constant 10 : i32
    %scan3A_94 = arith.addi %scan3A_92, %scan3A_93 : i32
    %scan3A_95 = arith.constant 1 : i32
    scf.for %scan3A_246 = %scan3A_92 to %scan3A_94 step %scan3A_95  : i32 {
      %mul3A_247 = arith.constant 10 : i32
      %mul3A_248 = arith.muli %scan3A_246, %mul3A_247 : i32
      %add3A_249 = arith.constant 0 : i32
      %add3A_250 = arith.addi %mul3A_248, %add3A_249 : i32
      %jit3A = arith.constant 2 : i32
      %div3A = arith.divsi %add3A_250, %jit3A : i32
      %sign3A = arith.constant 0 : i32
      %sign3A_251 = arith.cmpi sgt, %add3A_250, %sign3A : i32
      %sign3A_252 = arith.extui %sign3A_251 : i1 to i32
      %sign3A_253 = arith.constant 0 : i32
      %sign3A_254 = arith.cmpi slt, %add3A_250, %sign3A_253 : i32
      %sign3A_255 = arith.extui %sign3A_254 : i1 to i32
      %sign3A_256 = arith.subi %sign3A_252, %sign3A_255 : i32
      %sign3A_257 = arith.constant 0 : i32
      %sign3A_258 = arith.cmpi sgt, %jit3A, %sign3A_257 : i32
      %sign3A_259 = arith.extui %sign3A_258 : i1 to i32
      %sign3A_260 = arith.constant 0 : i32
      %sign3A_261 = arith.cmpi slt, %jit3A, %sign3A_260 : i32
      %sign3A_262 = arith.extui %sign3A_261 : i1 to i32
      %sign3A_263 = arith.subi %sign3A_259, %sign3A_262 : i32
      %ne3A = arith.cmpi ne, %sign3A_256, %sign3A_263 : i32
      %rem3A = arith.remsi %add3A_250, %jit3A : i32
      %ne3A_264 = arith.constant 0 : i32
      %ne3A_265 = arith.cmpi ne, %rem3A, %ne3A_264 : i32
      %and3A = arith.andi %ne3A, %ne3A_265 : i1
      %sub3A = arith.constant 1 : i32
      %sub3A_266 = arith.subi %div3A, %sub3A : i32
      %select_n3A = arith.select %and3A, %sub3A_266, %div3A : i32
      %jit3A_267 = arith.constant 2 : i32
      %eq3A = arith.constant 0 : i32
      %eq3A_268 = arith.cmpi eq, %jit3A_267, %eq3A : i32
      %jit3A_269 = arith.constant 1 : i32
      %select_n3A_270 = arith.select %eq3A_268, %jit3A_269, %jit3A_267 : i32
      %rem3A_271 = arith.remsi %add3A_250, %select_n3A_270 : i32
      %ne3A_272 = arith.constant 0 : i32
      %ne3A_273 = arith.cmpi ne, %rem3A_271, %ne3A_272 : i32
      %lt3A = arith.constant 0 : i32
      %lt3A_274 = arith.cmpi slt, %rem3A_271, %lt3A : i32
      %lt3A_275 = arith.constant 0 : i32
      %lt3A_276 = arith.cmpi slt, %select_n3A_270, %lt3A_275 : i32
      %ne3A_277 = arith.xori %lt3A_274, %lt3A_276 : i1
      %and3A_278 = arith.andi %ne3A_277, %ne3A_273 : i1
      %add3A_279 = arith.addi %rem3A_271, %select_n3A_270 : i32
      %select_n3A_280 = arith.select %and3A_278, %add3A_279, %rem3A_271 : i32
      %mul3A_281 = arith.constant 64 : i32
      %mul3A_282 = arith.muli %select_n3A_280, %mul3A_281 : i32
      %dma_wait3A_283 = arith.constant 0 : i32
      %dma_wait3A_284 = tpu.memref_slice %arg5[%select_n3A, %dma_wait3A_283] : memref<50x128xi32, #tpu.memory_space<vmem>> -> memref<1x128xi32, #tpu.memory_space<vmem>>
      %dma_wait3A_285 = tpu.memref_squeeze %dma_wait3A_284 : memref<1x128xi32, #tpu.memory_space<vmem>> -> memref<128xi32, #tpu.memory_space<vmem>>
      %dma_wait3A_286 = tpu.memref_slice %dma_wait3A_285[%mul3A_282] : memref<128xi32, #tpu.memory_space<vmem>> -> memref<64xi32, #tpu.memory_space<vmem>>
      %dma_wait3A_287 = arith.constant 0 : i32
      %dma_wait3A_288 = arith.constant 0 : i32
      %dma_wait3A_289 = tpu.memref_slice %arg3[%dma_wait3A_287, %dma_wait3A_288] : memref<100000x128xf32, #tpu.memory_space<hbm>> -> memref<100000x128xf32, #tpu.memory_space<hbm>>
      tpu.wait_indirect_dma semaphore(%arg16 : memref<!tpu.dma_semaphore, #tpu.memory_space<semaphore_mem>>) src(%dma_wait3A_289 : memref<100000x128xf32, #tpu.memory_space<hbm>>) dst(%arg6 : memref<64x128xf32, #tpu.memory_space<vmem>>)
      %jit3A_290 = arith.constant 2 : i32
      %div3A_291 = arith.divsi %add3A_250, %jit3A_290 : i32
      %sign3A_292 = arith.constant 0 : i32
      %sign3A_293 = arith.cmpi sgt, %add3A_250, %sign3A_292 : i32
      %sign3A_294 = arith.extui %sign3A_293 : i1 to i32
      %sign3A_295 = arith.constant 0 : i32
      %sign3A_296 = arith.cmpi slt, %add3A_250, %sign3A_295 : i32
      %sign3A_297 = arith.extui %sign3A_296 : i1 to i32
      %sign3A_298 = arith.subi %sign3A_294, %sign3A_297 : i32
      %sign3A_299 = arith.constant 0 : i32
      %sign3A_300 = arith.cmpi sgt, %jit3A_290, %sign3A_299 : i32
      %sign3A_301 = arith.extui %sign3A_300 : i1 to i32
      %sign3A_302 = arith.constant 0 : i32
      %sign3A_303 = arith.cmpi slt, %jit3A_290, %sign3A_302 : i32
      %sign3A_304 = arith.extui %sign3A_303 : i1 to i32
      %sign3A_305 = arith.subi %sign3A_301, %sign3A_304 : i32
      %ne3A_306 = arith.cmpi ne, %sign3A_298, %sign3A_305 : i32
      %rem3A_307 = arith.remsi %add3A_250, %jit3A_290 : i32
      %ne3A_308 = arith.constant 0 : i32
      %ne3A_309 = arith.cmpi ne, %rem3A_307, %ne3A_308 : i32
      %and3A_310 = arith.andi %ne3A_306, %ne3A_309 : i1
      %sub3A_311 = arith.constant 1 : i32
      %sub3A_312 = arith.subi %div3A_291, %sub3A_311 : i32
      %select_n3A_313 = arith.select %and3A_310, %sub3A_312, %div3A_291 : i32
      %jit3A_314 = arith.constant 2 : i32
      %eq3A_315 = arith.constant 0 : i32
      %eq3A_316 = arith.cmpi eq, %jit3A_314, %eq3A_315 : i32
      %jit3A_317 = arith.constant 1 : i32
      %select_n3A_318 = arith.select %eq3A_316, %jit3A_317, %jit3A_314 : i32
      %rem3A_319 = arith.remsi %add3A_250, %select_n3A_318 : i32
      %ne3A_320 = arith.constant 0 : i32
      %ne3A_321 = arith.cmpi ne, %rem3A_319, %ne3A_320 : i32
      %lt3A_322 = arith.constant 0 : i32
      %lt3A_323 = arith.cmpi slt, %rem3A_319, %lt3A_322 : i32
      %lt3A_324 = arith.constant 0 : i32
      %lt3A_325 = arith.cmpi slt, %select_n3A_318, %lt3A_324 : i32
      %ne3A_326 = arith.xori %lt3A_323, %lt3A_325 : i1
      %and3A_327 = arith.andi %ne3A_326, %ne3A_321 : i1
      %add3A_328 = arith.addi %rem3A_319, %select_n3A_318 : i32
      %select_n3A_329 = arith.select %and3A_327, %add3A_328, %rem3A_319 : i32
      %mul3A_330 = arith.constant 64 : i32
      %mul3A_331 = arith.muli %select_n3A_329, %mul3A_330 : i32
      %add3A_332 = arith.addi %mul3A_2, %mul3A_331 : i32
      %dma_start3A_333 = arith.constant 0 : i32
      %dma_start3A_334 = arith.constant 0 : i32
      %dma_start3A_335 = tpu.memref_slice %arg4[%select_n3A_313, %dma_start3A_333, %dma_start3A_334] : memref<50x4096x128xf32, #tpu.memory_space<hbm>> -> memref<1x4096x128xf32, #tpu.memory_space<hbm>>
      %dma_start3A_336 = tpu.memref_squeeze %dma_start3A_335 : memref<1x4096x128xf32, #tpu.memory_space<hbm>> -> memref<4096x128xf32, #tpu.memory_space<hbm>>
      %dma_start3A_337 = arith.constant 0 : i32
      %dma_start3A_338 = tpu.memref_slice %dma_start3A_336[%add3A_332, %dma_start3A_337] : memref<4096x128xf32, #tpu.memory_space<hbm>> -> memref<64x128xf32, #tpu.memory_space<hbm>>
      %dma_start3A_339 = arith.constant 0 : i32
      %dma_start3A_340 = arith.constant 0 : i32
      %dma_start3A_341 = tpu.memref_slice %arg4[%select_n3A_313, %dma_start3A_339, %dma_start3A_340] : memref<50x4096x128xf32, #tpu.memory_space<hbm>> -> memref<1x4096x128xf32, #tpu.memory_space<hbm>>
      %dma_start3A_342 = tpu.memref_squeeze %dma_start3A_341 : memref<1x4096x128xf32, #tpu.memory_space<hbm>> -> memref<4096x128xf32, #tpu.memory_space<hbm>>
      %dma_start3A_343 = arith.constant 0 : i32
      %dma_start3A_344 = tpu.memref_slice %dma_start3A_342[%add3A_332, %dma_start3A_343] : memref<4096x128xf32, #tpu.memory_space<hbm>> -> memref<64x128xf32, #tpu.memory_space<hbm>>
      tpu.enqueue_dma source(%arg6 : memref<64x128xf32, #tpu.memory_space<vmem>>) target(%dma_start3A_344 : memref<64x128xf32, #tpu.memory_space<hbm>>) target_semaphore(%arg26 : memref<!tpu.dma_semaphore, #tpu.memory_space<semaphore_mem>>)
      %mul3A_345 = arith.constant 10 : i32
      %mul3A_346 = arith.muli %scan3A_246, %mul3A_345 : i32
      %add3A_347 = arith.constant 1 : i32
      %add3A_348 = arith.addi %mul3A_346, %add3A_347 : i32
      %jit3A_349 = arith.constant 2 : i32
      %div3A_350 = arith.divsi %add3A_348, %jit3A_349 : i32
      %sign3A_351 = arith.constant 0 : i32
      %sign3A_352 = arith.cmpi sgt, %add3A_348, %sign3A_351 : i32
      %sign3A_353 = arith.extui %sign3A_352 : i1 to i32
      %sign3A_354 = arith.constant 0 : i32
      %sign3A_355 = arith.cmpi slt, %add3A_348, %sign3A_354 : i32
      %sign3A_356 = arith.extui %sign3A_355 : i1 to i32
      %sign3A_357 = arith.subi %sign3A_353, %sign3A_356 : i32
      %sign3A_358 = arith.constant 0 : i32
      %sign3A_359 = arith.cmpi sgt, %jit3A_349, %sign3A_358 : i32
      %sign3A_360 = arith.extui %sign3A_359 : i1 to i32
      %sign3A_361 = arith.constant 0 : i32
      %sign3A_362 = arith.cmpi slt, %jit3A_349, %sign3A_361 : i32
      %sign3A_363 = arith.extui %sign3A_362 : i1 to i32
      %sign3A_364 = arith.subi %sign3A_360, %sign3A_363 : i32
      %ne3A_365 = arith.cmpi ne, %sign3A_357, %sign3A_364 : i32
      %rem3A_366 = arith.remsi %add3A_348, %jit3A_349 : i32
      %ne3A_367 = arith.constant 0 : i32
      %ne3A_368 = arith.cmpi ne, %rem3A_366, %ne3A_367 : i32
      %and3A_369 = arith.andi %ne3A_365, %ne3A_368 : i1
      %sub3A_370 = arith.constant 1 : i32
      %sub3A_371 = arith.subi %div3A_350, %sub3A_370 : i32
      %select_n3A_372 = arith.select %and3A_369, %sub3A_371, %div3A_350 : i32
      %jit3A_373 = arith.constant 2 : i32
      %eq3A_374 = arith.constant 0 : i32
      %eq3A_375 = arith.cmpi eq, %jit3A_373, %eq3A_374 : i32
      %jit3A_376 = arith.constant 1 : i32
      %select_n3A_377 = arith.select %eq3A_375, %jit3A_376, %jit3A_373 : i32
      %rem3A_378 = arith.remsi %add3A_348, %select_n3A_377 : i32
      %ne3A_379 = arith.constant 0 : i32
      %ne3A_380 = arith.cmpi ne, %rem3A_378, %ne3A_379 : i32
      %lt3A_381 = arith.constant 0 : i32
      %lt3A_382 = arith.cmpi slt, %rem3A_378, %lt3A_381 : i32
      %lt3A_383 = arith.constant 0 : i32
      %lt3A_384 = arith.cmpi slt, %select_n3A_377, %lt3A_383 : i32
      %ne3A_385 = arith.xori %lt3A_382, %lt3A_384 : i1
      %and3A_386 = arith.andi %ne3A_385, %ne3A_380 : i1
      %add3A_387 = arith.addi %rem3A_378, %select_n3A_377 : i32
      %select_n3A_388 = arith.select %and3A_386, %add3A_387, %rem3A_378 : i32
      %mul3A_389 = arith.constant 64 : i32
      %mul3A_390 = arith.muli %select_n3A_388, %mul3A_389 : i32
      %dma_wait3A_391 = arith.constant 0 : i32
      %dma_wait3A_392 = tpu.memref_slice %arg5[%select_n3A_372, %dma_wait3A_391] : memref<50x128xi32, #tpu.memory_space<vmem>> -> memref<1x128xi32, #tpu.memory_space<vmem>>
      %dma_wait3A_393 = tpu.memref_squeeze %dma_wait3A_392 : memref<1x128xi32, #tpu.memory_space<vmem>> -> memref<128xi32, #tpu.memory_space<vmem>>
      %dma_wait3A_394 = tpu.memref_slice %dma_wait3A_393[%mul3A_390] : memref<128xi32, #tpu.memory_space<vmem>> -> memref<64xi32, #tpu.memory_space<vmem>>
      %dma_wait3A_395 = arith.constant 0 : i32
      %dma_wait3A_396 = arith.constant 0 : i32
      %dma_wait3A_397 = tpu.memref_slice %arg3[%dma_wait3A_395, %dma_wait3A_396] : memref<100000x128xf32, #tpu.memory_space<hbm>> -> memref<100000x128xf32, #tpu.memory_space<hbm>>
      tpu.wait_indirect_dma semaphore(%arg17 : memref<!tpu.dma_semaphore, #tpu.memory_space<semaphore_mem>>) src(%dma_wait3A_397 : memref<100000x128xf32, #tpu.memory_space<hbm>>) dst(%arg7 : memref<64x128xf32, #tpu.memory_space<vmem>>)
      %jit3A_398 = arith.constant 2 : i32
      %div3A_399 = arith.divsi %add3A_348, %jit3A_398 : i32
      %sign3A_400 = arith.constant 0 : i32
      %sign3A_401 = arith.cmpi sgt, %add3A_348, %sign3A_400 : i32
      %sign3A_402 = arith.extui %sign3A_401 : i1 to i32
      %sign3A_403 = arith.constant 0 : i32
      %sign3A_404 = arith.cmpi slt, %add3A_348, %sign3A_403 : i32
      %sign3A_405 = arith.extui %sign3A_404 : i1 to i32
      %sign3A_406 = arith.subi %sign3A_402, %sign3A_405 : i32
      %sign3A_407 = arith.constant 0 : i32
      %sign3A_408 = arith.cmpi sgt, %jit3A_398, %sign3A_407 : i32
      %sign3A_409 = arith.extui %sign3A_408 : i1 to i32
      %sign3A_410 = arith.constant 0 : i32
      %sign3A_411 = arith.cmpi slt, %jit3A_398, %sign3A_410 : i32
      %sign3A_412 = arith.extui %sign3A_411 : i1 to i32
      %sign3A_413 = arith.subi %sign3A_409, %sign3A_412 : i32
      %ne3A_414 = arith.cmpi ne, %sign3A_406, %sign3A_413 : i32
      %rem3A_415 = arith.remsi %add3A_348, %jit3A_398 : i32
      %ne3A_416 = arith.constant 0 : i32
      %ne3A_417 = arith.cmpi ne, %rem3A_415, %ne3A_416 : i32
      %and3A_418 = arith.andi %ne3A_414, %ne3A_417 : i1
      %sub3A_419 = arith.constant 1 : i32
      %sub3A_420 = arith.subi %div3A_399, %sub3A_419 : i32
      %select_n3A_421 = arith.select %and3A_418, %sub3A_420, %div3A_399 : i32
      %jit3A_422 = arith.constant 2 : i32
      %eq3A_423 = arith.constant 0 : i32
      %eq3A_424 = arith.cmpi eq, %jit3A_422, %eq3A_423 : i32
      %jit3A_425 = arith.constant 1 : i32
      %select_n3A_426 = arith.select %eq3A_424, %jit3A_425, %jit3A_422 : i32
      %rem3A_427 = arith.remsi %add3A_348, %select_n3A_426 : i32
      %ne3A_428 = arith.constant 0 : i32
      %ne3A_429 = arith.cmpi ne, %rem3A_427, %ne3A_428 : i32
      %lt3A_430 = arith.constant 0 : i32
      %lt3A_431 = arith.cmpi slt, %rem3A_427, %lt3A_430 : i32
      %lt3A_432 = arith.constant 0 : i32
      %lt3A_433 = arith.cmpi slt, %select_n3A_426, %lt3A_432 : i32
      %ne3A_434 = arith.xori %lt3A_431, %lt3A_433 : i1
      %and3A_435 = arith.andi %ne3A_434, %ne3A_429 : i1
      %add3A_436 = arith.addi %rem3A_427, %select_n3A_426 : i32
      %select_n3A_437 = arith.select %and3A_435, %add3A_436, %rem3A_427 : i32
      %mul3A_438 = arith.constant 64 : i32
      %mul3A_439 = arith.muli %select_n3A_437, %mul3A_438 : i32
      %add3A_440 = arith.addi %mul3A_2, %mul3A_439 : i32
      %dma_start3A_441 = arith.constant 0 : i32
      %dma_start3A_442 = arith.constant 0 : i32
      %dma_start3A_443 = tpu.memref_slice %arg4[%select_n3A_421, %dma_start3A_441, %dma_start3A_442] : memref<50x4096x128xf32, #tpu.memory_space<hbm>> -> memref<1x4096x128xf32, #tpu.memory_space<hbm>>
      %dma_start3A_444 = tpu.memref_squeeze %dma_start3A_443 : memref<1x4096x128xf32, #tpu.memory_space<hbm>> -> memref<4096x128xf32, #tpu.memory_space<hbm>>
      %dma_start3A_445 = arith.constant 0 : i32
      %dma_start3A_446 = tpu.memref_slice %dma_start3A_444[%add3A_440, %dma_start3A_445] : memref<4096x128xf32, #tpu.memory_space<hbm>> -> memref<64x128xf32, #tpu.memory_space<hbm>>
      %dma_start3A_447 = arith.constant 0 : i32
      %dma_start3A_448 = arith.constant 0 : i32
      %dma_start3A_449 = tpu.memref_slice %arg4[%select_n3A_421, %dma_start3A_447, %dma_start3A_448] : memref<50x4096x128xf32, #tpu.memory_space<hbm>> -> memref<1x4096x128xf32, #tpu.memory_space<hbm>>
      %dma_start3A_450 = tpu.memref_squeeze %dma_start3A_449 : memref<1x4096x128xf32, #tpu.memory_space<hbm>> -> memref<4096x128xf32, #tpu.memory_space<hbm>>
      %dma_start3A_451 = arith.constant 0 : i32
      %dma_start3A_452 = tpu.memref_slice %dma_start3A_450[%add3A_440, %dma_start3A_451] : memref<4096x128xf32, #tpu.memory_space<hbm>> -> memref<64x128xf32, #tpu.memory_space<hbm>>
      tpu.enqueue_dma source(%arg7 : memref<64x128xf32, #tpu.memory_space<vmem>>) target(%dma_start3A_452 : memref<64x128xf32, #tpu.memory_space<hbm>>) target_semaphore(%arg27 : memref<!tpu.dma_semaphore, #tpu.memory_space<semaphore_mem>>)
      %mul3A_453 = arith.constant 10 : i32
      %mul3A_454 = arith.muli %scan3A_246, %mul3A_453 : i32
      %add3A_455 = arith.constant 2 : i32
      %add3A_456 = arith.addi %mul3A_454, %add3A_455 : i32
      %jit3A_457 = arith.constant 2 : i32
      %div3A_458 = arith.divsi %add3A_456, %jit3A_457 : i32
      %sign3A_459 = arith.constant 0 : i32
      %sign3A_460 = arith.cmpi sgt, %add3A_456, %sign3A_459 : i32
      %sign3A_461 = arith.extui %sign3A_460 : i1 to i32
      %sign3A_462 = arith.constant 0 : i32
      %sign3A_463 = arith.cmpi slt, %add3A_456, %sign3A_462 : i32
      %sign3A_464 = arith.extui %sign3A_463 : i1 to i32
      %sign3A_465 = arith.subi %sign3A_461, %sign3A_464 : i32
      %sign3A_466 = arith.constant 0 : i32
      %sign3A_467 = arith.cmpi sgt, %jit3A_457, %sign3A_466 : i32
      %sign3A_468 = arith.extui %sign3A_467 : i1 to i32
      %sign3A_469 = arith.constant 0 : i32
      %sign3A_470 = arith.cmpi slt, %jit3A_457, %sign3A_469 : i32
      %sign3A_471 = arith.extui %sign3A_470 : i1 to i32
      %sign3A_472 = arith.subi %sign3A_468, %sign3A_471 : i32
      %ne3A_473 = arith.cmpi ne, %sign3A_465, %sign3A_472 : i32
      %rem3A_474 = arith.remsi %add3A_456, %jit3A_457 : i32
      %ne3A_475 = arith.constant 0 : i32
      %ne3A_476 = arith.cmpi ne, %rem3A_474, %ne3A_475 : i32
      %and3A_477 = arith.andi %ne3A_473, %ne3A_476 : i1
      %sub3A_478 = arith.constant 1 : i32
      %sub3A_479 = arith.subi %div3A_458, %sub3A_478 : i32
      %select_n3A_480 = arith.select %and3A_477, %sub3A_479, %div3A_458 : i32
      %jit3A_481 = arith.constant 2 : i32
      %eq3A_482 = arith.constant 0 : i32
      %eq3A_483 = arith.cmpi eq, %jit3A_481, %eq3A_482 : i32
      %jit3A_484 = arith.constant 1 : i32
      %select_n3A_485 = arith.select %eq3A_483, %jit3A_484, %jit3A_481 : i32
      %rem3A_486 = arith.remsi %add3A_456, %select_n3A_485 : i32
      %ne3A_487 = arith.constant 0 : i32
      %ne3A_488 = arith.cmpi ne, %rem3A_486, %ne3A_487 : i32
      %lt3A_489 = arith.constant 0 : i32
      %lt3A_490 = arith.cmpi slt, %rem3A_486, %lt3A_489 : i32
      %lt3A_491 = arith.constant 0 : i32
      %lt3A_492 = arith.cmpi slt, %select_n3A_485, %lt3A_491 : i32
      %ne3A_493 = arith.xori %lt3A_490, %lt3A_492 : i1
      %and3A_494 = arith.andi %ne3A_493, %ne3A_488 : i1
      %add3A_495 = arith.addi %rem3A_486, %select_n3A_485 : i32
      %select_n3A_496 = arith.select %and3A_494, %add3A_495, %rem3A_486 : i32
      %mul3A_497 = arith.constant 64 : i32
      %mul3A_498 = arith.muli %select_n3A_496, %mul3A_497 : i32
      %dma_wait3A_499 = arith.constant 0 : i32
      %dma_wait3A_500 = tpu.memref_slice %arg5[%select_n3A_480, %dma_wait3A_499] : memref<50x128xi32, #tpu.memory_space<vmem>> -> memref<1x128xi32, #tpu.memory_space<vmem>>
      %dma_wait3A_501 = tpu.memref_squeeze %dma_wait3A_500 : memref<1x128xi32, #tpu.memory_space<vmem>> -> memref<128xi32, #tpu.memory_space<vmem>>
      %dma_wait3A_502 = tpu.memref_slice %dma_wait3A_501[%mul3A_498] : memref<128xi32, #tpu.memory_space<vmem>> -> memref<64xi32, #tpu.memory_space<vmem>>
      %dma_wait3A_503 = arith.constant 0 : i32
      %dma_wait3A_504 = arith.constant 0 : i32
      %dma_wait3A_505 = tpu.memref_slice %arg3[%dma_wait3A_503, %dma_wait3A_504] : memref<100000x128xf32, #tpu.memory_space<hbm>> -> memref<100000x128xf32, #tpu.memory_space<hbm>>
      tpu.wait_indirect_dma semaphore(%arg18 : memref<!tpu.dma_semaphore, #tpu.memory_space<semaphore_mem>>) src(%dma_wait3A_505 : memref<100000x128xf32, #tpu.memory_space<hbm>>) dst(%arg8 : memref<64x128xf32, #tpu.memory_space<vmem>>)
      %jit3A_506 = arith.constant 2 : i32
      %div3A_507 = arith.divsi %add3A_456, %jit3A_506 : i32
      %sign3A_508 = arith.constant 0 : i32
      %sign3A_509 = arith.cmpi sgt, %add3A_456, %sign3A_508 : i32
      %sign3A_510 = arith.extui %sign3A_509 : i1 to i32
      %sign3A_511 = arith.constant 0 : i32
      %sign3A_512 = arith.cmpi slt, %add3A_456, %sign3A_511 : i32
      %sign3A_513 = arith.extui %sign3A_512 : i1 to i32
      %sign3A_514 = arith.subi %sign3A_510, %sign3A_513 : i32
      %sign3A_515 = arith.constant 0 : i32
      %sign3A_516 = arith.cmpi sgt, %jit3A_506, %sign3A_515 : i32
      %sign3A_517 = arith.extui %sign3A_516 : i1 to i32
      %sign3A_518 = arith.constant 0 : i32
      %sign3A_519 = arith.cmpi slt, %jit3A_506, %sign3A_518 : i32
      %sign3A_520 = arith.extui %sign3A_519 : i1 to i32
      %sign3A_521 = arith.subi %sign3A_517, %sign3A_520 : i32
      %ne3A_522 = arith.cmpi ne, %sign3A_514, %sign3A_521 : i32
      %rem3A_523 = arith.remsi %add3A_456, %jit3A_506 : i32
      %ne3A_524 = arith.constant 0 : i32
      %ne3A_525 = arith.cmpi ne, %rem3A_523, %ne3A_524 : i32
      %and3A_526 = arith.andi %ne3A_522, %ne3A_525 : i1
      %sub3A_527 = arith.constant 1 : i32
      %sub3A_528 = arith.subi %div3A_507, %sub3A_527 : i32
      %select_n3A_529 = arith.select %and3A_526, %sub3A_528, %div3A_507 : i32
      %jit3A_530 = arith.constant 2 : i32
      %eq3A_531 = arith.constant 0 : i32
      %eq3A_532 = arith.cmpi eq, %jit3A_530, %eq3A_531 : i32
      %jit3A_533 = arith.constant 1 : i32
      %select_n3A_534 = arith.select %eq3A_532, %jit3A_533, %jit3A_530 : i32
      %rem3A_535 = arith.remsi %add3A_456, %select_n3A_534 : i32
      %ne3A_536 = arith.constant 0 : i32
      %ne3A_537 = arith.cmpi ne, %rem3A_535, %ne3A_536 : i32
      %lt3A_538 = arith.constant 0 : i32
      %lt3A_539 = arith.cmpi slt, %rem3A_535, %lt3A_538 : i32
      %lt3A_540 = arith.constant 0 : i32
      %lt3A_541 = arith.cmpi slt, %select_n3A_534, %lt3A_540 : i32
      %ne3A_542 = arith.xori %lt3A_539, %lt3A_541 : i1
      %and3A_543 = arith.andi %ne3A_542, %ne3A_537 : i1
      %add3A_544 = arith.addi %rem3A_535, %select_n3A_534 : i32
      %select_n3A_545 = arith.select %and3A_543, %add3A_544, %rem3A_535 : i32
      %mul3A_546 = arith.constant 64 : i32
      %mul3A_547 = arith.muli %select_n3A_545, %mul3A_546 : i32
      %add3A_548 = arith.addi %mul3A_2, %mul3A_547 : i32
      %dma_start3A_549 = arith.constant 0 : i32
      %dma_start3A_550 = arith.constant 0 : i32
      %dma_start3A_551 = tpu.memref_slice %arg4[%select_n3A_529, %dma_start3A_549, %dma_start3A_550] : memref<50x4096x128xf32, #tpu.memory_space<hbm>> -> memref<1x4096x128xf32, #tpu.memory_space<hbm>>
      %dma_start3A_552 = tpu.memref_squeeze %dma_start3A_551 : memref<1x4096x128xf32, #tpu.memory_space<hbm>> -> memref<4096x128xf32, #tpu.memory_space<hbm>>
      %dma_start3A_553 = arith.constant 0 : i32
      %dma_start3A_554 = tpu.memref_slice %dma_start3A_552[%add3A_548, %dma_start3A_553] : memref<4096x128xf32, #tpu.memory_space<hbm>> -> memref<64x128xf32, #tpu.memory_space<hbm>>
      %dma_start3A_555 = arith.constant 0 : i32
      %dma_start3A_556 = arith.constant 0 : i32
      %dma_start3A_557 = tpu.memref_slice %arg4[%select_n3A_529, %dma_start3A_555, %dma_start3A_556] : memref<50x4096x128xf32, #tpu.memory_space<hbm>> -> memref<1x4096x128xf32, #tpu.memory_space<hbm>>
      %dma_start3A_558 = tpu.memref_squeeze %dma_start3A_557 : memref<1x4096x128xf32, #tpu.memory_space<hbm>> -> memref<4096x128xf32, #tpu.memory_space<hbm>>
      %dma_start3A_559 = arith.constant 0 : i32
      %dma_start3A_560 = tpu.memref_slice %dma_start3A_558[%add3A_548, %dma_start3A_559] : memref<4096x128xf32, #tpu.memory_space<hbm>> -> memref<64x128xf32, #tpu.memory_space<hbm>>
      tpu.enqueue_dma source(%arg8 : memref<64x128xf32, #tpu.memory_space<vmem>>) target(%dma_start3A_560 : memref<64x128xf32, #tpu.memory_space<hbm>>) target_semaphore(%arg28 : memref<!tpu.dma_semaphore, #tpu.memory_space<semaphore_mem>>)
      %mul3A_561 = arith.constant 10 : i32
      %mul3A_562 = arith.muli %scan3A_246, %mul3A_561 : i32
      %add3A_563 = arith.constant 3 : i32
      %add3A_564 = arith.addi %mul3A_562, %add3A_563 : i32
      %jit3A_565 = arith.constant 2 : i32
      %div3A_566 = arith.divsi %add3A_564, %jit3A_565 : i32
      %sign3A_567 = arith.constant 0 : i32
      %sign3A_568 = arith.cmpi sgt, %add3A_564, %sign3A_567 : i32
      %sign3A_569 = arith.extui %sign3A_568 : i1 to i32
      %sign3A_570 = arith.constant 0 : i32
      %sign3A_571 = arith.cmpi slt, %add3A_564, %sign3A_570 : i32
      %sign3A_572 = arith.extui %sign3A_571 : i1 to i32
      %sign3A_573 = arith.subi %sign3A_569, %sign3A_572 : i32
      %sign3A_574 = arith.constant 0 : i32
      %sign3A_575 = arith.cmpi sgt, %jit3A_565, %sign3A_574 : i32
      %sign3A_576 = arith.extui %sign3A_575 : i1 to i32
      %sign3A_577 = arith.constant 0 : i32
      %sign3A_578 = arith.cmpi slt, %jit3A_565, %sign3A_577 : i32
      %sign3A_579 = arith.extui %sign3A_578 : i1 to i32
      %sign3A_580 = arith.subi %sign3A_576, %sign3A_579 : i32
      %ne3A_581 = arith.cmpi ne, %sign3A_573, %sign3A_580 : i32
      %rem3A_582 = arith.remsi %add3A_564, %jit3A_565 : i32
      %ne3A_583 = arith.constant 0 : i32
      %ne3A_584 = arith.cmpi ne, %rem3A_582, %ne3A_583 : i32
      %and3A_585 = arith.andi %ne3A_581, %ne3A_584 : i1
      %sub3A_586 = arith.constant 1 : i32
      %sub3A_587 = arith.subi %div3A_566, %sub3A_586 : i32
      %select_n3A_588 = arith.select %and3A_585, %sub3A_587, %div3A_566 : i32
      %jit3A_589 = arith.constant 2 : i32
      %eq3A_590 = arith.constant 0 : i32
      %eq3A_591 = arith.cmpi eq, %jit3A_589, %eq3A_590 : i32
      %jit3A_592 = arith.constant 1 : i32
      %select_n3A_593 = arith.select %eq3A_591, %jit3A_592, %jit3A_589 : i32
      %rem3A_594 = arith.remsi %add3A_564, %select_n3A_593 : i32
      %ne3A_595 = arith.constant 0 : i32
      %ne3A_596 = arith.cmpi ne, %rem3A_594, %ne3A_595 : i32
      %lt3A_597 = arith.constant 0 : i32
      %lt3A_598 = arith.cmpi slt, %rem3A_594, %lt3A_597 : i32
      %lt3A_599 = arith.constant 0 : i32
      %lt3A_600 = arith.cmpi slt, %select_n3A_593, %lt3A_599 : i32
      %ne3A_601 = arith.xori %lt3A_598, %lt3A_600 : i1
      %and3A_602 = arith.andi %ne3A_601, %ne3A_596 : i1
      %add3A_603 = arith.addi %rem3A_594, %select_n3A_593 : i32
      %select_n3A_604 = arith.select %and3A_602, %add3A_603, %rem3A_594 : i32
      %mul3A_605 = arith.constant 64 : i32
      %mul3A_606 = arith.muli %select_n3A_604, %mul3A_605 : i32
      %dma_wait3A_607 = arith.constant 0 : i32
      %dma_wait3A_608 = tpu.memref_slice %arg5[%select_n3A_588, %dma_wait3A_607] : memref<50x128xi32, #tpu.memory_space<vmem>> -> memref<1x128xi32, #tpu.memory_space<vmem>>
      %dma_wait3A_609 = tpu.memref_squeeze %dma_wait3A_608 : memref<1x128xi32, #tpu.memory_space<vmem>> -> memref<128xi32, #tpu.memory_space<vmem>>
      %dma_wait3A_610 = tpu.memref_slice %dma_wait3A_609[%mul3A_606] : memref<128xi32, #tpu.memory_space<vmem>> -> memref<64xi32, #tpu.memory_space<vmem>>
      %dma_wait3A_611 = arith.constant 0 : i32
      %dma_wait3A_612 = arith.constant 0 : i32
      %dma_wait3A_613 = tpu.memref_slice %arg3[%dma_wait3A_611, %dma_wait3A_612] : memref<100000x128xf32, #tpu.memory_space<hbm>> -> memref<100000x128xf32, #tpu.memory_space<hbm>>
      tpu.wait_indirect_dma semaphore(%arg19 : memref<!tpu.dma_semaphore, #tpu.memory_space<semaphore_mem>>) src(%dma_wait3A_613 : memref<100000x128xf32, #tpu.memory_space<hbm>>) dst(%arg9 : memref<64x128xf32, #tpu.memory_space<vmem>>)
      %jit3A_614 = arith.constant 2 : i32
      %div3A_615 = arith.divsi %add3A_564, %jit3A_614 : i32
      %sign3A_616 = arith.constant 0 : i32
      %sign3A_617 = arith.cmpi sgt, %add3A_564, %sign3A_616 : i32
      %sign3A_618 = arith.extui %sign3A_617 : i1 to i32
      %sign3A_619 = arith.constant 0 : i32
      %sign3A_620 = arith.cmpi slt, %add3A_564, %sign3A_619 : i32
      %sign3A_621 = arith.extui %sign3A_620 : i1 to i32
      %sign3A_622 = arith.subi %sign3A_618, %sign3A_621 : i32
      %sign3A_623 = arith.constant 0 : i32
      %sign3A_624 = arith.cmpi sgt, %jit3A_614, %sign3A_623 : i32
      %sign3A_625 = arith.extui %sign3A_624 : i1 to i32
      %sign3A_626 = arith.constant 0 : i32
      %sign3A_627 = arith.cmpi slt, %jit3A_614, %sign3A_626 : i32
      %sign3A_628 = arith.extui %sign3A_627 : i1 to i32
      %sign3A_629 = arith.subi %sign3A_625, %sign3A_628 : i32
      %ne3A_630 = arith.cmpi ne, %sign3A_622, %sign3A_629 : i32
      %rem3A_631 = arith.remsi %add3A_564, %jit3A_614 : i32
      %ne3A_632 = arith.constant 0 : i32
      %ne3A_633 = arith.cmpi ne, %rem3A_631, %ne3A_632 : i32
      %and3A_634 = arith.andi %ne3A_630, %ne3A_633 : i1
      %sub3A_635 = arith.constant 1 : i32
      %sub3A_636 = arith.subi %div3A_615, %sub3A_635 : i32
      %select_n3A_637 = arith.select %and3A_634, %sub3A_636, %div3A_615 : i32
      %jit3A_638 = arith.constant 2 : i32
      %eq3A_639 = arith.constant 0 : i32
      %eq3A_640 = arith.cmpi eq, %jit3A_638, %eq3A_639 : i32
      %jit3A_641 = arith.constant 1 : i32
      %select_n3A_642 = arith.select %eq3A_640, %jit3A_641, %jit3A_638 : i32
      %rem3A_643 = arith.remsi %add3A_564, %select_n3A_642 : i32
      %ne3A_644 = arith.constant 0 : i32
      %ne3A_645 = arith.cmpi ne, %rem3A_643, %ne3A_644 : i32
      %lt3A_646 = arith.constant 0 : i32
      %lt3A_647 = arith.cmpi slt, %rem3A_643, %lt3A_646 : i32
      %lt3A_648 = arith.constant 0 : i32
      %lt3A_649 = arith.cmpi slt, %select_n3A_642, %lt3A_648 : i32
      %ne3A_650 = arith.xori %lt3A_647, %lt3A_649 : i1
      %and3A_651 = arith.andi %ne3A_650, %ne3A_645 : i1
      %add3A_652 = arith.addi %rem3A_643, %select_n3A_642 : i32
      %select_n3A_653 = arith.select %and3A_651, %add3A_652, %rem3A_643 : i32
      %mul3A_654 = arith.constant 64 : i32
      %mul3A_655 = arith.muli %select_n3A_653, %mul3A_654 : i32
      %add3A_656 = arith.addi %mul3A_2, %mul3A_655 : i32
      %dma_start3A_657 = arith.constant 0 : i32
      %dma_start3A_658 = arith.constant 0 : i32
      %dma_start3A_659 = tpu.memref_slice %arg4[%select_n3A_637, %dma_start3A_657, %dma_start3A_658] : memref<50x4096x128xf32, #tpu.memory_space<hbm>> -> memref<1x4096x128xf32, #tpu.memory_space<hbm>>
      %dma_start3A_660 = tpu.memref_squeeze %dma_start3A_659 : memref<1x4096x128xf32, #tpu.memory_space<hbm>> -> memref<4096x128xf32, #tpu.memory_space<hbm>>
      %dma_start3A_661 = arith.constant 0 : i32
      %dma_start3A_662 = tpu.memref_slice %dma_start3A_660[%add3A_656, %dma_start3A_661] : memref<4096x128xf32, #tpu.memory_space<hbm>> -> memref<64x128xf32, #tpu.memory_space<hbm>>
      %dma_start3A_663 = arith.constant 0 : i32
      %dma_start3A_664 = arith.constant 0 : i32
      %dma_start3A_665 = tpu.memref_slice %arg4[%select_n3A_637, %dma_start3A_663, %dma_start3A_664] : memref<50x4096x128xf32, #tpu.memory_space<hbm>> -> memref<1x4096x128xf32, #tpu.memory_space<hbm>>
      %dma_start3A_666 = tpu.memref_squeeze %dma_start3A_665 : memref<1x4096x128xf32, #tpu.memory_space<hbm>> -> memref<4096x128xf32, #tpu.memory_space<hbm>>
      %dma_start3A_667 = arith.constant 0 : i32
      %dma_start3A_668 = tpu.memref_slice %dma_start3A_666[%add3A_656, %dma_start3A_667] : memref<4096x128xf32, #tpu.memory_space<hbm>> -> memref<64x128xf32, #tpu.memory_space<hbm>>
      tpu.enqueue_dma source(%arg9 : memref<64x128xf32, #tpu.memory_space<vmem>>) target(%dma_start3A_668 : memref<64x128xf32, #tpu.memory_space<hbm>>) target_semaphore(%arg29 : memref<!tpu.dma_semaphore, #tpu.memory_space<semaphore_mem>>)
      %mul3A_669 = arith.constant 10 : i32
      %mul3A_670 = arith.muli %scan3A_246, %mul3A_669 : i32
      %add3A_671 = arith.constant 4 : i32
      %add3A_672 = arith.addi %mul3A_670, %add3A_671 : i32
      %jit3A_673 = arith.constant 2 : i32
      %div3A_674 = arith.divsi %add3A_672, %jit3A_673 : i32
      %sign3A_675 = arith.constant 0 : i32
      %sign3A_676 = arith.cmpi sgt, %add3A_672, %sign3A_675 : i32
      %sign3A_677 = arith.extui %sign3A_676 : i1 to i32
      %sign3A_678 = arith.constant 0 : i32
      %sign3A_679 = arith.cmpi slt, %add3A_672, %sign3A_678 : i32
      %sign3A_680 = arith.extui %sign3A_679 : i1 to i32
      %sign3A_681 = arith.subi %sign3A_677, %sign3A_680 : i32
      %sign3A_682 = arith.constant 0 : i32
      %sign3A_683 = arith.cmpi sgt, %jit3A_673, %sign3A_682 : i32
      %sign3A_684 = arith.extui %sign3A_683 : i1 to i32
      %sign3A_685 = arith.constant 0 : i32
      %sign3A_686 = arith.cmpi slt, %jit3A_673, %sign3A_685 : i32
      %sign3A_687 = arith.extui %sign3A_686 : i1 to i32
      %sign3A_688 = arith.subi %sign3A_684, %sign3A_687 : i32
      %ne3A_689 = arith.cmpi ne, %sign3A_681, %sign3A_688 : i32
      %rem3A_690 = arith.remsi %add3A_672, %jit3A_673 : i32
      %ne3A_691 = arith.constant 0 : i32
      %ne3A_692 = arith.cmpi ne, %rem3A_690, %ne3A_691 : i32
      %and3A_693 = arith.andi %ne3A_689, %ne3A_692 : i1
      %sub3A_694 = arith.constant 1 : i32
      %sub3A_695 = arith.subi %div3A_674, %sub3A_694 : i32
      %select_n3A_696 = arith.select %and3A_693, %sub3A_695, %div3A_674 : i32
      %jit3A_697 = arith.constant 2 : i32
      %eq3A_698 = arith.constant 0 : i32
      %eq3A_699 = arith.cmpi eq, %jit3A_697, %eq3A_698 : i32
      %jit3A_700 = arith.constant 1 : i32
      %select_n3A_701 = arith.select %eq3A_699, %jit3A_700, %jit3A_697 : i32
      %rem3A_702 = arith.remsi %add3A_672, %select_n3A_701 : i32
      %ne3A_703 = arith.constant 0 : i32
      %ne3A_704 = arith.cmpi ne, %rem3A_702, %ne3A_703 : i32
      %lt3A_705 = arith.constant 0 : i32
      %lt3A_706 = arith.cmpi slt, %rem3A_702, %lt3A_705 : i32
      %lt3A_707 = arith.constant 0 : i32
      %lt3A_708 = arith.cmpi slt, %select_n3A_701, %lt3A_707 : i32
      %ne3A_709 = arith.xori %lt3A_706, %lt3A_708 : i1
      %and3A_710 = arith.andi %ne3A_709, %ne3A_704 : i1
      %add3A_711 = arith.addi %rem3A_702, %select_n3A_701 : i32
      %select_n3A_712 = arith.select %and3A_710, %add3A_711, %rem3A_702 : i32
      %mul3A_713 = arith.constant 64 : i32
      %mul3A_714 = arith.muli %select_n3A_712, %mul3A_713 : i32
      %dma_wait3A_715 = arith.constant 0 : i32
      %dma_wait3A_716 = tpu.memref_slice %arg5[%select_n3A_696, %dma_wait3A_715] : memref<50x128xi32, #tpu.memory_space<vmem>> -> memref<1x128xi32, #tpu.memory_space<vmem>>
      %dma_wait3A_717 = tpu.memref_squeeze %dma_wait3A_716 : memref<1x128xi32, #tpu.memory_space<vmem>> -> memref<128xi32, #tpu.memory_space<vmem>>
      %dma_wait3A_718 = tpu.memref_slice %dma_wait3A_717[%mul3A_714] : memref<128xi32, #tpu.memory_space<vmem>> -> memref<64xi32, #tpu.memory_space<vmem>>
      %dma_wait3A_719 = arith.constant 0 : i32
      %dma_wait3A_720 = arith.constant 0 : i32
      %dma_wait3A_721 = tpu.memref_slice %arg3[%dma_wait3A_719, %dma_wait3A_720] : memref<100000x128xf32, #tpu.memory_space<hbm>> -> memref<100000x128xf32, #tpu.memory_space<hbm>>
      tpu.wait_indirect_dma semaphore(%arg20 : memref<!tpu.dma_semaphore, #tpu.memory_space<semaphore_mem>>) src(%dma_wait3A_721 : memref<100000x128xf32, #tpu.memory_space<hbm>>) dst(%arg10 : memref<64x128xf32, #tpu.memory_space<vmem>>)
      %jit3A_722 = arith.constant 2 : i32
      %div3A_723 = arith.divsi %add3A_672, %jit3A_722 : i32
      %sign3A_724 = arith.constant 0 : i32
      %sign3A_725 = arith.cmpi sgt, %add3A_672, %sign3A_724 : i32
      %sign3A_726 = arith.extui %sign3A_725 : i1 to i32
      %sign3A_727 = arith.constant 0 : i32
      %sign3A_728 = arith.cmpi slt, %add3A_672, %sign3A_727 : i32
      %sign3A_729 = arith.extui %sign3A_728 : i1 to i32
      %sign3A_730 = arith.subi %sign3A_726, %sign3A_729 : i32
      %sign3A_731 = arith.constant 0 : i32
      %sign3A_732 = arith.cmpi sgt, %jit3A_722, %sign3A_731 : i32
      %sign3A_733 = arith.extui %sign3A_732 : i1 to i32
      %sign3A_734 = arith.constant 0 : i32
      %sign3A_735 = arith.cmpi slt, %jit3A_722, %sign3A_734 : i32
      %sign3A_736 = arith.extui %sign3A_735 : i1 to i32
      %sign3A_737 = arith.subi %sign3A_733, %sign3A_736 : i32
      %ne3A_738 = arith.cmpi ne, %sign3A_730, %sign3A_737 : i32
      %rem3A_739 = arith.remsi %add3A_672, %jit3A_722 : i32
      %ne3A_740 = arith.constant 0 : i32
      %ne3A_741 = arith.cmpi ne, %rem3A_739, %ne3A_740 : i32
      %and3A_742 = arith.andi %ne3A_738, %ne3A_741 : i1
      %sub3A_743 = arith.constant 1 : i32
      %sub3A_744 = arith.subi %div3A_723, %sub3A_743 : i32
      %select_n3A_745 = arith.select %and3A_742, %sub3A_744, %div3A_723 : i32
      %jit3A_746 = arith.constant 2 : i32
      %eq3A_747 = arith.constant 0 : i32
      %eq3A_748 = arith.cmpi eq, %jit3A_746, %eq3A_747 : i32
      %jit3A_749 = arith.constant 1 : i32
      %select_n3A_750 = arith.select %eq3A_748, %jit3A_749, %jit3A_746 : i32
      %rem3A_751 = arith.remsi %add3A_672, %select_n3A_750 : i32
      %ne3A_752 = arith.constant 0 : i32
      %ne3A_753 = arith.cmpi ne, %rem3A_751, %ne3A_752 : i32
      %lt3A_754 = arith.constant 0 : i32
      %lt3A_755 = arith.cmpi slt, %rem3A_751, %lt3A_754 : i32
      %lt3A_756 = arith.constant 0 : i32
      %lt3A_757 = arith.cmpi slt, %select_n3A_750, %lt3A_756 : i32
      %ne3A_758 = arith.xori %lt3A_755, %lt3A_757 : i1
      %and3A_759 = arith.andi %ne3A_758, %ne3A_753 : i1
      %add3A_760 = arith.addi %rem3A_751, %select_n3A_750 : i32
      %select_n3A_761 = arith.select %and3A_759, %add3A_760, %rem3A_751 : i32
      %mul3A_762 = arith.constant 64 : i32
      %mul3A_763 = arith.muli %select_n3A_761, %mul3A_762 : i32
      %add3A_764 = arith.addi %mul3A_2, %mul3A_763 : i32
      %dma_start3A_765 = arith.constant 0 : i32
      %dma_start3A_766 = arith.constant 0 : i32
      %dma_start3A_767 = tpu.memref_slice %arg4[%select_n3A_745, %dma_start3A_765, %dma_start3A_766] : memref<50x4096x128xf32, #tpu.memory_space<hbm>> -> memref<1x4096x128xf32, #tpu.memory_space<hbm>>
      %dma_start3A_768 = tpu.memref_squeeze %dma_start3A_767 : memref<1x4096x128xf32, #tpu.memory_space<hbm>> -> memref<4096x128xf32, #tpu.memory_space<hbm>>
      %dma_start3A_769 = arith.constant 0 : i32
      %dma_start3A_770 = tpu.memref_slice %dma_start3A_768[%add3A_764, %dma_start3A_769] : memref<4096x128xf32, #tpu.memory_space<hbm>> -> memref<64x128xf32, #tpu.memory_space<hbm>>
      %dma_start3A_771 = arith.constant 0 : i32
      %dma_start3A_772 = arith.constant 0 : i32
      %dma_start3A_773 = tpu.memref_slice %arg4[%select_n3A_745, %dma_start3A_771, %dma_start3A_772] : memref<50x4096x128xf32, #tpu.memory_space<hbm>> -> memref<1x4096x128xf32, #tpu.memory_space<hbm>>
      %dma_start3A_774 = tpu.memref_squeeze %dma_start3A_773 : memref<1x4096x128xf32, #tpu.memory_space<hbm>> -> memref<4096x128xf32, #tpu.memory_space<hbm>>
      %dma_start3A_775 = arith.constant 0 : i32
      %dma_start3A_776 = tpu.memref_slice %dma_start3A_774[%add3A_764, %dma_start3A_775] : memref<4096x128xf32, #tpu.memory_space<hbm>> -> memref<64x128xf32, #tpu.memory_space<hbm>>
      tpu.enqueue_dma source(%arg10 : memref<64x128xf32, #tpu.memory_space<vmem>>) target(%dma_start3A_776 : memref<64x128xf32, #tpu.memory_space<hbm>>) target_semaphore(%arg30 : memref<!tpu.dma_semaphore, #tpu.memory_space<semaphore_mem>>)
      %mul3A_777 = arith.constant 10 : i32
      %mul3A_778 = arith.muli %scan3A_246, %mul3A_777 : i32
      %add3A_779 = arith.constant 5 : i32
      %add3A_780 = arith.addi %mul3A_778, %add3A_779 : i32
      %jit3A_781 = arith.constant 2 : i32
      %div3A_782 = arith.divsi %add3A_780, %jit3A_781 : i32
      %sign3A_783 = arith.constant 0 : i32
      %sign3A_784 = arith.cmpi sgt, %add3A_780, %sign3A_783 : i32
      %sign3A_785 = arith.extui %sign3A_784 : i1 to i32
      %sign3A_786 = arith.constant 0 : i32
      %sign3A_787 = arith.cmpi slt, %add3A_780, %sign3A_786 : i32
      %sign3A_788 = arith.extui %sign3A_787 : i1 to i32
      %sign3A_789 = arith.subi %sign3A_785, %sign3A_788 : i32
      %sign3A_790 = arith.constant 0 : i32
      %sign3A_791 = arith.cmpi sgt, %jit3A_781, %sign3A_790 : i32
      %sign3A_792 = arith.extui %sign3A_791 : i1 to i32
      %sign3A_793 = arith.constant 0 : i32
      %sign3A_794 = arith.cmpi slt, %jit3A_781, %sign3A_793 : i32
      %sign3A_795 = arith.extui %sign3A_794 : i1 to i32
      %sign3A_796 = arith.subi %sign3A_792, %sign3A_795 : i32
      %ne3A_797 = arith.cmpi ne, %sign3A_789, %sign3A_796 : i32
      %rem3A_798 = arith.remsi %add3A_780, %jit3A_781 : i32
      %ne3A_799 = arith.constant 0 : i32
      %ne3A_800 = arith.cmpi ne, %rem3A_798, %ne3A_799 : i32
      %and3A_801 = arith.andi %ne3A_797, %ne3A_800 : i1
      %sub3A_802 = arith.constant 1 : i32
      %sub3A_803 = arith.subi %div3A_782, %sub3A_802 : i32
      %select_n3A_804 = arith.select %and3A_801, %sub3A_803, %div3A_782 : i32
      %jit3A_805 = arith.constant 2 : i32
      %eq3A_806 = arith.constant 0 : i32
      %eq3A_807 = arith.cmpi eq, %jit3A_805, %eq3A_806 : i32
      %jit3A_808 = arith.constant 1 : i32
      %select_n3A_809 = arith.select %eq3A_807, %jit3A_808, %jit3A_805 : i32
      %rem3A_810 = arith.remsi %add3A_780, %select_n3A_809 : i32
      %ne3A_811 = arith.constant 0 : i32
      %ne3A_812 = arith.cmpi ne, %rem3A_810, %ne3A_811 : i32
      %lt3A_813 = arith.constant 0 : i32
      %lt3A_814 = arith.cmpi slt, %rem3A_810, %lt3A_813 : i32
      %lt3A_815 = arith.constant 0 : i32
      %lt3A_816 = arith.cmpi slt, %select_n3A_809, %lt3A_815 : i32
      %ne3A_817 = arith.xori %lt3A_814, %lt3A_816 : i1
      %and3A_818 = arith.andi %ne3A_817, %ne3A_812 : i1
      %add3A_819 = arith.addi %rem3A_810, %select_n3A_809 : i32
      %select_n3A_820 = arith.select %and3A_818, %add3A_819, %rem3A_810 : i32
      %mul3A_821 = arith.constant 64 : i32
      %mul3A_822 = arith.muli %select_n3A_820, %mul3A_821 : i32
      %dma_wait3A_823 = arith.constant 0 : i32
      %dma_wait3A_824 = tpu.memref_slice %arg5[%select_n3A_804, %dma_wait3A_823] : memref<50x128xi32, #tpu.memory_space<vmem>> -> memref<1x128xi32, #tpu.memory_space<vmem>>
      %dma_wait3A_825 = tpu.memref_squeeze %dma_wait3A_824 : memref<1x128xi32, #tpu.memory_space<vmem>> -> memref<128xi32, #tpu.memory_space<vmem>>
      %dma_wait3A_826 = tpu.memref_slice %dma_wait3A_825[%mul3A_822] : memref<128xi32, #tpu.memory_space<vmem>> -> memref<64xi32, #tpu.memory_space<vmem>>
      %dma_wait3A_827 = arith.constant 0 : i32
      %dma_wait3A_828 = arith.constant 0 : i32
      %dma_wait3A_829 = tpu.memref_slice %arg3[%dma_wait3A_827, %dma_wait3A_828] : memref<100000x128xf32, #tpu.memory_space<hbm>> -> memref<100000x128xf32, #tpu.memory_space<hbm>>
      tpu.wait_indirect_dma semaphore(%arg21 : memref<!tpu.dma_semaphore, #tpu.memory_space<semaphore_mem>>) src(%dma_wait3A_829 : memref<100000x128xf32, #tpu.memory_space<hbm>>) dst(%arg11 : memref<64x128xf32, #tpu.memory_space<vmem>>)
      %jit3A_830 = arith.constant 2 : i32
      %div3A_831 = arith.divsi %add3A_780, %jit3A_830 : i32
      %sign3A_832 = arith.constant 0 : i32
      %sign3A_833 = arith.cmpi sgt, %add3A_780, %sign3A_832 : i32
      %sign3A_834 = arith.extui %sign3A_833 : i1 to i32
      %sign3A_835 = arith.constant 0 : i32
      %sign3A_836 = arith.cmpi slt, %add3A_780, %sign3A_835 : i32
      %sign3A_837 = arith.extui %sign3A_836 : i1 to i32
      %sign3A_838 = arith.subi %sign3A_834, %sign3A_837 : i32
      %sign3A_839 = arith.constant 0 : i32
      %sign3A_840 = arith.cmpi sgt, %jit3A_830, %sign3A_839 : i32
      %sign3A_841 = arith.extui %sign3A_840 : i1 to i32
      %sign3A_842 = arith.constant 0 : i32
      %sign3A_843 = arith.cmpi slt, %jit3A_830, %sign3A_842 : i32
      %sign3A_844 = arith.extui %sign3A_843 : i1 to i32
      %sign3A_845 = arith.subi %sign3A_841, %sign3A_844 : i32
      %ne3A_846 = arith.cmpi ne, %sign3A_838, %sign3A_845 : i32
      %rem3A_847 = arith.remsi %add3A_780, %jit3A_830 : i32
      %ne3A_848 = arith.constant 0 : i32
      %ne3A_849 = arith.cmpi ne, %rem3A_847, %ne3A_848 : i32
      %and3A_850 = arith.andi %ne3A_846, %ne3A_849 : i1
      %sub3A_851 = arith.constant 1 : i32
      %sub3A_852 = arith.subi %div3A_831, %sub3A_851 : i32
      %select_n3A_853 = arith.select %and3A_850, %sub3A_852, %div3A_831 : i32
      %jit3A_854 = arith.constant 2 : i32
      %eq3A_855 = arith.constant 0 : i32
      %eq3A_856 = arith.cmpi eq, %jit3A_854, %eq3A_855 : i32
      %jit3A_857 = arith.constant 1 : i32
      %select_n3A_858 = arith.select %eq3A_856, %jit3A_857, %jit3A_854 : i32
      %rem3A_859 = arith.remsi %add3A_780, %select_n3A_858 : i32
      %ne3A_860 = arith.constant 0 : i32
      %ne3A_861 = arith.cmpi ne, %rem3A_859, %ne3A_860 : i32
      %lt3A_862 = arith.constant 0 : i32
      %lt3A_863 = arith.cmpi slt, %rem3A_859, %lt3A_862 : i32
      %lt3A_864 = arith.constant 0 : i32
      %lt3A_865 = arith.cmpi slt, %select_n3A_858, %lt3A_864 : i32
      %ne3A_866 = arith.xori %lt3A_863, %lt3A_865 : i1
      %and3A_867 = arith.andi %ne3A_866, %ne3A_861 : i1
      %add3A_868 = arith.addi %rem3A_859, %select_n3A_858 : i32
      %select_n3A_869 = arith.select %and3A_867, %add3A_868, %rem3A_859 : i32
      %mul3A_870 = arith.constant 64 : i32
      %mul3A_871 = arith.muli %select_n3A_869, %mul3A_870 : i32
      %add3A_872 = arith.addi %mul3A_2, %mul3A_871 : i32
      %dma_start3A_873 = arith.constant 0 : i32
      %dma_start3A_874 = arith.constant 0 : i32
      %dma_start3A_875 = tpu.memref_slice %arg4[%select_n3A_853, %dma_start3A_873, %dma_start3A_874] : memref<50x4096x128xf32, #tpu.memory_space<hbm>> -> memref<1x4096x128xf32, #tpu.memory_space<hbm>>
      %dma_start3A_876 = tpu.memref_squeeze %dma_start3A_875 : memref<1x4096x128xf32, #tpu.memory_space<hbm>> -> memref<4096x128xf32, #tpu.memory_space<hbm>>
      %dma_start3A_877 = arith.constant 0 : i32
      %dma_start3A_878 = tpu.memref_slice %dma_start3A_876[%add3A_872, %dma_start3A_877] : memref<4096x128xf32, #tpu.memory_space<hbm>> -> memref<64x128xf32, #tpu.memory_space<hbm>>
      %dma_start3A_879 = arith.constant 0 : i32
      %dma_start3A_880 = arith.constant 0 : i32
      %dma_start3A_881 = tpu.memref_slice %arg4[%select_n3A_853, %dma_start3A_879, %dma_start3A_880] : memref<50x4096x128xf32, #tpu.memory_space<hbm>> -> memref<1x4096x128xf32, #tpu.memory_space<hbm>>
      %dma_start3A_882 = tpu.memref_squeeze %dma_start3A_881 : memref<1x4096x128xf32, #tpu.memory_space<hbm>> -> memref<4096x128xf32, #tpu.memory_space<hbm>>
      %dma_start3A_883 = arith.constant 0 : i32
      %dma_start3A_884 = tpu.memref_slice %dma_start3A_882[%add3A_872, %dma_start3A_883] : memref<4096x128xf32, #tpu.memory_space<hbm>> -> memref<64x128xf32, #tpu.memory_space<hbm>>
      tpu.enqueue_dma source(%arg11 : memref<64x128xf32, #tpu.memory_space<vmem>>) target(%dma_start3A_884 : memref<64x128xf32, #tpu.memory_space<hbm>>) target_semaphore(%arg31 : memref<!tpu.dma_semaphore, #tpu.memory_space<semaphore_mem>>)
      %mul3A_885 = arith.constant 10 : i32
      %mul3A_886 = arith.muli %scan3A_246, %mul3A_885 : i32
      %add3A_887 = arith.constant 6 : i32
      %add3A_888 = arith.addi %mul3A_886, %add3A_887 : i32
      %jit3A_889 = arith.constant 2 : i32
      %div3A_890 = arith.divsi %add3A_888, %jit3A_889 : i32
      %sign3A_891 = arith.constant 0 : i32
      %sign3A_892 = arith.cmpi sgt, %add3A_888, %sign3A_891 : i32
      %sign3A_893 = arith.extui %sign3A_892 : i1 to i32
      %sign3A_894 = arith.constant 0 : i32
      %sign3A_895 = arith.cmpi slt, %add3A_888, %sign3A_894 : i32
      %sign3A_896 = arith.extui %sign3A_895 : i1 to i32
      %sign3A_897 = arith.subi %sign3A_893, %sign3A_896 : i32
      %sign3A_898 = arith.constant 0 : i32
      %sign3A_899 = arith.cmpi sgt, %jit3A_889, %sign3A_898 : i32
      %sign3A_900 = arith.extui %sign3A_899 : i1 to i32
      %sign3A_901 = arith.constant 0 : i32
      %sign3A_902 = arith.cmpi slt, %jit3A_889, %sign3A_901 : i32
      %sign3A_903 = arith.extui %sign3A_902 : i1 to i32
      %sign3A_904 = arith.subi %sign3A_900, %sign3A_903 : i32
      %ne3A_905 = arith.cmpi ne, %sign3A_897, %sign3A_904 : i32
      %rem3A_906 = arith.remsi %add3A_888, %jit3A_889 : i32
      %ne3A_907 = arith.constant 0 : i32
      %ne3A_908 = arith.cmpi ne, %rem3A_906, %ne3A_907 : i32
      %and3A_909 = arith.andi %ne3A_905, %ne3A_908 : i1
      %sub3A_910 = arith.constant 1 : i32
      %sub3A_911 = arith.subi %div3A_890, %sub3A_910 : i32
      %select_n3A_912 = arith.select %and3A_909, %sub3A_911, %div3A_890 : i32
      %jit3A_913 = arith.constant 2 : i32
      %eq3A_914 = arith.constant 0 : i32
      %eq3A_915 = arith.cmpi eq, %jit3A_913, %eq3A_914 : i32
      %jit3A_916 = arith.constant 1 : i32
      %select_n3A_917 = arith.select %eq3A_915, %jit3A_916, %jit3A_913 : i32
      %rem3A_918 = arith.remsi %add3A_888, %select_n3A_917 : i32
      %ne3A_919 = arith.constant 0 : i32
      %ne3A_920 = arith.cmpi ne, %rem3A_918, %ne3A_919 : i32
      %lt3A_921 = arith.constant 0 : i32
      %lt3A_922 = arith.cmpi slt, %rem3A_918, %lt3A_921 : i32
      %lt3A_923 = arith.constant 0 : i32
      %lt3A_924 = arith.cmpi slt, %select_n3A_917, %lt3A_923 : i32
      %ne3A_925 = arith.xori %lt3A_922, %lt3A_924 : i1
      %and3A_926 = arith.andi %ne3A_925, %ne3A_920 : i1
      %add3A_927 = arith.addi %rem3A_918, %select_n3A_917 : i32
      %select_n3A_928 = arith.select %and3A_926, %add3A_927, %rem3A_918 : i32
      %mul3A_929 = arith.constant 64 : i32
      %mul3A_930 = arith.muli %select_n3A_928, %mul3A_929 : i32
      %dma_wait3A_931 = arith.constant 0 : i32
      %dma_wait3A_932 = tpu.memref_slice %arg5[%select_n3A_912, %dma_wait3A_931] : memref<50x128xi32, #tpu.memory_space<vmem>> -> memref<1x128xi32, #tpu.memory_space<vmem>>
      %dma_wait3A_933 = tpu.memref_squeeze %dma_wait3A_932 : memref<1x128xi32, #tpu.memory_space<vmem>> -> memref<128xi32, #tpu.memory_space<vmem>>
      %dma_wait3A_934 = tpu.memref_slice %dma_wait3A_933[%mul3A_930] : memref<128xi32, #tpu.memory_space<vmem>> -> memref<64xi32, #tpu.memory_space<vmem>>
      %dma_wait3A_935 = arith.constant 0 : i32
      %dma_wait3A_936 = arith.constant 0 : i32
      %dma_wait3A_937 = tpu.memref_slice %arg3[%dma_wait3A_935, %dma_wait3A_936] : memref<100000x128xf32, #tpu.memory_space<hbm>> -> memref<100000x128xf32, #tpu.memory_space<hbm>>
      tpu.wait_indirect_dma semaphore(%arg22 : memref<!tpu.dma_semaphore, #tpu.memory_space<semaphore_mem>>) src(%dma_wait3A_937 : memref<100000x128xf32, #tpu.memory_space<hbm>>) dst(%arg12 : memref<64x128xf32, #tpu.memory_space<vmem>>)
      %jit3A_938 = arith.constant 2 : i32
      %div3A_939 = arith.divsi %add3A_888, %jit3A_938 : i32
      %sign3A_940 = arith.constant 0 : i32
      %sign3A_941 = arith.cmpi sgt, %add3A_888, %sign3A_940 : i32
      %sign3A_942 = arith.extui %sign3A_941 : i1 to i32
      %sign3A_943 = arith.constant 0 : i32
      %sign3A_944 = arith.cmpi slt, %add3A_888, %sign3A_943 : i32
      %sign3A_945 = arith.extui %sign3A_944 : i1 to i32
      %sign3A_946 = arith.subi %sign3A_942, %sign3A_945 : i32
      %sign3A_947 = arith.constant 0 : i32
      %sign3A_948 = arith.cmpi sgt, %jit3A_938, %sign3A_947 : i32
      %sign3A_949 = arith.extui %sign3A_948 : i1 to i32
      %sign3A_950 = arith.constant 0 : i32
      %sign3A_951 = arith.cmpi slt, %jit3A_938, %sign3A_950 : i32
      %sign3A_952 = arith.extui %sign3A_951 : i1 to i32
      %sign3A_953 = arith.subi %sign3A_949, %sign3A_952 : i32
      %ne3A_954 = arith.cmpi ne, %sign3A_946, %sign3A_953 : i32
      %rem3A_955 = arith.remsi %add3A_888, %jit3A_938 : i32
      %ne3A_956 = arith.constant 0 : i32
      %ne3A_957 = arith.cmpi ne, %rem3A_955, %ne3A_956 : i32
      %and3A_958 = arith.andi %ne3A_954, %ne3A_957 : i1
      %sub3A_959 = arith.constant 1 : i32
      %sub3A_960 = arith.subi %div3A_939, %sub3A_959 : i32
      %select_n3A_961 = arith.select %and3A_958, %sub3A_960, %div3A_939 : i32
      %jit3A_962 = arith.constant 2 : i32
      %eq3A_963 = arith.constant 0 : i32
      %eq3A_964 = arith.cmpi eq, %jit3A_962, %eq3A_963 : i32
      %jit3A_965 = arith.constant 1 : i32
      %select_n3A_966 = arith.select %eq3A_964, %jit3A_965, %jit3A_962 : i32
      %rem3A_967 = arith.remsi %add3A_888, %select_n3A_966 : i32
      %ne3A_968 = arith.constant 0 : i32
      %ne3A_969 = arith.cmpi ne, %rem3A_967, %ne3A_968 : i32
      %lt3A_970 = arith.constant 0 : i32
      %lt3A_971 = arith.cmpi slt, %rem3A_967, %lt3A_970 : i32
      %lt3A_972 = arith.constant 0 : i32
      %lt3A_973 = arith.cmpi slt, %select_n3A_966, %lt3A_972 : i32
      %ne3A_974 = arith.xori %lt3A_971, %lt3A_973 : i1
      %and3A_975 = arith.andi %ne3A_974, %ne3A_969 : i1
      %add3A_976 = arith.addi %rem3A_967, %select_n3A_966 : i32
      %select_n3A_977 = arith.select %and3A_975, %add3A_976, %rem3A_967 : i32
      %mul3A_978 = arith.constant 64 : i32
      %mul3A_979 = arith.muli %select_n3A_977, %mul3A_978 : i32
      %add3A_980 = arith.addi %mul3A_2, %mul3A_979 : i32
      %dma_start3A_981 = arith.constant 0 : i32
      %dma_start3A_982 = arith.constant 0 : i32
      %dma_start3A_983 = tpu.memref_slice %arg4[%select_n3A_961, %dma_start3A_981, %dma_start3A_982] : memref<50x4096x128xf32, #tpu.memory_space<hbm>> -> memref<1x4096x128xf32, #tpu.memory_space<hbm>>
      %dma_start3A_984 = tpu.memref_squeeze %dma_start3A_983 : memref<1x4096x128xf32, #tpu.memory_space<hbm>> -> memref<4096x128xf32, #tpu.memory_space<hbm>>
      %dma_start3A_985 = arith.constant 0 : i32
      %dma_start3A_986 = tpu.memref_slice %dma_start3A_984[%add3A_980, %dma_start3A_985] : memref<4096x128xf32, #tpu.memory_space<hbm>> -> memref<64x128xf32, #tpu.memory_space<hbm>>
      %dma_start3A_987 = arith.constant 0 : i32
      %dma_start3A_988 = arith.constant 0 : i32
      %dma_start3A_989 = tpu.memref_slice %arg4[%select_n3A_961, %dma_start3A_987, %dma_start3A_988] : memref<50x4096x128xf32, #tpu.memory_space<hbm>> -> memref<1x4096x128xf32, #tpu.memory_space<hbm>>
      %dma_start3A_990 = tpu.memref_squeeze %dma_start3A_989 : memref<1x4096x128xf32, #tpu.memory_space<hbm>> -> memref<4096x128xf32, #tpu.memory_space<hbm>>
      %dma_start3A_991 = arith.constant 0 : i32
      %dma_start3A_992 = tpu.memref_slice %dma_start3A_990[%add3A_980, %dma_start3A_991] : memref<4096x128xf32, #tpu.memory_space<hbm>> -> memref<64x128xf32, #tpu.memory_space<hbm>>
      tpu.enqueue_dma source(%arg12 : memref<64x128xf32, #tpu.memory_space<vmem>>) target(%dma_start3A_992 : memref<64x128xf32, #tpu.memory_space<hbm>>) target_semaphore(%arg32 : memref<!tpu.dma_semaphore, #tpu.memory_space<semaphore_mem>>)
      %mul3A_993 = arith.constant 10 : i32
      %mul3A_994 = arith.muli %scan3A_246, %mul3A_993 : i32
      %add3A_995 = arith.constant 7 : i32
      %add3A_996 = arith.addi %mul3A_994, %add3A_995 : i32
      %jit3A_997 = arith.constant 2 : i32
      %div3A_998 = arith.divsi %add3A_996, %jit3A_997 : i32
      %sign3A_999 = arith.constant 0 : i32
      %sign3A_1000 = arith.cmpi sgt, %add3A_996, %sign3A_999 : i32
      %sign3A_1001 = arith.extui %sign3A_1000 : i1 to i32
      %sign3A_1002 = arith.constant 0 : i32
      %sign3A_1003 = arith.cmpi slt, %add3A_996, %sign3A_1002 : i32
      %sign3A_1004 = arith.extui %sign3A_1003 : i1 to i32
      %sign3A_1005 = arith.subi %sign3A_1001, %sign3A_1004 : i32
      %sign3A_1006 = arith.constant 0 : i32
      %sign3A_1007 = arith.cmpi sgt, %jit3A_997, %sign3A_1006 : i32
      %sign3A_1008 = arith.extui %sign3A_1007 : i1 to i32
      %sign3A_1009 = arith.constant 0 : i32
      %sign3A_1010 = arith.cmpi slt, %jit3A_997, %sign3A_1009 : i32
      %sign3A_1011 = arith.extui %sign3A_1010 : i1 to i32
      %sign3A_1012 = arith.subi %sign3A_1008, %sign3A_1011 : i32
      %ne3A_1013 = arith.cmpi ne, %sign3A_1005, %sign3A_1012 : i32
      %rem3A_1014 = arith.remsi %add3A_996, %jit3A_997 : i32
      %ne3A_1015 = arith.constant 0 : i32
      %ne3A_1016 = arith.cmpi ne, %rem3A_1014, %ne3A_1015 : i32
      %and3A_1017 = arith.andi %ne3A_1013, %ne3A_1016 : i1
      %sub3A_1018 = arith.constant 1 : i32
      %sub3A_1019 = arith.subi %div3A_998, %sub3A_1018 : i32
      %select_n3A_1020 = arith.select %and3A_1017, %sub3A_1019, %div3A_998 : i32
      %jit3A_1021 = arith.constant 2 : i32
      %eq3A_1022 = arith.constant 0 : i32
      %eq3A_1023 = arith.cmpi eq, %jit3A_1021, %eq3A_1022 : i32
      %jit3A_1024 = arith.constant 1 : i32
      %select_n3A_1025 = arith.select %eq3A_1023, %jit3A_1024, %jit3A_1021 : i32
      %rem3A_1026 = arith.remsi %add3A_996, %select_n3A_1025 : i32
      %ne3A_1027 = arith.constant 0 : i32
      %ne3A_1028 = arith.cmpi ne, %rem3A_1026, %ne3A_1027 : i32
      %lt3A_1029 = arith.constant 0 : i32
      %lt3A_1030 = arith.cmpi slt, %rem3A_1026, %lt3A_1029 : i32
      %lt3A_1031 = arith.constant 0 : i32
      %lt3A_1032 = arith.cmpi slt, %select_n3A_1025, %lt3A_1031 : i32
      %ne3A_1033 = arith.xori %lt3A_1030, %lt3A_1032 : i1
      %and3A_1034 = arith.andi %ne3A_1033, %ne3A_1028 : i1
      %add3A_1035 = arith.addi %rem3A_1026, %select_n3A_1025 : i32
      %select_n3A_1036 = arith.select %and3A_1034, %add3A_1035, %rem3A_1026 : i32
      %mul3A_1037 = arith.constant 64 : i32
      %mul3A_1038 = arith.muli %select_n3A_1036, %mul3A_1037 : i32
      %dma_wait3A_1039 = arith.constant 0 : i32
      %dma_wait3A_1040 = tpu.memref_slice %arg5[%select_n3A_1020, %dma_wait3A_1039] : memref<50x128xi32, #tpu.memory_space<vmem>> -> memref<1x128xi32, #tpu.memory_space<vmem>>
      %dma_wait3A_1041 = tpu.memref_squeeze %dma_wait3A_1040 : memref<1x128xi32, #tpu.memory_space<vmem>> -> memref<128xi32, #tpu.memory_space<vmem>>
      %dma_wait3A_1042 = tpu.memref_slice %dma_wait3A_1041[%mul3A_1038] : memref<128xi32, #tpu.memory_space<vmem>> -> memref<64xi32, #tpu.memory_space<vmem>>
      %dma_wait3A_1043 = arith.constant 0 : i32
      %dma_wait3A_1044 = arith.constant 0 : i32
      %dma_wait3A_1045 = tpu.memref_slice %arg3[%dma_wait3A_1043, %dma_wait3A_1044] : memref<100000x128xf32, #tpu.memory_space<hbm>> -> memref<100000x128xf32, #tpu.memory_space<hbm>>
      tpu.wait_indirect_dma semaphore(%arg23 : memref<!tpu.dma_semaphore, #tpu.memory_space<semaphore_mem>>) src(%dma_wait3A_1045 : memref<100000x128xf32, #tpu.memory_space<hbm>>) dst(%arg13 : memref<64x128xf32, #tpu.memory_space<vmem>>)
      %jit3A_1046 = arith.constant 2 : i32
      %div3A_1047 = arith.divsi %add3A_996, %jit3A_1046 : i32
      %sign3A_1048 = arith.constant 0 : i32
      %sign3A_1049 = arith.cmpi sgt, %add3A_996, %sign3A_1048 : i32
      %sign3A_1050 = arith.extui %sign3A_1049 : i1 to i32
      %sign3A_1051 = arith.constant 0 : i32
      %sign3A_1052 = arith.cmpi slt, %add3A_996, %sign3A_1051 : i32
      %sign3A_1053 = arith.extui %sign3A_1052 : i1 to i32
      %sign3A_1054 = arith.subi %sign3A_1050, %sign3A_1053 : i32
      %sign3A_1055 = arith.constant 0 : i32
      %sign3A_1056 = arith.cmpi sgt, %jit3A_1046, %sign3A_1055 : i32
      %sign3A_1057 = arith.extui %sign3A_1056 : i1 to i32
      %sign3A_1058 = arith.constant 0 : i32
      %sign3A_1059 = arith.cmpi slt, %jit3A_1046, %sign3A_1058 : i32
      %sign3A_1060 = arith.extui %sign3A_1059 : i1 to i32
      %sign3A_1061 = arith.subi %sign3A_1057, %sign3A_1060 : i32
      %ne3A_1062 = arith.cmpi ne, %sign3A_1054, %sign3A_1061 : i32
      %rem3A_1063 = arith.remsi %add3A_996, %jit3A_1046 : i32
      %ne3A_1064 = arith.constant 0 : i32
      %ne3A_1065 = arith.cmpi ne, %rem3A_1063, %ne3A_1064 : i32
      %and3A_1066 = arith.andi %ne3A_1062, %ne3A_1065 : i1
      %sub3A_1067 = arith.constant 1 : i32
      %sub3A_1068 = arith.subi %div3A_1047, %sub3A_1067 : i32
      %select_n3A_1069 = arith.select %and3A_1066, %sub3A_1068, %div3A_1047 : i32
      %jit3A_1070 = arith.constant 2 : i32
      %eq3A_1071 = arith.constant 0 : i32
      %eq3A_1072 = arith.cmpi eq, %jit3A_1070, %eq3A_1071 : i32
      %jit3A_1073 = arith.constant 1 : i32
      %select_n3A_1074 = arith.select %eq3A_1072, %jit3A_1073, %jit3A_1070 : i32
      %rem3A_1075 = arith.remsi %add3A_996, %select_n3A_1074 : i32
      %ne3A_1076 = arith.constant 0 : i32
      %ne3A_1077 = arith.cmpi ne, %rem3A_1075, %ne3A_1076 : i32
      %lt3A_1078 = arith.constant 0 : i32
      %lt3A_1079 = arith.cmpi slt, %rem3A_1075, %lt3A_1078 : i32
      %lt3A_1080 = arith.constant 0 : i32
      %lt3A_1081 = arith.cmpi slt, %select_n3A_1074, %lt3A_1080 : i32
      %ne3A_1082 = arith.xori %lt3A_1079, %lt3A_1081 : i1
      %and3A_1083 = arith.andi %ne3A_1082, %ne3A_1077 : i1
      %add3A_1084 = arith.addi %rem3A_1075, %select_n3A_1074 : i32
      %select_n3A_1085 = arith.select %and3A_1083, %add3A_1084, %rem3A_1075 : i32
      %mul3A_1086 = arith.constant 64 : i32
      %mul3A_1087 = arith.muli %select_n3A_1085, %mul3A_1086 : i32
      %add3A_1088 = arith.addi %mul3A_2, %mul3A_1087 : i32
      %dma_start3A_1089 = arith.constant 0 : i32
      %dma_start3A_1090 = arith.constant 0 : i32
      %dma_start3A_1091 = tpu.memref_slice %arg4[%select_n3A_1069, %dma_start3A_1089, %dma_start3A_1090] : memref<50x4096x128xf32, #tpu.memory_space<hbm>> -> memref<1x4096x128xf32, #tpu.memory_space<hbm>>
      %dma_start3A_1092 = tpu.memref_squeeze %dma_start3A_1091 : memref<1x4096x128xf32, #tpu.memory_space<hbm>> -> memref<4096x128xf32, #tpu.memory_space<hbm>>
      %dma_start3A_1093 = arith.constant 0 : i32
      %dma_start3A_1094 = tpu.memref_slice %dma_start3A_1092[%add3A_1088, %dma_start3A_1093] : memref<4096x128xf32, #tpu.memory_space<hbm>> -> memref<64x128xf32, #tpu.memory_space<hbm>>
      %dma_start3A_1095 = arith.constant 0 : i32
      %dma_start3A_1096 = arith.constant 0 : i32
      %dma_start3A_1097 = tpu.memref_slice %arg4[%select_n3A_1069, %dma_start3A_1095, %dma_start3A_1096] : memref<50x4096x128xf32, #tpu.memory_space<hbm>> -> memref<1x4096x128xf32, #tpu.memory_space<hbm>>
      %dma_start3A_1098 = tpu.memref_squeeze %dma_start3A_1097 : memref<1x4096x128xf32, #tpu.memory_space<hbm>> -> memref<4096x128xf32, #tpu.memory_space<hbm>>
      %dma_start3A_1099 = arith.constant 0 : i32
      %dma_start3A_1100 = tpu.memref_slice %dma_start3A_1098[%add3A_1088, %dma_start3A_1099] : memref<4096x128xf32, #tpu.memory_space<hbm>> -> memref<64x128xf32, #tpu.memory_space<hbm>>
      tpu.enqueue_dma source(%arg13 : memref<64x128xf32, #tpu.memory_space<vmem>>) target(%dma_start3A_1100 : memref<64x128xf32, #tpu.memory_space<hbm>>) target_semaphore(%arg33 : memref<!tpu.dma_semaphore, #tpu.memory_space<semaphore_mem>>)
      %mul3A_1101 = arith.constant 10 : i32
      %mul3A_1102 = arith.muli %scan3A_246, %mul3A_1101 : i32
      %add3A_1103 = arith.constant 8 : i32
      %add3A_1104 = arith.addi %mul3A_1102, %add3A_1103 : i32
      %jit3A_1105 = arith.constant 2 : i32
      %div3A_1106 = arith.divsi %add3A_1104, %jit3A_1105 : i32
      %sign3A_1107 = arith.constant 0 : i32
      %sign3A_1108 = arith.cmpi sgt, %add3A_1104, %sign3A_1107 : i32
      %sign3A_1109 = arith.extui %sign3A_1108 : i1 to i32
      %sign3A_1110 = arith.constant 0 : i32
      %sign3A_1111 = arith.cmpi slt, %add3A_1104, %sign3A_1110 : i32
      %sign3A_1112 = arith.extui %sign3A_1111 : i1 to i32
      %sign3A_1113 = arith.subi %sign3A_1109, %sign3A_1112 : i32
      %sign3A_1114 = arith.constant 0 : i32
      %sign3A_1115 = arith.cmpi sgt, %jit3A_1105, %sign3A_1114 : i32
      %sign3A_1116 = arith.extui %sign3A_1115 : i1 to i32
      %sign3A_1117 = arith.constant 0 : i32
      %sign3A_1118 = arith.cmpi slt, %jit3A_1105, %sign3A_1117 : i32
      %sign3A_1119 = arith.extui %sign3A_1118 : i1 to i32
      %sign3A_1120 = arith.subi %sign3A_1116, %sign3A_1119 : i32
      %ne3A_1121 = arith.cmpi ne, %sign3A_1113, %sign3A_1120 : i32
      %rem3A_1122 = arith.remsi %add3A_1104, %jit3A_1105 : i32
      %ne3A_1123 = arith.constant 0 : i32
      %ne3A_1124 = arith.cmpi ne, %rem3A_1122, %ne3A_1123 : i32
      %and3A_1125 = arith.andi %ne3A_1121, %ne3A_1124 : i1
      %sub3A_1126 = arith.constant 1 : i32
      %sub3A_1127 = arith.subi %div3A_1106, %sub3A_1126 : i32
      %select_n3A_1128 = arith.select %and3A_1125, %sub3A_1127, %div3A_1106 : i32
      %jit3A_1129 = arith.constant 2 : i32
      %eq3A_1130 = arith.constant 0 : i32
      %eq3A_1131 = arith.cmpi eq, %jit3A_1129, %eq3A_1130 : i32
      %jit3A_1132 = arith.constant 1 : i32
      %select_n3A_1133 = arith.select %eq3A_1131, %jit3A_1132, %jit3A_1129 : i32
      %rem3A_1134 = arith.remsi %add3A_1104, %select_n3A_1133 : i32
      %ne3A_1135 = arith.constant 0 : i32
      %ne3A_1136 = arith.cmpi ne, %rem3A_1134, %ne3A_1135 : i32
      %lt3A_1137 = arith.constant 0 : i32
      %lt3A_1138 = arith.cmpi slt, %rem3A_1134, %lt3A_1137 : i32
      %lt3A_1139 = arith.constant 0 : i32
      %lt3A_1140 = arith.cmpi slt, %select_n3A_1133, %lt3A_1139 : i32
      %ne3A_1141 = arith.xori %lt3A_1138, %lt3A_1140 : i1
      %and3A_1142 = arith.andi %ne3A_1141, %ne3A_1136 : i1
      %add3A_1143 = arith.addi %rem3A_1134, %select_n3A_1133 : i32
      %select_n3A_1144 = arith.select %and3A_1142, %add3A_1143, %rem3A_1134 : i32
      %mul3A_1145 = arith.constant 64 : i32
      %mul3A_1146 = arith.muli %select_n3A_1144, %mul3A_1145 : i32
      %dma_wait3A_1147 = arith.constant 0 : i32
      %dma_wait3A_1148 = tpu.memref_slice %arg5[%select_n3A_1128, %dma_wait3A_1147] : memref<50x128xi32, #tpu.memory_space<vmem>> -> memref<1x128xi32, #tpu.memory_space<vmem>>
      %dma_wait3A_1149 = tpu.memref_squeeze %dma_wait3A_1148 : memref<1x128xi32, #tpu.memory_space<vmem>> -> memref<128xi32, #tpu.memory_space<vmem>>
      %dma_wait3A_1150 = tpu.memref_slice %dma_wait3A_1149[%mul3A_1146] : memref<128xi32, #tpu.memory_space<vmem>> -> memref<64xi32, #tpu.memory_space<vmem>>
      %dma_wait3A_1151 = arith.constant 0 : i32
      %dma_wait3A_1152 = arith.constant 0 : i32
      %dma_wait3A_1153 = tpu.memref_slice %arg3[%dma_wait3A_1151, %dma_wait3A_1152] : memref<100000x128xf32, #tpu.memory_space<hbm>> -> memref<100000x128xf32, #tpu.memory_space<hbm>>
      tpu.wait_indirect_dma semaphore(%arg24 : memref<!tpu.dma_semaphore, #tpu.memory_space<semaphore_mem>>) src(%dma_wait3A_1153 : memref<100000x128xf32, #tpu.memory_space<hbm>>) dst(%arg14 : memref<64x128xf32, #tpu.memory_space<vmem>>)
      %jit3A_1154 = arith.constant 2 : i32
      %div3A_1155 = arith.divsi %add3A_1104, %jit3A_1154 : i32
      %sign3A_1156 = arith.constant 0 : i32
      %sign3A_1157 = arith.cmpi sgt, %add3A_1104, %sign3A_1156 : i32
      %sign3A_1158 = arith.extui %sign3A_1157 : i1 to i32
      %sign3A_1159 = arith.constant 0 : i32
      %sign3A_1160 = arith.cmpi slt, %add3A_1104, %sign3A_1159 : i32
      %sign3A_1161 = arith.extui %sign3A_1160 : i1 to i32
      %sign3A_1162 = arith.subi %sign3A_1158, %sign3A_1161 : i32
      %sign3A_1163 = arith.constant 0 : i32
      %sign3A_1164 = arith.cmpi sgt, %jit3A_1154, %sign3A_1163 : i32
      %sign3A_1165 = arith.extui %sign3A_1164 : i1 to i32
      %sign3A_1166 = arith.constant 0 : i32
      %sign3A_1167 = arith.cmpi slt, %jit3A_1154, %sign3A_1166 : i32
      %sign3A_1168 = arith.extui %sign3A_1167 : i1 to i32
      %sign3A_1169 = arith.subi %sign3A_1165, %sign3A_1168 : i32
      %ne3A_1170 = arith.cmpi ne, %sign3A_1162, %sign3A_1169 : i32
      %rem3A_1171 = arith.remsi %add3A_1104, %jit3A_1154 : i32
      %ne3A_1172 = arith.constant 0 : i32
      %ne3A_1173 = arith.cmpi ne, %rem3A_1171, %ne3A_1172 : i32
      %and3A_1174 = arith.andi %ne3A_1170, %ne3A_1173 : i1
      %sub3A_1175 = arith.constant 1 : i32
      %sub3A_1176 = arith.subi %div3A_1155, %sub3A_1175 : i32
      %select_n3A_1177 = arith.select %and3A_1174, %sub3A_1176, %div3A_1155 : i32
      %jit3A_1178 = arith.constant 2 : i32
      %eq3A_1179 = arith.constant 0 : i32
      %eq3A_1180 = arith.cmpi eq, %jit3A_1178, %eq3A_1179 : i32
      %jit3A_1181 = arith.constant 1 : i32
      %select_n3A_1182 = arith.select %eq3A_1180, %jit3A_1181, %jit3A_1178 : i32
      %rem3A_1183 = arith.remsi %add3A_1104, %select_n3A_1182 : i32
      %ne3A_1184 = arith.constant 0 : i32
      %ne3A_1185 = arith.cmpi ne, %rem3A_1183, %ne3A_1184 : i32
      %lt3A_1186 = arith.constant 0 : i32
      %lt3A_1187 = arith.cmpi slt, %rem3A_1183, %lt3A_1186 : i32
      %lt3A_1188 = arith.constant 0 : i32
      %lt3A_1189 = arith.cmpi slt, %select_n3A_1182, %lt3A_1188 : i32
      %ne3A_1190 = arith.xori %lt3A_1187, %lt3A_1189 : i1
      %and3A_1191 = arith.andi %ne3A_1190, %ne3A_1185 : i1
      %add3A_1192 = arith.addi %rem3A_1183, %select_n3A_1182 : i32
      %select_n3A_1193 = arith.select %and3A_1191, %add3A_1192, %rem3A_1183 : i32
      %mul3A_1194 = arith.constant 64 : i32
      %mul3A_1195 = arith.muli %select_n3A_1193, %mul3A_1194 : i32
      %add3A_1196 = arith.addi %mul3A_2, %mul3A_1195 : i32
      %dma_start3A_1197 = arith.constant 0 : i32
      %dma_start3A_1198 = arith.constant 0 : i32
      %dma_start3A_1199 = tpu.memref_slice %arg4[%select_n3A_1177, %dma_start3A_1197, %dma_start3A_1198] : memref<50x4096x128xf32, #tpu.memory_space<hbm>> -> memref<1x4096x128xf32, #tpu.memory_space<hbm>>
      %dma_start3A_1200 = tpu.memref_squeeze %dma_start3A_1199 : memref<1x4096x128xf32, #tpu.memory_space<hbm>> -> memref<4096x128xf32, #tpu.memory_space<hbm>>
      %dma_start3A_1201 = arith.constant 0 : i32
      %dma_start3A_1202 = tpu.memref_slice %dma_start3A_1200[%add3A_1196, %dma_start3A_1201] : memref<4096x128xf32, #tpu.memory_space<hbm>> -> memref<64x128xf32, #tpu.memory_space<hbm>>
      %dma_start3A_1203 = arith.constant 0 : i32
      %dma_start3A_1204 = arith.constant 0 : i32
      %dma_start3A_1205 = tpu.memref_slice %arg4[%select_n3A_1177, %dma_start3A_1203, %dma_start3A_1204] : memref<50x4096x128xf32, #tpu.memory_space<hbm>> -> memref<1x4096x128xf32, #tpu.memory_space<hbm>>
      %dma_start3A_1206 = tpu.memref_squeeze %dma_start3A_1205 : memref<1x4096x128xf32, #tpu.memory_space<hbm>> -> memref<4096x128xf32, #tpu.memory_space<hbm>>
      %dma_start3A_1207 = arith.constant 0 : i32
      %dma_start3A_1208 = tpu.memref_slice %dma_start3A_1206[%add3A_1196, %dma_start3A_1207] : memref<4096x128xf32, #tpu.memory_space<hbm>> -> memref<64x128xf32, #tpu.memory_space<hbm>>
      tpu.enqueue_dma source(%arg14 : memref<64x128xf32, #tpu.memory_space<vmem>>) target(%dma_start3A_1208 : memref<64x128xf32, #tpu.memory_space<hbm>>) target_semaphore(%arg34 : memref<!tpu.dma_semaphore, #tpu.memory_space<semaphore_mem>>)
      %mul3A_1209 = arith.constant 10 : i32
      %mul3A_1210 = arith.muli %scan3A_246, %mul3A_1209 : i32
      %add3A_1211 = arith.constant 9 : i32
      %add3A_1212 = arith.addi %mul3A_1210, %add3A_1211 : i32
      %jit3A_1213 = arith.constant 2 : i32
      %div3A_1214 = arith.divsi %add3A_1212, %jit3A_1213 : i32
      %sign3A_1215 = arith.constant 0 : i32
      %sign3A_1216 = arith.cmpi sgt, %add3A_1212, %sign3A_1215 : i32
      %sign3A_1217 = arith.extui %sign3A_1216 : i1 to i32
      %sign3A_1218 = arith.constant 0 : i32
      %sign3A_1219 = arith.cmpi slt, %add3A_1212, %sign3A_1218 : i32
      %sign3A_1220 = arith.extui %sign3A_1219 : i1 to i32
      %sign3A_1221 = arith.subi %sign3A_1217, %sign3A_1220 : i32
      %sign3A_1222 = arith.constant 0 : i32
      %sign3A_1223 = arith.cmpi sgt, %jit3A_1213, %sign3A_1222 : i32
      %sign3A_1224 = arith.extui %sign3A_1223 : i1 to i32
      %sign3A_1225 = arith.constant 0 : i32
      %sign3A_1226 = arith.cmpi slt, %jit3A_1213, %sign3A_1225 : i32
      %sign3A_1227 = arith.extui %sign3A_1226 : i1 to i32
      %sign3A_1228 = arith.subi %sign3A_1224, %sign3A_1227 : i32
      %ne3A_1229 = arith.cmpi ne, %sign3A_1221, %sign3A_1228 : i32
      %rem3A_1230 = arith.remsi %add3A_1212, %jit3A_1213 : i32
      %ne3A_1231 = arith.constant 0 : i32
      %ne3A_1232 = arith.cmpi ne, %rem3A_1230, %ne3A_1231 : i32
      %and3A_1233 = arith.andi %ne3A_1229, %ne3A_1232 : i1
      %sub3A_1234 = arith.constant 1 : i32
      %sub3A_1235 = arith.subi %div3A_1214, %sub3A_1234 : i32
      %select_n3A_1236 = arith.select %and3A_1233, %sub3A_1235, %div3A_1214 : i32
      %jit3A_1237 = arith.constant 2 : i32
      %eq3A_1238 = arith.constant 0 : i32
      %eq3A_1239 = arith.cmpi eq, %jit3A_1237, %eq3A_1238 : i32
      %jit3A_1240 = arith.constant 1 : i32
      %select_n3A_1241 = arith.select %eq3A_1239, %jit3A_1240, %jit3A_1237 : i32
      %rem3A_1242 = arith.remsi %add3A_1212, %select_n3A_1241 : i32
      %ne3A_1243 = arith.constant 0 : i32
      %ne3A_1244 = arith.cmpi ne, %rem3A_1242, %ne3A_1243 : i32
      %lt3A_1245 = arith.constant 0 : i32
      %lt3A_1246 = arith.cmpi slt, %rem3A_1242, %lt3A_1245 : i32
      %lt3A_1247 = arith.constant 0 : i32
      %lt3A_1248 = arith.cmpi slt, %select_n3A_1241, %lt3A_1247 : i32
      %ne3A_1249 = arith.xori %lt3A_1246, %lt3A_1248 : i1
      %and3A_1250 = arith.andi %ne3A_1249, %ne3A_1244 : i1
      %add3A_1251 = arith.addi %rem3A_1242, %select_n3A_1241 : i32
      %select_n3A_1252 = arith.select %and3A_1250, %add3A_1251, %rem3A_1242 : i32
      %mul3A_1253 = arith.constant 64 : i32
      %mul3A_1254 = arith.muli %select_n3A_1252, %mul3A_1253 : i32
      %dma_wait3A_1255 = arith.constant 0 : i32
      %dma_wait3A_1256 = tpu.memref_slice %arg5[%select_n3A_1236, %dma_wait3A_1255] : memref<50x128xi32, #tpu.memory_space<vmem>> -> memref<1x128xi32, #tpu.memory_space<vmem>>
      %dma_wait3A_1257 = tpu.memref_squeeze %dma_wait3A_1256 : memref<1x128xi32, #tpu.memory_space<vmem>> -> memref<128xi32, #tpu.memory_space<vmem>>
      %dma_wait3A_1258 = tpu.memref_slice %dma_wait3A_1257[%mul3A_1254] : memref<128xi32, #tpu.memory_space<vmem>> -> memref<64xi32, #tpu.memory_space<vmem>>
      %dma_wait3A_1259 = arith.constant 0 : i32
      %dma_wait3A_1260 = arith.constant 0 : i32
      %dma_wait3A_1261 = tpu.memref_slice %arg3[%dma_wait3A_1259, %dma_wait3A_1260] : memref<100000x128xf32, #tpu.memory_space<hbm>> -> memref<100000x128xf32, #tpu.memory_space<hbm>>
      tpu.wait_indirect_dma semaphore(%arg25 : memref<!tpu.dma_semaphore, #tpu.memory_space<semaphore_mem>>) src(%dma_wait3A_1261 : memref<100000x128xf32, #tpu.memory_space<hbm>>) dst(%arg15 : memref<64x128xf32, #tpu.memory_space<vmem>>)
      %jit3A_1262 = arith.constant 2 : i32
      %div3A_1263 = arith.divsi %add3A_1212, %jit3A_1262 : i32
      %sign3A_1264 = arith.constant 0 : i32
      %sign3A_1265 = arith.cmpi sgt, %add3A_1212, %sign3A_1264 : i32
      %sign3A_1266 = arith.extui %sign3A_1265 : i1 to i32
      %sign3A_1267 = arith.constant 0 : i32
      %sign3A_1268 = arith.cmpi slt, %add3A_1212, %sign3A_1267 : i32
      %sign3A_1269 = arith.extui %sign3A_1268 : i1 to i32
      %sign3A_1270 = arith.subi %sign3A_1266, %sign3A_1269 : i32
      %sign3A_1271 = arith.constant 0 : i32
      %sign3A_1272 = arith.cmpi sgt, %jit3A_1262, %sign3A_1271 : i32
      %sign3A_1273 = arith.extui %sign3A_1272 : i1 to i32
      %sign3A_1274 = arith.constant 0 : i32
      %sign3A_1275 = arith.cmpi slt, %jit3A_1262, %sign3A_1274 : i32
      %sign3A_1276 = arith.extui %sign3A_1275 : i1 to i32
      %sign3A_1277 = arith.subi %sign3A_1273, %sign3A_1276 : i32
      %ne3A_1278 = arith.cmpi ne, %sign3A_1270, %sign3A_1277 : i32
      %rem3A_1279 = arith.remsi %add3A_1212, %jit3A_1262 : i32
      %ne3A_1280 = arith.constant 0 : i32
      %ne3A_1281 = arith.cmpi ne, %rem3A_1279, %ne3A_1280 : i32
      %and3A_1282 = arith.andi %ne3A_1278, %ne3A_1281 : i1
      %sub3A_1283 = arith.constant 1 : i32
      %sub3A_1284 = arith.subi %div3A_1263, %sub3A_1283 : i32
      %select_n3A_1285 = arith.select %and3A_1282, %sub3A_1284, %div3A_1263 : i32
      %jit3A_1286 = arith.constant 2 : i32
      %eq3A_1287 = arith.constant 0 : i32
      %eq3A_1288 = arith.cmpi eq, %jit3A_1286, %eq3A_1287 : i32
      %jit3A_1289 = arith.constant 1 : i32
      %select_n3A_1290 = arith.select %eq3A_1288, %jit3A_1289, %jit3A_1286 : i32
      %rem3A_1291 = arith.remsi %add3A_1212, %select_n3A_1290 : i32
      %ne3A_1292 = arith.constant 0 : i32
      %ne3A_1293 = arith.cmpi ne, %rem3A_1291, %ne3A_1292 : i32
      %lt3A_1294 = arith.constant 0 : i32
      %lt3A_1295 = arith.cmpi slt, %rem3A_1291, %lt3A_1294 : i32
      %lt3A_1296 = arith.constant 0 : i32
      %lt3A_1297 = arith.cmpi slt, %select_n3A_1290, %lt3A_1296 : i32
      %ne3A_1298 = arith.xori %lt3A_1295, %lt3A_1297 : i1
      %and3A_1299 = arith.andi %ne3A_1298, %ne3A_1293 : i1
      %add3A_1300 = arith.addi %rem3A_1291, %select_n3A_1290 : i32
      %select_n3A_1301 = arith.select %and3A_1299, %add3A_1300, %rem3A_1291 : i32
      %mul3A_1302 = arith.constant 64 : i32
      %mul3A_1303 = arith.muli %select_n3A_1301, %mul3A_1302 : i32
      %add3A_1304 = arith.addi %mul3A_2, %mul3A_1303 : i32
      %dma_start3A_1305 = arith.constant 0 : i32
      %dma_start3A_1306 = arith.constant 0 : i32
      %dma_start3A_1307 = tpu.memref_slice %arg4[%select_n3A_1285, %dma_start3A_1305, %dma_start3A_1306] : memref<50x4096x128xf32, #tpu.memory_space<hbm>> -> memref<1x4096x128xf32, #tpu.memory_space<hbm>>
      %dma_start3A_1308 = tpu.memref_squeeze %dma_start3A_1307 : memref<1x4096x128xf32, #tpu.memory_space<hbm>> -> memref<4096x128xf32, #tpu.memory_space<hbm>>
      %dma_start3A_1309 = arith.constant 0 : i32
      %dma_start3A_1310 = tpu.memref_slice %dma_start3A_1308[%add3A_1304, %dma_start3A_1309] : memref<4096x128xf32, #tpu.memory_space<hbm>> -> memref<64x128xf32, #tpu.memory_space<hbm>>
      %dma_start3A_1311 = arith.constant 0 : i32
      %dma_start3A_1312 = arith.constant 0 : i32
      %dma_start3A_1313 = tpu.memref_slice %arg4[%select_n3A_1285, %dma_start3A_1311, %dma_start3A_1312] : memref<50x4096x128xf32, #tpu.memory_space<hbm>> -> memref<1x4096x128xf32, #tpu.memory_space<hbm>>
      %dma_start3A_1314 = tpu.memref_squeeze %dma_start3A_1313 : memref<1x4096x128xf32, #tpu.memory_space<hbm>> -> memref<4096x128xf32, #tpu.memory_space<hbm>>
      %dma_start3A_1315 = arith.constant 0 : i32
      %dma_start3A_1316 = tpu.memref_slice %dma_start3A_1314[%add3A_1304, %dma_start3A_1315] : memref<4096x128xf32, #tpu.memory_space<hbm>> -> memref<64x128xf32, #tpu.memory_space<hbm>>
      tpu.enqueue_dma source(%arg15 : memref<64x128xf32, #tpu.memory_space<vmem>>) target(%dma_start3A_1316 : memref<64x128xf32, #tpu.memory_space<hbm>>) target_semaphore(%arg35 : memref<!tpu.dma_semaphore, #tpu.memory_space<semaphore_mem>>)
      %mul3A_1317 = arith.constant 10 : i32
      %mul3A_1318 = arith.muli %scan3A_246, %mul3A_1317 : i32
      %add3A_1319 = arith.constant 0 : i32
      %add3A_1320 = arith.addi %mul3A_1318, %add3A_1319 : i32
      %add3A_1321 = arith.constant 10 : i32
      %add3A_1322 = arith.addi %add3A_1320, %add3A_1321 : i32
      %lt3A_1323 = arith.constant 100 : i32
      %lt3A_1324 = arith.cmpi slt, %add3A_1322, %lt3A_1323 : i32
      %convert_element_type3A = arith.extui %lt3A_1324 : i1 to i32
      %cond3A = arith.constant 0 : i32
      %cond3A_1325 = arith.cmpi ne, %convert_element_type3A, %cond3A : i32
      scf.if %cond3A_1325 {
        %jit3A_1425 = arith.constant 2 : i32
        %div3A_1426 = arith.divsi %add3A_1320, %jit3A_1425 : i32
        %sign3A_1427 = arith.constant 0 : i32
        %sign3A_1428 = arith.cmpi sgt, %add3A_1320, %sign3A_1427 : i32
        %sign3A_1429 = arith.extui %sign3A_1428 : i1 to i32
        %sign3A_1430 = arith.constant 0 : i32
        %sign3A_1431 = arith.cmpi slt, %add3A_1320, %sign3A_1430 : i32
        %sign3A_1432 = arith.extui %sign3A_1431 : i1 to i32
        %sign3A_1433 = arith.subi %sign3A_1429, %sign3A_1432 : i32
        %sign3A_1434 = arith.constant 0 : i32
        %sign3A_1435 = arith.cmpi sgt, %jit3A_1425, %sign3A_1434 : i32
        %sign3A_1436 = arith.extui %sign3A_1435 : i1 to i32
        %sign3A_1437 = arith.constant 0 : i32
        %sign3A_1438 = arith.cmpi slt, %jit3A_1425, %sign3A_1437 : i32
        %sign3A_1439 = arith.extui %sign3A_1438 : i1 to i32
        %sign3A_1440 = arith.subi %sign3A_1436, %sign3A_1439 : i32
        %ne3A_1441 = arith.cmpi ne, %sign3A_1433, %sign3A_1440 : i32
        %rem3A_1442 = arith.remsi %add3A_1320, %jit3A_1425 : i32
        %ne3A_1443 = arith.constant 0 : i32
        %ne3A_1444 = arith.cmpi ne, %rem3A_1442, %ne3A_1443 : i32
        %and3A_1445 = arith.andi %ne3A_1441, %ne3A_1444 : i1
        %sub3A_1446 = arith.constant 1 : i32
        %sub3A_1447 = arith.subi %div3A_1426, %sub3A_1446 : i32
        %select_n3A_1448 = arith.select %and3A_1445, %sub3A_1447, %div3A_1426 : i32
        %jit3A_1449 = arith.constant 2 : i32
        %eq3A_1450 = arith.constant 0 : i32
        %eq3A_1451 = arith.cmpi eq, %jit3A_1449, %eq3A_1450 : i32
        %jit3A_1452 = arith.constant 1 : i32
        %select_n3A_1453 = arith.select %eq3A_1451, %jit3A_1452, %jit3A_1449 : i32
        %rem3A_1454 = arith.remsi %add3A_1320, %select_n3A_1453 : i32
        %ne3A_1455 = arith.constant 0 : i32
        %ne3A_1456 = arith.cmpi ne, %rem3A_1454, %ne3A_1455 : i32
        %lt3A_1457 = arith.constant 0 : i32
        %lt3A_1458 = arith.cmpi slt, %rem3A_1454, %lt3A_1457 : i32
        %lt3A_1459 = arith.constant 0 : i32
        %lt3A_1460 = arith.cmpi slt, %select_n3A_1453, %lt3A_1459 : i32
        %ne3A_1461 = arith.xori %lt3A_1458, %lt3A_1460 : i1
        %and3A_1462 = arith.andi %ne3A_1461, %ne3A_1456 : i1
        %add3A_1463 = arith.addi %rem3A_1454, %select_n3A_1453 : i32
        %select_n3A_1464 = arith.select %and3A_1462, %add3A_1463, %rem3A_1454 : i32
        %mul3A_1465 = arith.constant 64 : i32
        %mul3A_1466 = arith.muli %select_n3A_1464, %mul3A_1465 : i32
        %add3A_1467 = arith.addi %mul3A_2, %mul3A_1466 : i32
        %dma_wait3A_1468 = arith.constant 0 : i32
        %dma_wait3A_1469 = arith.constant 0 : i32
        %dma_wait3A_1470 = tpu.memref_slice %arg4[%select_n3A_1448, %dma_wait3A_1468, %dma_wait3A_1469] : memref<50x4096x128xf32, #tpu.memory_space<hbm>> -> memref<1x4096x128xf32, #tpu.memory_space<hbm>>
        %dma_wait3A_1471 = tpu.memref_squeeze %dma_wait3A_1470 : memref<1x4096x128xf32, #tpu.memory_space<hbm>> -> memref<4096x128xf32, #tpu.memory_space<hbm>>
        %dma_wait3A_1472 = arith.constant 0 : i32
        %dma_wait3A_1473 = tpu.memref_slice %dma_wait3A_1471[%add3A_1467, %dma_wait3A_1472] : memref<4096x128xf32, #tpu.memory_space<hbm>> -> memref<64x128xf32, #tpu.memory_space<hbm>>
        %dma_wait3A_1474 = arith.constant 0 : i32
        %dma_wait3A_1475 = arith.constant 0 : i32
        %dma_wait3A_1476 = tpu.memref_slice %arg4[%select_n3A_1448, %dma_wait3A_1474, %dma_wait3A_1475] : memref<50x4096x128xf32, #tpu.memory_space<hbm>> -> memref<1x4096x128xf32, #tpu.memory_space<hbm>>
        %dma_wait3A_1477 = tpu.memref_squeeze %dma_wait3A_1476 : memref<1x4096x128xf32, #tpu.memory_space<hbm>> -> memref<4096x128xf32, #tpu.memory_space<hbm>>
        %dma_wait3A_1478 = arith.constant 0 : i32
        %dma_wait3A_1479 = tpu.memref_slice %dma_wait3A_1477[%add3A_1467, %dma_wait3A_1478] : memref<4096x128xf32, #tpu.memory_space<hbm>> -> memref<64x128xf32, #tpu.memory_space<hbm>>
        tpu.wait_dma2 semaphore(%arg26 : memref<!tpu.dma_semaphore, #tpu.memory_space<semaphore_mem>>) src(%arg6 : memref<64x128xf32, #tpu.memory_space<vmem>>) dst(%dma_wait3A_1479 : memref<64x128xf32, #tpu.memory_space<hbm>>)
        %jit3A_1480 = arith.constant 2 : i32
        %div3A_1481 = arith.divsi %add3A_1322, %jit3A_1480 : i32
        %sign3A_1482 = arith.constant 0 : i32
        %sign3A_1483 = arith.cmpi sgt, %add3A_1322, %sign3A_1482 : i32
        %sign3A_1484 = arith.extui %sign3A_1483 : i1 to i32
        %sign3A_1485 = arith.constant 0 : i32
        %sign3A_1486 = arith.cmpi slt, %add3A_1322, %sign3A_1485 : i32
        %sign3A_1487 = arith.extui %sign3A_1486 : i1 to i32
        %sign3A_1488 = arith.subi %sign3A_1484, %sign3A_1487 : i32
        %sign3A_1489 = arith.constant 0 : i32
        %sign3A_1490 = arith.cmpi sgt, %jit3A_1480, %sign3A_1489 : i32
        %sign3A_1491 = arith.extui %sign3A_1490 : i1 to i32
        %sign3A_1492 = arith.constant 0 : i32
        %sign3A_1493 = arith.cmpi slt, %jit3A_1480, %sign3A_1492 : i32
        %sign3A_1494 = arith.extui %sign3A_1493 : i1 to i32
        %sign3A_1495 = arith.subi %sign3A_1491, %sign3A_1494 : i32
        %ne3A_1496 = arith.cmpi ne, %sign3A_1488, %sign3A_1495 : i32
        %rem3A_1497 = arith.remsi %add3A_1322, %jit3A_1480 : i32
        %ne3A_1498 = arith.constant 0 : i32
        %ne3A_1499 = arith.cmpi ne, %rem3A_1497, %ne3A_1498 : i32
        %and3A_1500 = arith.andi %ne3A_1496, %ne3A_1499 : i1
        %sub3A_1501 = arith.constant 1 : i32
        %sub3A_1502 = arith.subi %div3A_1481, %sub3A_1501 : i32
        %select_n3A_1503 = arith.select %and3A_1500, %sub3A_1502, %div3A_1481 : i32
        %jit3A_1504 = arith.constant 2 : i32
        %eq3A_1505 = arith.constant 0 : i32
        %eq3A_1506 = arith.cmpi eq, %jit3A_1504, %eq3A_1505 : i32
        %jit3A_1507 = arith.constant 1 : i32
        %select_n3A_1508 = arith.select %eq3A_1506, %jit3A_1507, %jit3A_1504 : i32
        %rem3A_1509 = arith.remsi %add3A_1322, %select_n3A_1508 : i32
        %ne3A_1510 = arith.constant 0 : i32
        %ne3A_1511 = arith.cmpi ne, %rem3A_1509, %ne3A_1510 : i32
        %lt3A_1512 = arith.constant 0 : i32
        %lt3A_1513 = arith.cmpi slt, %rem3A_1509, %lt3A_1512 : i32
        %lt3A_1514 = arith.constant 0 : i32
        %lt3A_1515 = arith.cmpi slt, %select_n3A_1508, %lt3A_1514 : i32
        %ne3A_1516 = arith.xori %lt3A_1513, %lt3A_1515 : i1
        %and3A_1517 = arith.andi %ne3A_1516, %ne3A_1511 : i1
        %add3A_1518 = arith.addi %rem3A_1509, %select_n3A_1508 : i32
        %select_n3A_1519 = arith.select %and3A_1517, %add3A_1518, %rem3A_1509 : i32
        %mul3A_1520 = arith.constant 64 : i32
        %mul3A_1521 = arith.muli %select_n3A_1519, %mul3A_1520 : i32
        %dma_start3A_1522 = arith.constant 0 : i32
        %dma_start3A_1523 = tpu.memref_slice %arg5[%select_n3A_1503, %dma_start3A_1522] : memref<50x128xi32, #tpu.memory_space<vmem>> -> memref<1x128xi32, #tpu.memory_space<vmem>>
        %dma_start3A_1524 = tpu.memref_squeeze %dma_start3A_1523 : memref<1x128xi32, #tpu.memory_space<vmem>> -> memref<128xi32, #tpu.memory_space<vmem>>
        %dma_start3A_1525 = tpu.memref_slice %dma_start3A_1524[%mul3A_1521] : memref<128xi32, #tpu.memory_space<vmem>> -> memref<64xi32, #tpu.memory_space<vmem>>
        %dma_start3A_1526 = arith.constant 0 : i32
        %dma_start3A_1527 = arith.constant 0 : i32
        %dma_start3A_1528 = tpu.memref_slice %arg3[%dma_start3A_1526, %dma_start3A_1527] : memref<100000x128xf32, #tpu.memory_space<hbm>> -> memref<100000x128xf32, #tpu.memory_space<hbm>>
        tpu.enqueue_indirect_dma source(%dma_start3A_1528 : memref<100000x128xf32, #tpu.memory_space<hbm>>) target(%arg6 : memref<64x128xf32, #tpu.memory_space<vmem>>) offsets(%dma_start3A_1525 : memref<64xi32, #tpu.memory_space<vmem>>) semaphore(%arg16 : memref<!tpu.dma_semaphore, #tpu.memory_space<semaphore_mem>>)
      } else {
      }
      %mul3A_1326 = arith.constant 10 : i32
      %mul3A_1327 = arith.muli %scan3A_246, %mul3A_1326 : i32
      %add3A_1328 = arith.constant 1 : i32
      %add3A_1329 = arith.addi %mul3A_1327, %add3A_1328 : i32
      %add3A_1330 = arith.constant 10 : i32
      %add3A_1331 = arith.addi %add3A_1329, %add3A_1330 : i32
      %lt3A_1332 = arith.constant 100 : i32
      %lt3A_1333 = arith.cmpi slt, %add3A_1331, %lt3A_1332 : i32
      %convert_element_type3A_1334 = arith.extui %lt3A_1333 : i1 to i32
      %cond3A_1335 = arith.constant 0 : i32
      %cond3A_1336 = arith.cmpi ne, %convert_element_type3A_1334, %cond3A_1335 : i32
      scf.if %cond3A_1336 {
        %jit3A_1425 = arith.constant 2 : i32
        %div3A_1426 = arith.divsi %add3A_1329, %jit3A_1425 : i32
        %sign3A_1427 = arith.constant 0 : i32
        %sign3A_1428 = arith.cmpi sgt, %add3A_1329, %sign3A_1427 : i32
        %sign3A_1429 = arith.extui %sign3A_1428 : i1 to i32
        %sign3A_1430 = arith.constant 0 : i32
        %sign3A_1431 = arith.cmpi slt, %add3A_1329, %sign3A_1430 : i32
        %sign3A_1432 = arith.extui %sign3A_1431 : i1 to i32
        %sign3A_1433 = arith.subi %sign3A_1429, %sign3A_1432 : i32
        %sign3A_1434 = arith.constant 0 : i32
        %sign3A_1435 = arith.cmpi sgt, %jit3A_1425, %sign3A_1434 : i32
        %sign3A_1436 = arith.extui %sign3A_1435 : i1 to i32
        %sign3A_1437 = arith.constant 0 : i32
        %sign3A_1438 = arith.cmpi slt, %jit3A_1425, %sign3A_1437 : i32
        %sign3A_1439 = arith.extui %sign3A_1438 : i1 to i32
        %sign3A_1440 = arith.subi %sign3A_1436, %sign3A_1439 : i32
        %ne3A_1441 = arith.cmpi ne, %sign3A_1433, %sign3A_1440 : i32
        %rem3A_1442 = arith.remsi %add3A_1329, %jit3A_1425 : i32
        %ne3A_1443 = arith.constant 0 : i32
        %ne3A_1444 = arith.cmpi ne, %rem3A_1442, %ne3A_1443 : i32
        %and3A_1445 = arith.andi %ne3A_1441, %ne3A_1444 : i1
        %sub3A_1446 = arith.constant 1 : i32
        %sub3A_1447 = arith.subi %div3A_1426, %sub3A_1446 : i32
        %select_n3A_1448 = arith.select %and3A_1445, %sub3A_1447, %div3A_1426 : i32
        %jit3A_1449 = arith.constant 2 : i32
        %eq3A_1450 = arith.constant 0 : i32
        %eq3A_1451 = arith.cmpi eq, %jit3A_1449, %eq3A_1450 : i32
        %jit3A_1452 = arith.constant 1 : i32
        %select_n3A_1453 = arith.select %eq3A_1451, %jit3A_1452, %jit3A_1449 : i32
        %rem3A_1454 = arith.remsi %add3A_1329, %select_n3A_1453 : i32
        %ne3A_1455 = arith.constant 0 : i32
        %ne3A_1456 = arith.cmpi ne, %rem3A_1454, %ne3A_1455 : i32
        %lt3A_1457 = arith.constant 0 : i32
        %lt3A_1458 = arith.cmpi slt, %rem3A_1454, %lt3A_1457 : i32
        %lt3A_1459 = arith.constant 0 : i32
        %lt3A_1460 = arith.cmpi slt, %select_n3A_1453, %lt3A_1459 : i32
        %ne3A_1461 = arith.xori %lt3A_1458, %lt3A_1460 : i1
        %and3A_1462 = arith.andi %ne3A_1461, %ne3A_1456 : i1
        %add3A_1463 = arith.addi %rem3A_1454, %select_n3A_1453 : i32
        %select_n3A_1464 = arith.select %and3A_1462, %add3A_1463, %rem3A_1454 : i32
        %mul3A_1465 = arith.constant 64 : i32
        %mul3A_1466 = arith.muli %select_n3A_1464, %mul3A_1465 : i32
        %add3A_1467 = arith.addi %mul3A_2, %mul3A_1466 : i32
        %dma_wait3A_1468 = arith.constant 0 : i32
        %dma_wait3A_1469 = arith.constant 0 : i32
        %dma_wait3A_1470 = tpu.memref_slice %arg4[%select_n3A_1448, %dma_wait3A_1468, %dma_wait3A_1469] : memref<50x4096x128xf32, #tpu.memory_space<hbm>> -> memref<1x4096x128xf32, #tpu.memory_space<hbm>>
        %dma_wait3A_1471 = tpu.memref_squeeze %dma_wait3A_1470 : memref<1x4096x128xf32, #tpu.memory_space<hbm>> -> memref<4096x128xf32, #tpu.memory_space<hbm>>
        %dma_wait3A_1472 = arith.constant 0 : i32
        %dma_wait3A_1473 = tpu.memref_slice %dma_wait3A_1471[%add3A_1467, %dma_wait3A_1472] : memref<4096x128xf32, #tpu.memory_space<hbm>> -> memref<64x128xf32, #tpu.memory_space<hbm>>
        %dma_wait3A_1474 = arith.constant 0 : i32
        %dma_wait3A_1475 = arith.constant 0 : i32
        %dma_wait3A_1476 = tpu.memref_slice %arg4[%select_n3A_1448, %dma_wait3A_1474, %dma_wait3A_1475] : memref<50x4096x128xf32, #tpu.memory_space<hbm>> -> memref<1x4096x128xf32, #tpu.memory_space<hbm>>
        %dma_wait3A_1477 = tpu.memref_squeeze %dma_wait3A_1476 : memref<1x4096x128xf32, #tpu.memory_space<hbm>> -> memref<4096x128xf32, #tpu.memory_space<hbm>>
        %dma_wait3A_1478 = arith.constant 0 : i32
        %dma_wait3A_1479 = tpu.memref_slice %dma_wait3A_1477[%add3A_1467, %dma_wait3A_1478] : memref<4096x128xf32, #tpu.memory_space<hbm>> -> memref<64x128xf32, #tpu.memory_space<hbm>>
        tpu.wait_dma2 semaphore(%arg27 : memref<!tpu.dma_semaphore, #tpu.memory_space<semaphore_mem>>) src(%arg7 : memref<64x128xf32, #tpu.memory_space<vmem>>) dst(%dma_wait3A_1479 : memref<64x128xf32, #tpu.memory_space<hbm>>)
        %jit3A_1480 = arith.constant 2 : i32
        %div3A_1481 = arith.divsi %add3A_1331, %jit3A_1480 : i32
        %sign3A_1482 = arith.constant 0 : i32
        %sign3A_1483 = arith.cmpi sgt, %add3A_1331, %sign3A_1482 : i32
        %sign3A_1484 = arith.extui %sign3A_1483 : i1 to i32
        %sign3A_1485 = arith.constant 0 : i32
        %sign3A_1486 = arith.cmpi slt, %add3A_1331, %sign3A_1485 : i32
        %sign3A_1487 = arith.extui %sign3A_1486 : i1 to i32
        %sign3A_1488 = arith.subi %sign3A_1484, %sign3A_1487 : i32
        %sign3A_1489 = arith.constant 0 : i32
        %sign3A_1490 = arith.cmpi sgt, %jit3A_1480, %sign3A_1489 : i32
        %sign3A_1491 = arith.extui %sign3A_1490 : i1 to i32
        %sign3A_1492 = arith.constant 0 : i32
        %sign3A_1493 = arith.cmpi slt, %jit3A_1480, %sign3A_1492 : i32
        %sign3A_1494 = arith.extui %sign3A_1493 : i1 to i32
        %sign3A_1495 = arith.subi %sign3A_1491, %sign3A_1494 : i32
        %ne3A_1496 = arith.cmpi ne, %sign3A_1488, %sign3A_1495 : i32
        %rem3A_1497 = arith.remsi %add3A_1331, %jit3A_1480 : i32
        %ne3A_1498 = arith.constant 0 : i32
        %ne3A_1499 = arith.cmpi ne, %rem3A_1497, %ne3A_1498 : i32
        %and3A_1500 = arith.andi %ne3A_1496, %ne3A_1499 : i1
        %sub3A_1501 = arith.constant 1 : i32
        %sub3A_1502 = arith.subi %div3A_1481, %sub3A_1501 : i32
        %select_n3A_1503 = arith.select %and3A_1500, %sub3A_1502, %div3A_1481 : i32
        %jit3A_1504 = arith.constant 2 : i32
        %eq3A_1505 = arith.constant 0 : i32
        %eq3A_1506 = arith.cmpi eq, %jit3A_1504, %eq3A_1505 : i32
        %jit3A_1507 = arith.constant 1 : i32
        %select_n3A_1508 = arith.select %eq3A_1506, %jit3A_1507, %jit3A_1504 : i32
        %rem3A_1509 = arith.remsi %add3A_1331, %select_n3A_1508 : i32
        %ne3A_1510 = arith.constant 0 : i32
        %ne3A_1511 = arith.cmpi ne, %rem3A_1509, %ne3A_1510 : i32
        %lt3A_1512 = arith.constant 0 : i32
        %lt3A_1513 = arith.cmpi slt, %rem3A_1509, %lt3A_1512 : i32
        %lt3A_1514 = arith.constant 0 : i32
        %lt3A_1515 = arith.cmpi slt, %select_n3A_1508, %lt3A_1514 : i32
        %ne3A_1516 = arith.xori %lt3A_1513, %lt3A_1515 : i1
        %and3A_1517 = arith.andi %ne3A_1516, %ne3A_1511 : i1
        %add3A_1518 = arith.addi %rem3A_1509, %select_n3A_1508 : i32
        %select_n3A_1519 = arith.select %and3A_1517, %add3A_1518, %rem3A_1509 : i32
        %mul3A_1520 = arith.constant 64 : i32
        %mul3A_1521 = arith.muli %select_n3A_1519, %mul3A_1520 : i32
        %dma_start3A_1522 = arith.constant 0 : i32
        %dma_start3A_1523 = tpu.memref_slice %arg5[%select_n3A_1503, %dma_start3A_1522] : memref<50x128xi32, #tpu.memory_space<vmem>> -> memref<1x128xi32, #tpu.memory_space<vmem>>
        %dma_start3A_1524 = tpu.memref_squeeze %dma_start3A_1523 : memref<1x128xi32, #tpu.memory_space<vmem>> -> memref<128xi32, #tpu.memory_space<vmem>>
        %dma_start3A_1525 = tpu.memref_slice %dma_start3A_1524[%mul3A_1521] : memref<128xi32, #tpu.memory_space<vmem>> -> memref<64xi32, #tpu.memory_space<vmem>>
        %dma_start3A_1526 = arith.constant 0 : i32
        %dma_start3A_1527 = arith.constant 0 : i32
        %dma_start3A_1528 = tpu.memref_slice %arg3[%dma_start3A_1526, %dma_start3A_1527] : memref<100000x128xf32, #tpu.memory_space<hbm>> -> memref<100000x128xf32, #tpu.memory_space<hbm>>
        tpu.enqueue_indirect_dma source(%dma_start3A_1528 : memref<100000x128xf32, #tpu.memory_space<hbm>>) target(%arg7 : memref<64x128xf32, #tpu.memory_space<vmem>>) offsets(%dma_start3A_1525 : memref<64xi32, #tpu.memory_space<vmem>>) semaphore(%arg17 : memref<!tpu.dma_semaphore, #tpu.memory_space<semaphore_mem>>)
      } else {
      }
      %mul3A_1337 = arith.constant 10 : i32
      %mul3A_1338 = arith.muli %scan3A_246, %mul3A_1337 : i32
      %add3A_1339 = arith.constant 2 : i32
      %add3A_1340 = arith.addi %mul3A_1338, %add3A_1339 : i32
      %add3A_1341 = arith.constant 10 : i32
      %add3A_1342 = arith.addi %add3A_1340, %add3A_1341 : i32
      %lt3A_1343 = arith.constant 100 : i32
      %lt3A_1344 = arith.cmpi slt, %add3A_1342, %lt3A_1343 : i32
      %convert_element_type3A_1345 = arith.extui %lt3A_1344 : i1 to i32
      %cond3A_1346 = arith.constant 0 : i32
      %cond3A_1347 = arith.cmpi ne, %convert_element_type3A_1345, %cond3A_1346 : i32
      scf.if %cond3A_1347 {
        %jit3A_1425 = arith.constant 2 : i32
        %div3A_1426 = arith.divsi %add3A_1340, %jit3A_1425 : i32
        %sign3A_1427 = arith.constant 0 : i32
        %sign3A_1428 = arith.cmpi sgt, %add3A_1340, %sign3A_1427 : i32
        %sign3A_1429 = arith.extui %sign3A_1428 : i1 to i32
        %sign3A_1430 = arith.constant 0 : i32
        %sign3A_1431 = arith.cmpi slt, %add3A_1340, %sign3A_1430 : i32
        %sign3A_1432 = arith.extui %sign3A_1431 : i1 to i32
        %sign3A_1433 = arith.subi %sign3A_1429, %sign3A_1432 : i32
        %sign3A_1434 = arith.constant 0 : i32
        %sign3A_1435 = arith.cmpi sgt, %jit3A_1425, %sign3A_1434 : i32
        %sign3A_1436 = arith.extui %sign3A_1435 : i1 to i32
        %sign3A_1437 = arith.constant 0 : i32
        %sign3A_1438 = arith.cmpi slt, %jit3A_1425, %sign3A_1437 : i32
        %sign3A_1439 = arith.extui %sign3A_1438 : i1 to i32
        %sign3A_1440 = arith.subi %sign3A_1436, %sign3A_1439 : i32
        %ne3A_1441 = arith.cmpi ne, %sign3A_1433, %sign3A_1440 : i32
        %rem3A_1442 = arith.remsi %add3A_1340, %jit3A_1425 : i32
        %ne3A_1443 = arith.constant 0 : i32
        %ne3A_1444 = arith.cmpi ne, %rem3A_1442, %ne3A_1443 : i32
        %and3A_1445 = arith.andi %ne3A_1441, %ne3A_1444 : i1
        %sub3A_1446 = arith.constant 1 : i32
        %sub3A_1447 = arith.subi %div3A_1426, %sub3A_1446 : i32
        %select_n3A_1448 = arith.select %and3A_1445, %sub3A_1447, %div3A_1426 : i32
        %jit3A_1449 = arith.constant 2 : i32
        %eq3A_1450 = arith.constant 0 : i32
        %eq3A_1451 = arith.cmpi eq, %jit3A_1449, %eq3A_1450 : i32
        %jit3A_1452 = arith.constant 1 : i32
        %select_n3A_1453 = arith.select %eq3A_1451, %jit3A_1452, %jit3A_1449 : i32
        %rem3A_1454 = arith.remsi %add3A_1340, %select_n3A_1453 : i32
        %ne3A_1455 = arith.constant 0 : i32
        %ne3A_1456 = arith.cmpi ne, %rem3A_1454, %ne3A_1455 : i32
        %lt3A_1457 = arith.constant 0 : i32
        %lt3A_1458 = arith.cmpi slt, %rem3A_1454, %lt3A_1457 : i32
        %lt3A_1459 = arith.constant 0 : i32
        %lt3A_1460 = arith.cmpi slt, %select_n3A_1453, %lt3A_1459 : i32
        %ne3A_1461 = arith.xori %lt3A_1458, %lt3A_1460 : i1
        %and3A_1462 = arith.andi %ne3A_1461, %ne3A_1456 : i1
        %add3A_1463 = arith.addi %rem3A_1454, %select_n3A_1453 : i32
        %select_n3A_1464 = arith.select %and3A_1462, %add3A_1463, %rem3A_1454 : i32
        %mul3A_1465 = arith.constant 64 : i32
        %mul3A_1466 = arith.muli %select_n3A_1464, %mul3A_1465 : i32
        %add3A_1467 = arith.addi %mul3A_2, %mul3A_1466 : i32
        %dma_wait3A_1468 = arith.constant 0 : i32
        %dma_wait3A_1469 = arith.constant 0 : i32
        %dma_wait3A_1470 = tpu.memref_slice %arg4[%select_n3A_1448, %dma_wait3A_1468, %dma_wait3A_1469] : memref<50x4096x128xf32, #tpu.memory_space<hbm>> -> memref<1x4096x128xf32, #tpu.memory_space<hbm>>
        %dma_wait3A_1471 = tpu.memref_squeeze %dma_wait3A_1470 : memref<1x4096x128xf32, #tpu.memory_space<hbm>> -> memref<4096x128xf32, #tpu.memory_space<hbm>>
        %dma_wait3A_1472 = arith.constant 0 : i32
        %dma_wait3A_1473 = tpu.memref_slice %dma_wait3A_1471[%add3A_1467, %dma_wait3A_1472] : memref<4096x128xf32, #tpu.memory_space<hbm>> -> memref<64x128xf32, #tpu.memory_space<hbm>>
        %dma_wait3A_1474 = arith.constant 0 : i32
        %dma_wait3A_1475 = arith.constant 0 : i32
        %dma_wait3A_1476 = tpu.memref_slice %arg4[%select_n3A_1448, %dma_wait3A_1474, %dma_wait3A_1475] : memref<50x4096x128xf32, #tpu.memory_space<hbm>> -> memref<1x4096x128xf32, #tpu.memory_space<hbm>>
        %dma_wait3A_1477 = tpu.memref_squeeze %dma_wait3A_1476 : memref<1x4096x128xf32, #tpu.memory_space<hbm>> -> memref<4096x128xf32, #tpu.memory_space<hbm>>
        %dma_wait3A_1478 = arith.constant 0 : i32
        %dma_wait3A_1479 = tpu.memref_slice %dma_wait3A_1477[%add3A_1467, %dma_wait3A_1478] : memref<4096x128xf32, #tpu.memory_space<hbm>> -> memref<64x128xf32, #tpu.memory_space<hbm>>
        tpu.wait_dma2 semaphore(%arg28 : memref<!tpu.dma_semaphore, #tpu.memory_space<semaphore_mem>>) src(%arg8 : memref<64x128xf32, #tpu.memory_space<vmem>>) dst(%dma_wait3A_1479 : memref<64x128xf32, #tpu.memory_space<hbm>>)
        %jit3A_1480 = arith.constant 2 : i32
        %div3A_1481 = arith.divsi %add3A_1342, %jit3A_1480 : i32
        %sign3A_1482 = arith.constant 0 : i32
        %sign3A_1483 = arith.cmpi sgt, %add3A_1342, %sign3A_1482 : i32
        %sign3A_1484 = arith.extui %sign3A_1483 : i1 to i32
        %sign3A_1485 = arith.constant 0 : i32
        %sign3A_1486 = arith.cmpi slt, %add3A_1342, %sign3A_1485 : i32
        %sign3A_1487 = arith.extui %sign3A_1486 : i1 to i32
        %sign3A_1488 = arith.subi %sign3A_1484, %sign3A_1487 : i32
        %sign3A_1489 = arith.constant 0 : i32
        %sign3A_1490 = arith.cmpi sgt, %jit3A_1480, %sign3A_1489 : i32
        %sign3A_1491 = arith.extui %sign3A_1490 : i1 to i32
        %sign3A_1492 = arith.constant 0 : i32
        %sign3A_1493 = arith.cmpi slt, %jit3A_1480, %sign3A_1492 : i32
        %sign3A_1494 = arith.extui %sign3A_1493 : i1 to i32
        %sign3A_1495 = arith.subi %sign3A_1491, %sign3A_1494 : i32
        %ne3A_1496 = arith.cmpi ne, %sign3A_1488, %sign3A_1495 : i32
        %rem3A_1497 = arith.remsi %add3A_1342, %jit3A_1480 : i32
        %ne3A_1498 = arith.constant 0 : i32
        %ne3A_1499 = arith.cmpi ne, %rem3A_1497, %ne3A_1498 : i32
        %and3A_1500 = arith.andi %ne3A_1496, %ne3A_1499 : i1
        %sub3A_1501 = arith.constant 1 : i32
        %sub3A_1502 = arith.subi %div3A_1481, %sub3A_1501 : i32
        %select_n3A_1503 = arith.select %and3A_1500, %sub3A_1502, %div3A_1481 : i32
        %jit3A_1504 = arith.constant 2 : i32
        %eq3A_1505 = arith.constant 0 : i32
        %eq3A_1506 = arith.cmpi eq, %jit3A_1504, %eq3A_1505 : i32
        %jit3A_1507 = arith.constant 1 : i32
        %select_n3A_1508 = arith.select %eq3A_1506, %jit3A_1507, %jit3A_1504 : i32
        %rem3A_1509 = arith.remsi %add3A_1342, %select_n3A_1508 : i32
        %ne3A_1510 = arith.constant 0 : i32
        %ne3A_1511 = arith.cmpi ne, %rem3A_1509, %ne3A_1510 : i32
        %lt3A_1512 = arith.constant 0 : i32
        %lt3A_1513 = arith.cmpi slt, %rem3A_1509, %lt3A_1512 : i32
        %lt3A_1514 = arith.constant 0 : i32
        %lt3A_1515 = arith.cmpi slt, %select_n3A_1508, %lt3A_1514 : i32
        %ne3A_1516 = arith.xori %lt3A_1513, %lt3A_1515 : i1
        %and3A_1517 = arith.andi %ne3A_1516, %ne3A_1511 : i1
        %add3A_1518 = arith.addi %rem3A_1509, %select_n3A_1508 : i32
        %select_n3A_1519 = arith.select %and3A_1517, %add3A_1518, %rem3A_1509 : i32
        %mul3A_1520 = arith.constant 64 : i32
        %mul3A_1521 = arith.muli %select_n3A_1519, %mul3A_1520 : i32
        %dma_start3A_1522 = arith.constant 0 : i32
        %dma_start3A_1523 = tpu.memref_slice %arg5[%select_n3A_1503, %dma_start3A_1522] : memref<50x128xi32, #tpu.memory_space<vmem>> -> memref<1x128xi32, #tpu.memory_space<vmem>>
        %dma_start3A_1524 = tpu.memref_squeeze %dma_start3A_1523 : memref<1x128xi32, #tpu.memory_space<vmem>> -> memref<128xi32, #tpu.memory_space<vmem>>
        %dma_start3A_1525 = tpu.memref_slice %dma_start3A_1524[%mul3A_1521] : memref<128xi32, #tpu.memory_space<vmem>> -> memref<64xi32, #tpu.memory_space<vmem>>
        %dma_start3A_1526 = arith.constant 0 : i32
        %dma_start3A_1527 = arith.constant 0 : i32
        %dma_start3A_1528 = tpu.memref_slice %arg3[%dma_start3A_1526, %dma_start3A_1527] : memref<100000x128xf32, #tpu.memory_space<hbm>> -> memref<100000x128xf32, #tpu.memory_space<hbm>>
        tpu.enqueue_indirect_dma source(%dma_start3A_1528 : memref<100000x128xf32, #tpu.memory_space<hbm>>) target(%arg8 : memref<64x128xf32, #tpu.memory_space<vmem>>) offsets(%dma_start3A_1525 : memref<64xi32, #tpu.memory_space<vmem>>) semaphore(%arg18 : memref<!tpu.dma_semaphore, #tpu.memory_space<semaphore_mem>>)
      } else {
      }
      %mul3A_1348 = arith.constant 10 : i32
      %mul3A_1349 = arith.muli %scan3A_246, %mul3A_1348 : i32
      %add3A_1350 = arith.constant 3 : i32
      %add3A_1351 = arith.addi %mul3A_1349, %add3A_1350 : i32
      %add3A_1352 = arith.constant 10 : i32
      %add3A_1353 = arith.addi %add3A_1351, %add3A_1352 : i32
      %lt3A_1354 = arith.constant 100 : i32
      %lt3A_1355 = arith.cmpi slt, %add3A_1353, %lt3A_1354 : i32
      %convert_element_type3A_1356 = arith.extui %lt3A_1355 : i1 to i32
      %cond3A_1357 = arith.constant 0 : i32
      %cond3A_1358 = arith.cmpi ne, %convert_element_type3A_1356, %cond3A_1357 : i32
      scf.if %cond3A_1358 {
        %jit3A_1425 = arith.constant 2 : i32
        %div3A_1426 = arith.divsi %add3A_1351, %jit3A_1425 : i32
        %sign3A_1427 = arith.constant 0 : i32
        %sign3A_1428 = arith.cmpi sgt, %add3A_1351, %sign3A_1427 : i32
        %sign3A_1429 = arith.extui %sign3A_1428 : i1 to i32
        %sign3A_1430 = arith.constant 0 : i32
        %sign3A_1431 = arith.cmpi slt, %add3A_1351, %sign3A_1430 : i32
        %sign3A_1432 = arith.extui %sign3A_1431 : i1 to i32
        %sign3A_1433 = arith.subi %sign3A_1429, %sign3A_1432 : i32
        %sign3A_1434 = arith.constant 0 : i32
        %sign3A_1435 = arith.cmpi sgt, %jit3A_1425, %sign3A_1434 : i32
        %sign3A_1436 = arith.extui %sign3A_1435 : i1 to i32
        %sign3A_1437 = arith.constant 0 : i32
        %sign3A_1438 = arith.cmpi slt, %jit3A_1425, %sign3A_1437 : i32
        %sign3A_1439 = arith.extui %sign3A_1438 : i1 to i32
        %sign3A_1440 = arith.subi %sign3A_1436, %sign3A_1439 : i32
        %ne3A_1441 = arith.cmpi ne, %sign3A_1433, %sign3A_1440 : i32
        %rem3A_1442 = arith.remsi %add3A_1351, %jit3A_1425 : i32
        %ne3A_1443 = arith.constant 0 : i32
        %ne3A_1444 = arith.cmpi ne, %rem3A_1442, %ne3A_1443 : i32
        %and3A_1445 = arith.andi %ne3A_1441, %ne3A_1444 : i1
        %sub3A_1446 = arith.constant 1 : i32
        %sub3A_1447 = arith.subi %div3A_1426, %sub3A_1446 : i32
        %select_n3A_1448 = arith.select %and3A_1445, %sub3A_1447, %div3A_1426 : i32
        %jit3A_1449 = arith.constant 2 : i32
        %eq3A_1450 = arith.constant 0 : i32
        %eq3A_1451 = arith.cmpi eq, %jit3A_1449, %eq3A_1450 : i32
        %jit3A_1452 = arith.constant 1 : i32
        %select_n3A_1453 = arith.select %eq3A_1451, %jit3A_1452, %jit3A_1449 : i32
        %rem3A_1454 = arith.remsi %add3A_1351, %select_n3A_1453 : i32
        %ne3A_1455 = arith.constant 0 : i32
        %ne3A_1456 = arith.cmpi ne, %rem3A_1454, %ne3A_1455 : i32
        %lt3A_1457 = arith.constant 0 : i32
        %lt3A_1458 = arith.cmpi slt, %rem3A_1454, %lt3A_1457 : i32
        %lt3A_1459 = arith.constant 0 : i32
        %lt3A_1460 = arith.cmpi slt, %select_n3A_1453, %lt3A_1459 : i32
        %ne3A_1461 = arith.xori %lt3A_1458, %lt3A_1460 : i1
        %and3A_1462 = arith.andi %ne3A_1461, %ne3A_1456 : i1
        %add3A_1463 = arith.addi %rem3A_1454, %select_n3A_1453 : i32
        %select_n3A_1464 = arith.select %and3A_1462, %add3A_1463, %rem3A_1454 : i32
        %mul3A_1465 = arith.constant 64 : i32
        %mul3A_1466 = arith.muli %select_n3A_1464, %mul3A_1465 : i32
        %add3A_1467 = arith.addi %mul3A_2, %mul3A_1466 : i32
        %dma_wait3A_1468 = arith.constant 0 : i32
        %dma_wait3A_1469 = arith.constant 0 : i32
        %dma_wait3A_1470 = tpu.memref_slice %arg4[%select_n3A_1448, %dma_wait3A_1468, %dma_wait3A_1469] : memref<50x4096x128xf32, #tpu.memory_space<hbm>> -> memref<1x4096x128xf32, #tpu.memory_space<hbm>>
        %dma_wait3A_1471 = tpu.memref_squeeze %dma_wait3A_1470 : memref<1x4096x128xf32, #tpu.memory_space<hbm>> -> memref<4096x128xf32, #tpu.memory_space<hbm>>
        %dma_wait3A_1472 = arith.constant 0 : i32
        %dma_wait3A_1473 = tpu.memref_slice %dma_wait3A_1471[%add3A_1467, %dma_wait3A_1472] : memref<4096x128xf32, #tpu.memory_space<hbm>> -> memref<64x128xf32, #tpu.memory_space<hbm>>
        %dma_wait3A_1474 = arith.constant 0 : i32
        %dma_wait3A_1475 = arith.constant 0 : i32
        %dma_wait3A_1476 = tpu.memref_slice %arg4[%select_n3A_1448, %dma_wait3A_1474, %dma_wait3A_1475] : memref<50x4096x128xf32, #tpu.memory_space<hbm>> -> memref<1x4096x128xf32, #tpu.memory_space<hbm>>
        %dma_wait3A_1477 = tpu.memref_squeeze %dma_wait3A_1476 : memref<1x4096x128xf32, #tpu.memory_space<hbm>> -> memref<4096x128xf32, #tpu.memory_space<hbm>>
        %dma_wait3A_1478 = arith.constant 0 : i32
        %dma_wait3A_1479 = tpu.memref_slice %dma_wait3A_1477[%add3A_1467, %dma_wait3A_1478] : memref<4096x128xf32, #tpu.memory_space<hbm>> -> memref<64x128xf32, #tpu.memory_space<hbm>>
        tpu.wait_dma2 semaphore(%arg29 : memref<!tpu.dma_semaphore, #tpu.memory_space<semaphore_mem>>) src(%arg9 : memref<64x128xf32, #tpu.memory_space<vmem>>) dst(%dma_wait3A_1479 : memref<64x128xf32, #tpu.memory_space<hbm>>)
        %jit3A_1480 = arith.constant 2 : i32
        %div3A_1481 = arith.divsi %add3A_1353, %jit3A_1480 : i32
        %sign3A_1482 = arith.constant 0 : i32
        %sign3A_1483 = arith.cmpi sgt, %add3A_1353, %sign3A_1482 : i32
        %sign3A_1484 = arith.extui %sign3A_1483 : i1 to i32
        %sign3A_1485 = arith.constant 0 : i32
        %sign3A_1486 = arith.cmpi slt, %add3A_1353, %sign3A_1485 : i32
        %sign3A_1487 = arith.extui %sign3A_1486 : i1 to i32
        %sign3A_1488 = arith.subi %sign3A_1484, %sign3A_1487 : i32
        %sign3A_1489 = arith.constant 0 : i32
        %sign3A_1490 = arith.cmpi sgt, %jit3A_1480, %sign3A_1489 : i32
        %sign3A_1491 = arith.extui %sign3A_1490 : i1 to i32
        %sign3A_1492 = arith.constant 0 : i32
        %sign3A_1493 = arith.cmpi slt, %jit3A_1480, %sign3A_1492 : i32
        %sign3A_1494 = arith.extui %sign3A_1493 : i1 to i32
        %sign3A_1495 = arith.subi %sign3A_1491, %sign3A_1494 : i32
        %ne3A_1496 = arith.cmpi ne, %sign3A_1488, %sign3A_1495 : i32
        %rem3A_1497 = arith.remsi %add3A_1353, %jit3A_1480 : i32
        %ne3A_1498 = arith.constant 0 : i32
        %ne3A_1499 = arith.cmpi ne, %rem3A_1497, %ne3A_1498 : i32
        %and3A_1500 = arith.andi %ne3A_1496, %ne3A_1499 : i1
        %sub3A_1501 = arith.constant 1 : i32
        %sub3A_1502 = arith.subi %div3A_1481, %sub3A_1501 : i32
        %select_n3A_1503 = arith.select %and3A_1500, %sub3A_1502, %div3A_1481 : i32
        %jit3A_1504 = arith.constant 2 : i32
        %eq3A_1505 = arith.constant 0 : i32
        %eq3A_1506 = arith.cmpi eq, %jit3A_1504, %eq3A_1505 : i32
        %jit3A_1507 = arith.constant 1 : i32
        %select_n3A_1508 = arith.select %eq3A_1506, %jit3A_1507, %jit3A_1504 : i32
        %rem3A_1509 = arith.remsi %add3A_1353, %select_n3A_1508 : i32
        %ne3A_1510 = arith.constant 0 : i32
        %ne3A_1511 = arith.cmpi ne, %rem3A_1509, %ne3A_1510 : i32
        %lt3A_1512 = arith.constant 0 : i32
        %lt3A_1513 = arith.cmpi slt, %rem3A_1509, %lt3A_1512 : i32
        %lt3A_1514 = arith.constant 0 : i32
        %lt3A_1515 = arith.cmpi slt, %select_n3A_1508, %lt3A_1514 : i32
        %ne3A_1516 = arith.xori %lt3A_1513, %lt3A_1515 : i1
        %and3A_1517 = arith.andi %ne3A_1516, %ne3A_1511 : i1
        %add3A_1518 = arith.addi %rem3A_1509, %select_n3A_1508 : i32
        %select_n3A_1519 = arith.select %and3A_1517, %add3A_1518, %rem3A_1509 : i32
        %mul3A_1520 = arith.constant 64 : i32
        %mul3A_1521 = arith.muli %select_n3A_1519, %mul3A_1520 : i32
        %dma_start3A_1522 = arith.constant 0 : i32
        %dma_start3A_1523 = tpu.memref_slice %arg5[%select_n3A_1503, %dma_start3A_1522] : memref<50x128xi32, #tpu.memory_space<vmem>> -> memref<1x128xi32, #tpu.memory_space<vmem>>
        %dma_start3A_1524 = tpu.memref_squeeze %dma_start3A_1523 : memref<1x128xi32, #tpu.memory_space<vmem>> -> memref<128xi32, #tpu.memory_space<vmem>>
        %dma_start3A_1525 = tpu.memref_slice %dma_start3A_1524[%mul3A_1521] : memref<128xi32, #tpu.memory_space<vmem>> -> memref<64xi32, #tpu.memory_space<vmem>>
        %dma_start3A_1526 = arith.constant 0 : i32
        %dma_start3A_1527 = arith.constant 0 : i32
        %dma_start3A_1528 = tpu.memref_slice %arg3[%dma_start3A_1526, %dma_start3A_1527] : memref<100000x128xf32, #tpu.memory_space<hbm>> -> memref<100000x128xf32, #tpu.memory_space<hbm>>
        tpu.enqueue_indirect_dma source(%dma_start3A_1528 : memref<100000x128xf32, #tpu.memory_space<hbm>>) target(%arg9 : memref<64x128xf32, #tpu.memory_space<vmem>>) offsets(%dma_start3A_1525 : memref<64xi32, #tpu.memory_space<vmem>>) semaphore(%arg19 : memref<!tpu.dma_semaphore, #tpu.memory_space<semaphore_mem>>)
      } else {
      }
      %mul3A_1359 = arith.constant 10 : i32
      %mul3A_1360 = arith.muli %scan3A_246, %mul3A_1359 : i32
      %add3A_1361 = arith.constant 4 : i32
      %add3A_1362 = arith.addi %mul3A_1360, %add3A_1361 : i32
      %add3A_1363 = arith.constant 10 : i32
      %add3A_1364 = arith.addi %add3A_1362, %add3A_1363 : i32
      %lt3A_1365 = arith.constant 100 : i32
      %lt3A_1366 = arith.cmpi slt, %add3A_1364, %lt3A_1365 : i32
      %convert_element_type3A_1367 = arith.extui %lt3A_1366 : i1 to i32
      %cond3A_1368 = arith.constant 0 : i32
      %cond3A_1369 = arith.cmpi ne, %convert_element_type3A_1367, %cond3A_1368 : i32
      scf.if %cond3A_1369 {
        %jit3A_1425 = arith.constant 2 : i32
        %div3A_1426 = arith.divsi %add3A_1362, %jit3A_1425 : i32
        %sign3A_1427 = arith.constant 0 : i32
        %sign3A_1428 = arith.cmpi sgt, %add3A_1362, %sign3A_1427 : i32
        %sign3A_1429 = arith.extui %sign3A_1428 : i1 to i32
        %sign3A_1430 = arith.constant 0 : i32
        %sign3A_1431 = arith.cmpi slt, %add3A_1362, %sign3A_1430 : i32
        %sign3A_1432 = arith.extui %sign3A_1431 : i1 to i32
        %sign3A_1433 = arith.subi %sign3A_1429, %sign3A_1432 : i32
        %sign3A_1434 = arith.constant 0 : i32
        %sign3A_1435 = arith.cmpi sgt, %jit3A_1425, %sign3A_1434 : i32
        %sign3A_1436 = arith.extui %sign3A_1435 : i1 to i32
        %sign3A_1437 = arith.constant 0 : i32
        %sign3A_1438 = arith.cmpi slt, %jit3A_1425, %sign3A_1437 : i32
        %sign3A_1439 = arith.extui %sign3A_1438 : i1 to i32
        %sign3A_1440 = arith.subi %sign3A_1436, %sign3A_1439 : i32
        %ne3A_1441 = arith.cmpi ne, %sign3A_1433, %sign3A_1440 : i32
        %rem3A_1442 = arith.remsi %add3A_1362, %jit3A_1425 : i32
        %ne3A_1443 = arith.constant 0 : i32
        %ne3A_1444 = arith.cmpi ne, %rem3A_1442, %ne3A_1443 : i32
        %and3A_1445 = arith.andi %ne3A_1441, %ne3A_1444 : i1
        %sub3A_1446 = arith.constant 1 : i32
        %sub3A_1447 = arith.subi %div3A_1426, %sub3A_1446 : i32
        %select_n3A_1448 = arith.select %and3A_1445, %sub3A_1447, %div3A_1426 : i32
        %jit3A_1449 = arith.constant 2 : i32
        %eq3A_1450 = arith.constant 0 : i32
        %eq3A_1451 = arith.cmpi eq, %jit3A_1449, %eq3A_1450 : i32
        %jit3A_1452 = arith.constant 1 : i32
        %select_n3A_1453 = arith.select %eq3A_1451, %jit3A_1452, %jit3A_1449 : i32
        %rem3A_1454 = arith.remsi %add3A_1362, %select_n3A_1453 : i32
        %ne3A_1455 = arith.constant 0 : i32
        %ne3A_1456 = arith.cmpi ne, %rem3A_1454, %ne3A_1455 : i32
        %lt3A_1457 = arith.constant 0 : i32
        %lt3A_1458 = arith.cmpi slt, %rem3A_1454, %lt3A_1457 : i32
        %lt3A_1459 = arith.constant 0 : i32
        %lt3A_1460 = arith.cmpi slt, %select_n3A_1453, %lt3A_1459 : i32
        %ne3A_1461 = arith.xori %lt3A_1458, %lt3A_1460 : i1
        %and3A_1462 = arith.andi %ne3A_1461, %ne3A_1456 : i1
        %add3A_1463 = arith.addi %rem3A_1454, %select_n3A_1453 : i32
        %select_n3A_1464 = arith.select %and3A_1462, %add3A_1463, %rem3A_1454 : i32
        %mul3A_1465 = arith.constant 64 : i32
        %mul3A_1466 = arith.muli %select_n3A_1464, %mul3A_1465 : i32
        %add3A_1467 = arith.addi %mul3A_2, %mul3A_1466 : i32
        %dma_wait3A_1468 = arith.constant 0 : i32
        %dma_wait3A_1469 = arith.constant 0 : i32
        %dma_wait3A_1470 = tpu.memref_slice %arg4[%select_n3A_1448, %dma_wait3A_1468, %dma_wait3A_1469] : memref<50x4096x128xf32, #tpu.memory_space<hbm>> -> memref<1x4096x128xf32, #tpu.memory_space<hbm>>
        %dma_wait3A_1471 = tpu.memref_squeeze %dma_wait3A_1470 : memref<1x4096x128xf32, #tpu.memory_space<hbm>> -> memref<4096x128xf32, #tpu.memory_space<hbm>>
        %dma_wait3A_1472 = arith.constant 0 : i32
        %dma_wait3A_1473 = tpu.memref_slice %dma_wait3A_1471[%add3A_1467, %dma_wait3A_1472] : memref<4096x128xf32, #tpu.memory_space<hbm>> -> memref<64x128xf32, #tpu.memory_space<hbm>>
        %dma_wait3A_1474 = arith.constant 0 : i32
        %dma_wait3A_1475 = arith.constant 0 : i32
        %dma_wait3A_1476 = tpu.memref_slice %arg4[%select_n3A_1448, %dma_wait3A_1474, %dma_wait3A_1475] : memref<50x4096x128xf32, #tpu.memory_space<hbm>> -> memref<1x4096x128xf32, #tpu.memory_space<hbm>>
        %dma_wait3A_1477 = tpu.memref_squeeze %dma_wait3A_1476 : memref<1x4096x128xf32, #tpu.memory_space<hbm>> -> memref<4096x128xf32, #tpu.memory_space<hbm>>
        %dma_wait3A_1478 = arith.constant 0 : i32
        %dma_wait3A_1479 = tpu.memref_slice %dma_wait3A_1477[%add3A_1467, %dma_wait3A_1478] : memref<4096x128xf32, #tpu.memory_space<hbm>> -> memref<64x128xf32, #tpu.memory_space<hbm>>
        tpu.wait_dma2 semaphore(%arg30 : memref<!tpu.dma_semaphore, #tpu.memory_space<semaphore_mem>>) src(%arg10 : memref<64x128xf32, #tpu.memory_space<vmem>>) dst(%dma_wait3A_1479 : memref<64x128xf32, #tpu.memory_space<hbm>>)
        %jit3A_1480 = arith.constant 2 : i32
        %div3A_1481 = arith.divsi %add3A_1364, %jit3A_1480 : i32
        %sign3A_1482 = arith.constant 0 : i32
        %sign3A_1483 = arith.cmpi sgt, %add3A_1364, %sign3A_1482 : i32
        %sign3A_1484 = arith.extui %sign3A_1483 : i1 to i32
        %sign3A_1485 = arith.constant 0 : i32
        %sign3A_1486 = arith.cmpi slt, %add3A_1364, %sign3A_1485 : i32
        %sign3A_1487 = arith.extui %sign3A_1486 : i1 to i32
        %sign3A_1488 = arith.subi %sign3A_1484, %sign3A_1487 : i32
        %sign3A_1489 = arith.constant 0 : i32
        %sign3A_1490 = arith.cmpi sgt, %jit3A_1480, %sign3A_1489 : i32
        %sign3A_1491 = arith.extui %sign3A_1490 : i1 to i32
        %sign3A_1492 = arith.constant 0 : i32
        %sign3A_1493 = arith.cmpi slt, %jit3A_1480, %sign3A_1492 : i32
        %sign3A_1494 = arith.extui %sign3A_1493 : i1 to i32
        %sign3A_1495 = arith.subi %sign3A_1491, %sign3A_1494 : i32
        %ne3A_1496 = arith.cmpi ne, %sign3A_1488, %sign3A_1495 : i32
        %rem3A_1497 = arith.remsi %add3A_1364, %jit3A_1480 : i32
        %ne3A_1498 = arith.constant 0 : i32
        %ne3A_1499 = arith.cmpi ne, %rem3A_1497, %ne3A_1498 : i32
        %and3A_1500 = arith.andi %ne3A_1496, %ne3A_1499 : i1
        %sub3A_1501 = arith.constant 1 : i32
        %sub3A_1502 = arith.subi %div3A_1481, %sub3A_1501 : i32
        %select_n3A_1503 = arith.select %and3A_1500, %sub3A_1502, %div3A_1481 : i32
        %jit3A_1504 = arith.constant 2 : i32
        %eq3A_1505 = arith.constant 0 : i32
        %eq3A_1506 = arith.cmpi eq, %jit3A_1504, %eq3A_1505 : i32
        %jit3A_1507 = arith.constant 1 : i32
        %select_n3A_1508 = arith.select %eq3A_1506, %jit3A_1507, %jit3A_1504 : i32
        %rem3A_1509 = arith.remsi %add3A_1364, %select_n3A_1508 : i32
        %ne3A_1510 = arith.constant 0 : i32
        %ne3A_1511 = arith.cmpi ne, %rem3A_1509, %ne3A_1510 : i32
        %lt3A_1512 = arith.constant 0 : i32
        %lt3A_1513 = arith.cmpi slt, %rem3A_1509, %lt3A_1512 : i32
        %lt3A_1514 = arith.constant 0 : i32
        %lt3A_1515 = arith.cmpi slt, %select_n3A_1508, %lt3A_1514 : i32
        %ne3A_1516 = arith.xori %lt3A_1513, %lt3A_1515 : i1
        %and3A_1517 = arith.andi %ne3A_1516, %ne3A_1511 : i1
        %add3A_1518 = arith.addi %rem3A_1509, %select_n3A_1508 : i32
        %select_n3A_1519 = arith.select %and3A_1517, %add3A_1518, %rem3A_1509 : i32
        %mul3A_1520 = arith.constant 64 : i32
        %mul3A_1521 = arith.muli %select_n3A_1519, %mul3A_1520 : i32
        %dma_start3A_1522 = arith.constant 0 : i32
        %dma_start3A_1523 = tpu.memref_slice %arg5[%select_n3A_1503, %dma_start3A_1522] : memref<50x128xi32, #tpu.memory_space<vmem>> -> memref<1x128xi32, #tpu.memory_space<vmem>>
        %dma_start3A_1524 = tpu.memref_squeeze %dma_start3A_1523 : memref<1x128xi32, #tpu.memory_space<vmem>> -> memref<128xi32, #tpu.memory_space<vmem>>
        %dma_start3A_1525 = tpu.memref_slice %dma_start3A_1524[%mul3A_1521] : memref<128xi32, #tpu.memory_space<vmem>> -> memref<64xi32, #tpu.memory_space<vmem>>
        %dma_start3A_1526 = arith.constant 0 : i32
        %dma_start3A_1527 = arith.constant 0 : i32
        %dma_start3A_1528 = tpu.memref_slice %arg3[%dma_start3A_1526, %dma_start3A_1527] : memref<100000x128xf32, #tpu.memory_space<hbm>> -> memref<100000x128xf32, #tpu.memory_space<hbm>>
        tpu.enqueue_indirect_dma source(%dma_start3A_1528 : memref<100000x128xf32, #tpu.memory_space<hbm>>) target(%arg10 : memref<64x128xf32, #tpu.memory_space<vmem>>) offsets(%dma_start3A_1525 : memref<64xi32, #tpu.memory_space<vmem>>) semaphore(%arg20 : memref<!tpu.dma_semaphore, #tpu.memory_space<semaphore_mem>>)
      } else {
      }
      %mul3A_1370 = arith.constant 10 : i32
      %mul3A_1371 = arith.muli %scan3A_246, %mul3A_1370 : i32
      %add3A_1372 = arith.constant 5 : i32
      %add3A_1373 = arith.addi %mul3A_1371, %add3A_1372 : i32
      %add3A_1374 = arith.constant 10 : i32
      %add3A_1375 = arith.addi %add3A_1373, %add3A_1374 : i32
      %lt3A_1376 = arith.constant 100 : i32
      %lt3A_1377 = arith.cmpi slt, %add3A_1375, %lt3A_1376 : i32
      %convert_element_type3A_1378 = arith.extui %lt3A_1377 : i1 to i32
      %cond3A_1379 = arith.constant 0 : i32
      %cond3A_1380 = arith.cmpi ne, %convert_element_type3A_1378, %cond3A_1379 : i32
      scf.if %cond3A_1380 {
        %jit3A_1425 = arith.constant 2 : i32
        %div3A_1426 = arith.divsi %add3A_1373, %jit3A_1425 : i32
        %sign3A_1427 = arith.constant 0 : i32
        %sign3A_1428 = arith.cmpi sgt, %add3A_1373, %sign3A_1427 : i32
        %sign3A_1429 = arith.extui %sign3A_1428 : i1 to i32
        %sign3A_1430 = arith.constant 0 : i32
        %sign3A_1431 = arith.cmpi slt, %add3A_1373, %sign3A_1430 : i32
        %sign3A_1432 = arith.extui %sign3A_1431 : i1 to i32
        %sign3A_1433 = arith.subi %sign3A_1429, %sign3A_1432 : i32
        %sign3A_1434 = arith.constant 0 : i32
        %sign3A_1435 = arith.cmpi sgt, %jit3A_1425, %sign3A_1434 : i32
        %sign3A_1436 = arith.extui %sign3A_1435 : i1 to i32
        %sign3A_1437 = arith.constant 0 : i32
        %sign3A_1438 = arith.cmpi slt, %jit3A_1425, %sign3A_1437 : i32
        %sign3A_1439 = arith.extui %sign3A_1438 : i1 to i32
        %sign3A_1440 = arith.subi %sign3A_1436, %sign3A_1439 : i32
        %ne3A_1441 = arith.cmpi ne, %sign3A_1433, %sign3A_1440 : i32
        %rem3A_1442 = arith.remsi %add3A_1373, %jit3A_1425 : i32
        %ne3A_1443 = arith.constant 0 : i32
        %ne3A_1444 = arith.cmpi ne, %rem3A_1442, %ne3A_1443 : i32
        %and3A_1445 = arith.andi %ne3A_1441, %ne3A_1444 : i1
        %sub3A_1446 = arith.constant 1 : i32
        %sub3A_1447 = arith.subi %div3A_1426, %sub3A_1446 : i32
        %select_n3A_1448 = arith.select %and3A_1445, %sub3A_1447, %div3A_1426 : i32
        %jit3A_1449 = arith.constant 2 : i32
        %eq3A_1450 = arith.constant 0 : i32
        %eq3A_1451 = arith.cmpi eq, %jit3A_1449, %eq3A_1450 : i32
        %jit3A_1452 = arith.constant 1 : i32
        %select_n3A_1453 = arith.select %eq3A_1451, %jit3A_1452, %jit3A_1449 : i32
        %rem3A_1454 = arith.remsi %add3A_1373, %select_n3A_1453 : i32
        %ne3A_1455 = arith.constant 0 : i32
        %ne3A_1456 = arith.cmpi ne, %rem3A_1454, %ne3A_1455 : i32
        %lt3A_1457 = arith.constant 0 : i32
        %lt3A_1458 = arith.cmpi slt, %rem3A_1454, %lt3A_1457 : i32
        %lt3A_1459 = arith.constant 0 : i32
        %lt3A_1460 = arith.cmpi slt, %select_n3A_1453, %lt3A_1459 : i32
        %ne3A_1461 = arith.xori %lt3A_1458, %lt3A_1460 : i1
        %and3A_1462 = arith.andi %ne3A_1461, %ne3A_1456 : i1
        %add3A_1463 = arith.addi %rem3A_1454, %select_n3A_1453 : i32
        %select_n3A_1464 = arith.select %and3A_1462, %add3A_1463, %rem3A_1454 : i32
        %mul3A_1465 = arith.constant 64 : i32
        %mul3A_1466 = arith.muli %select_n3A_1464, %mul3A_1465 : i32
        %add3A_1467 = arith.addi %mul3A_2, %mul3A_1466 : i32
        %dma_wait3A_1468 = arith.constant 0 : i32
        %dma_wait3A_1469 = arith.constant 0 : i32
        %dma_wait3A_1470 = tpu.memref_slice %arg4[%select_n3A_1448, %dma_wait3A_1468, %dma_wait3A_1469] : memref<50x4096x128xf32, #tpu.memory_space<hbm>> -> memref<1x4096x128xf32, #tpu.memory_space<hbm>>
        %dma_wait3A_1471 = tpu.memref_squeeze %dma_wait3A_1470 : memref<1x4096x128xf32, #tpu.memory_space<hbm>> -> memref<4096x128xf32, #tpu.memory_space<hbm>>
        %dma_wait3A_1472 = arith.constant 0 : i32
        %dma_wait3A_1473 = tpu.memref_slice %dma_wait3A_1471[%add3A_1467, %dma_wait3A_1472] : memref<4096x128xf32, #tpu.memory_space<hbm>> -> memref<64x128xf32, #tpu.memory_space<hbm>>
        %dma_wait3A_1474 = arith.constant 0 : i32
        %dma_wait3A_1475 = arith.constant 0 : i32
        %dma_wait3A_1476 = tpu.memref_slice %arg4[%select_n3A_1448, %dma_wait3A_1474, %dma_wait3A_1475] : memref<50x4096x128xf32, #tpu.memory_space<hbm>> -> memref<1x4096x128xf32, #tpu.memory_space<hbm>>
        %dma_wait3A_1477 = tpu.memref_squeeze %dma_wait3A_1476 : memref<1x4096x128xf32, #tpu.memory_space<hbm>> -> memref<4096x128xf32, #tpu.memory_space<hbm>>
        %dma_wait3A_1478 = arith.constant 0 : i32
        %dma_wait3A_1479 = tpu.memref_slice %dma_wait3A_1477[%add3A_1467, %dma_wait3A_1478] : memref<4096x128xf32, #tpu.memory_space<hbm>> -> memref<64x128xf32, #tpu.memory_space<hbm>>
        tpu.wait_dma2 semaphore(%arg31 : memref<!tpu.dma_semaphore, #tpu.memory_space<semaphore_mem>>) src(%arg11 : memref<64x128xf32, #tpu.memory_space<vmem>>) dst(%dma_wait3A_1479 : memref<64x128xf32, #tpu.memory_space<hbm>>)
        %jit3A_1480 = arith.constant 2 : i32
        %div3A_1481 = arith.divsi %add3A_1375, %jit3A_1480 : i32
        %sign3A_1482 = arith.constant 0 : i32
        %sign3A_1483 = arith.cmpi sgt, %add3A_1375, %sign3A_1482 : i32
        %sign3A_1484 = arith.extui %sign3A_1483 : i1 to i32
        %sign3A_1485 = arith.constant 0 : i32
        %sign3A_1486 = arith.cmpi slt, %add3A_1375, %sign3A_1485 : i32
        %sign3A_1487 = arith.extui %sign3A_1486 : i1 to i32
        %sign3A_1488 = arith.subi %sign3A_1484, %sign3A_1487 : i32
        %sign3A_1489 = arith.constant 0 : i32
        %sign3A_1490 = arith.cmpi sgt, %jit3A_1480, %sign3A_1489 : i32
        %sign3A_1491 = arith.extui %sign3A_1490 : i1 to i32
        %sign3A_1492 = arith.constant 0 : i32
        %sign3A_1493 = arith.cmpi slt, %jit3A_1480, %sign3A_1492 : i32
        %sign3A_1494 = arith.extui %sign3A_1493 : i1 to i32
        %sign3A_1495 = arith.subi %sign3A_1491, %sign3A_1494 : i32
        %ne3A_1496 = arith.cmpi ne, %sign3A_1488, %sign3A_1495 : i32
        %rem3A_1497 = arith.remsi %add3A_1375, %jit3A_1480 : i32
        %ne3A_1498 = arith.constant 0 : i32
        %ne3A_1499 = arith.cmpi ne, %rem3A_1497, %ne3A_1498 : i32
        %and3A_1500 = arith.andi %ne3A_1496, %ne3A_1499 : i1
        %sub3A_1501 = arith.constant 1 : i32
        %sub3A_1502 = arith.subi %div3A_1481, %sub3A_1501 : i32
        %select_n3A_1503 = arith.select %and3A_1500, %sub3A_1502, %div3A_1481 : i32
        %jit3A_1504 = arith.constant 2 : i32
        %eq3A_1505 = arith.constant 0 : i32
        %eq3A_1506 = arith.cmpi eq, %jit3A_1504, %eq3A_1505 : i32
        %jit3A_1507 = arith.constant 1 : i32
        %select_n3A_1508 = arith.select %eq3A_1506, %jit3A_1507, %jit3A_1504 : i32
        %rem3A_1509 = arith.remsi %add3A_1375, %select_n3A_1508 : i32
        %ne3A_1510 = arith.constant 0 : i32
        %ne3A_1511 = arith.cmpi ne, %rem3A_1509, %ne3A_1510 : i32
        %lt3A_1512 = arith.constant 0 : i32
        %lt3A_1513 = arith.cmpi slt, %rem3A_1509, %lt3A_1512 : i32
        %lt3A_1514 = arith.constant 0 : i32
        %lt3A_1515 = arith.cmpi slt, %select_n3A_1508, %lt3A_1514 : i32
        %ne3A_1516 = arith.xori %lt3A_1513, %lt3A_1515 : i1
        %and3A_1517 = arith.andi %ne3A_1516, %ne3A_1511 : i1
        %add3A_1518 = arith.addi %rem3A_1509, %select_n3A_1508 : i32
        %select_n3A_1519 = arith.select %and3A_1517, %add3A_1518, %rem3A_1509 : i32
        %mul3A_1520 = arith.constant 64 : i32
        %mul3A_1521 = arith.muli %select_n3A_1519, %mul3A_1520 : i32
        %dma_start3A_1522 = arith.constant 0 : i32
        %dma_start3A_1523 = tpu.memref_slice %arg5[%select_n3A_1503, %dma_start3A_1522] : memref<50x128xi32, #tpu.memory_space<vmem>> -> memref<1x128xi32, #tpu.memory_space<vmem>>
        %dma_start3A_1524 = tpu.memref_squeeze %dma_start3A_1523 : memref<1x128xi32, #tpu.memory_space<vmem>> -> memref<128xi32, #tpu.memory_space<vmem>>
        %dma_start3A_1525 = tpu.memref_slice %dma_start3A_1524[%mul3A_1521] : memref<128xi32, #tpu.memory_space<vmem>> -> memref<64xi32, #tpu.memory_space<vmem>>
        %dma_start3A_1526 = arith.constant 0 : i32
        %dma_start3A_1527 = arith.constant 0 : i32
        %dma_start3A_1528 = tpu.memref_slice %arg3[%dma_start3A_1526, %dma_start3A_1527] : memref<100000x128xf32, #tpu.memory_space<hbm>> -> memref<100000x128xf32, #tpu.memory_space<hbm>>
        tpu.enqueue_indirect_dma source(%dma_start3A_1528 : memref<100000x128xf32, #tpu.memory_space<hbm>>) target(%arg11 : memref<64x128xf32, #tpu.memory_space<vmem>>) offsets(%dma_start3A_1525 : memref<64xi32, #tpu.memory_space<vmem>>) semaphore(%arg21 : memref<!tpu.dma_semaphore, #tpu.memory_space<semaphore_mem>>)
      } else {
      }
      %mul3A_1381 = arith.constant 10 : i32
      %mul3A_1382 = arith.muli %scan3A_246, %mul3A_1381 : i32
      %add3A_1383 = arith.constant 6 : i32
      %add3A_1384 = arith.addi %mul3A_1382, %add3A_1383 : i32
      %add3A_1385 = arith.constant 10 : i32
      %add3A_1386 = arith.addi %add3A_1384, %add3A_1385 : i32
      %lt3A_1387 = arith.constant 100 : i32
      %lt3A_1388 = arith.cmpi slt, %add3A_1386, %lt3A_1387 : i32
      %convert_element_type3A_1389 = arith.extui %lt3A_1388 : i1 to i32
      %cond3A_1390 = arith.constant 0 : i32
      %cond3A_1391 = arith.cmpi ne, %convert_element_type3A_1389, %cond3A_1390 : i32
      scf.if %cond3A_1391 {
        %jit3A_1425 = arith.constant 2 : i32
        %div3A_1426 = arith.divsi %add3A_1384, %jit3A_1425 : i32
        %sign3A_1427 = arith.constant 0 : i32
        %sign3A_1428 = arith.cmpi sgt, %add3A_1384, %sign3A_1427 : i32
        %sign3A_1429 = arith.extui %sign3A_1428 : i1 to i32
        %sign3A_1430 = arith.constant 0 : i32
        %sign3A_1431 = arith.cmpi slt, %add3A_1384, %sign3A_1430 : i32
        %sign3A_1432 = arith.extui %sign3A_1431 : i1 to i32
        %sign3A_1433 = arith.subi %sign3A_1429, %sign3A_1432 : i32
        %sign3A_1434 = arith.constant 0 : i32
        %sign3A_1435 = arith.cmpi sgt, %jit3A_1425, %sign3A_1434 : i32
        %sign3A_1436 = arith.extui %sign3A_1435 : i1 to i32
        %sign3A_1437 = arith.constant 0 : i32
        %sign3A_1438 = arith.cmpi slt, %jit3A_1425, %sign3A_1437 : i32
        %sign3A_1439 = arith.extui %sign3A_1438 : i1 to i32
        %sign3A_1440 = arith.subi %sign3A_1436, %sign3A_1439 : i32
        %ne3A_1441 = arith.cmpi ne, %sign3A_1433, %sign3A_1440 : i32
        %rem3A_1442 = arith.remsi %add3A_1384, %jit3A_1425 : i32
        %ne3A_1443 = arith.constant 0 : i32
        %ne3A_1444 = arith.cmpi ne, %rem3A_1442, %ne3A_1443 : i32
        %and3A_1445 = arith.andi %ne3A_1441, %ne3A_1444 : i1
        %sub3A_1446 = arith.constant 1 : i32
        %sub3A_1447 = arith.subi %div3A_1426, %sub3A_1446 : i32
        %select_n3A_1448 = arith.select %and3A_1445, %sub3A_1447, %div3A_1426 : i32
        %jit3A_1449 = arith.constant 2 : i32
        %eq3A_1450 = arith.constant 0 : i32
        %eq3A_1451 = arith.cmpi eq, %jit3A_1449, %eq3A_1450 : i32
        %jit3A_1452 = arith.constant 1 : i32
        %select_n3A_1453 = arith.select %eq3A_1451, %jit3A_1452, %jit3A_1449 : i32
        %rem3A_1454 = arith.remsi %add3A_1384, %select_n3A_1453 : i32
        %ne3A_1455 = arith.constant 0 : i32
        %ne3A_1456 = arith.cmpi ne, %rem3A_1454, %ne3A_1455 : i32
        %lt3A_1457 = arith.constant 0 : i32
        %lt3A_1458 = arith.cmpi slt, %rem3A_1454, %lt3A_1457 : i32
        %lt3A_1459 = arith.constant 0 : i32
        %lt3A_1460 = arith.cmpi slt, %select_n3A_1453, %lt3A_1459 : i32
        %ne3A_1461 = arith.xori %lt3A_1458, %lt3A_1460 : i1
        %and3A_1462 = arith.andi %ne3A_1461, %ne3A_1456 : i1
        %add3A_1463 = arith.addi %rem3A_1454, %select_n3A_1453 : i32
        %select_n3A_1464 = arith.select %and3A_1462, %add3A_1463, %rem3A_1454 : i32
        %mul3A_1465 = arith.constant 64 : i32
        %mul3A_1466 = arith.muli %select_n3A_1464, %mul3A_1465 : i32
        %add3A_1467 = arith.addi %mul3A_2, %mul3A_1466 : i32
        %dma_wait3A_1468 = arith.constant 0 : i32
        %dma_wait3A_1469 = arith.constant 0 : i32
        %dma_wait3A_1470 = tpu.memref_slice %arg4[%select_n3A_1448, %dma_wait3A_1468, %dma_wait3A_1469] : memref<50x4096x128xf32, #tpu.memory_space<hbm>> -> memref<1x4096x128xf32, #tpu.memory_space<hbm>>
        %dma_wait3A_1471 = tpu.memref_squeeze %dma_wait3A_1470 : memref<1x4096x128xf32, #tpu.memory_space<hbm>> -> memref<4096x128xf32, #tpu.memory_space<hbm>>
        %dma_wait3A_1472 = arith.constant 0 : i32
        %dma_wait3A_1473 = tpu.memref_slice %dma_wait3A_1471[%add3A_1467, %dma_wait3A_1472] : memref<4096x128xf32, #tpu.memory_space<hbm>> -> memref<64x128xf32, #tpu.memory_space<hbm>>
        %dma_wait3A_1474 = arith.constant 0 : i32
        %dma_wait3A_1475 = arith.constant 0 : i32
        %dma_wait3A_1476 = tpu.memref_slice %arg4[%select_n3A_1448, %dma_wait3A_1474, %dma_wait3A_1475] : memref<50x4096x128xf32, #tpu.memory_space<hbm>> -> memref<1x4096x128xf32, #tpu.memory_space<hbm>>
        %dma_wait3A_1477 = tpu.memref_squeeze %dma_wait3A_1476 : memref<1x4096x128xf32, #tpu.memory_space<hbm>> -> memref<4096x128xf32, #tpu.memory_space<hbm>>
        %dma_wait3A_1478 = arith.constant 0 : i32
        %dma_wait3A_1479 = tpu.memref_slice %dma_wait3A_1477[%add3A_1467, %dma_wait3A_1478] : memref<4096x128xf32, #tpu.memory_space<hbm>> -> memref<64x128xf32, #tpu.memory_space<hbm>>
        tpu.wait_dma2 semaphore(%arg32 : memref<!tpu.dma_semaphore, #tpu.memory_space<semaphore_mem>>) src(%arg12 : memref<64x128xf32, #tpu.memory_space<vmem>>) dst(%dma_wait3A_1479 : memref<64x128xf32, #tpu.memory_space<hbm>>)
        %jit3A_1480 = arith.constant 2 : i32
        %div3A_1481 = arith.divsi %add3A_1386, %jit3A_1480 : i32
        %sign3A_1482 = arith.constant 0 : i32
        %sign3A_1483 = arith.cmpi sgt, %add3A_1386, %sign3A_1482 : i32
        %sign3A_1484 = arith.extui %sign3A_1483 : i1 to i32
        %sign3A_1485 = arith.constant 0 : i32
        %sign3A_1486 = arith.cmpi slt, %add3A_1386, %sign3A_1485 : i32
        %sign3A_1487 = arith.extui %sign3A_1486 : i1 to i32
        %sign3A_1488 = arith.subi %sign3A_1484, %sign3A_1487 : i32
        %sign3A_1489 = arith.constant 0 : i32
        %sign3A_1490 = arith.cmpi sgt, %jit3A_1480, %sign3A_1489 : i32
        %sign3A_1491 = arith.extui %sign3A_1490 : i1 to i32
        %sign3A_1492 = arith.constant 0 : i32
        %sign3A_1493 = arith.cmpi slt, %jit3A_1480, %sign3A_1492 : i32
        %sign3A_1494 = arith.extui %sign3A_1493 : i1 to i32
        %sign3A_1495 = arith.subi %sign3A_1491, %sign3A_1494 : i32
        %ne3A_1496 = arith.cmpi ne, %sign3A_1488, %sign3A_1495 : i32
        %rem3A_1497 = arith.remsi %add3A_1386, %jit3A_1480 : i32
        %ne3A_1498 = arith.constant 0 : i32
        %ne3A_1499 = arith.cmpi ne, %rem3A_1497, %ne3A_1498 : i32
        %and3A_1500 = arith.andi %ne3A_1496, %ne3A_1499 : i1
        %sub3A_1501 = arith.constant 1 : i32
        %sub3A_1502 = arith.subi %div3A_1481, %sub3A_1501 : i32
        %select_n3A_1503 = arith.select %and3A_1500, %sub3A_1502, %div3A_1481 : i32
        %jit3A_1504 = arith.constant 2 : i32
        %eq3A_1505 = arith.constant 0 : i32
        %eq3A_1506 = arith.cmpi eq, %jit3A_1504, %eq3A_1505 : i32
        %jit3A_1507 = arith.constant 1 : i32
        %select_n3A_1508 = arith.select %eq3A_1506, %jit3A_1507, %jit3A_1504 : i32
        %rem3A_1509 = arith.remsi %add3A_1386, %select_n3A_1508 : i32
        %ne3A_1510 = arith.constant 0 : i32
        %ne3A_1511 = arith.cmpi ne, %rem3A_1509, %ne3A_1510 : i32
        %lt3A_1512 = arith.constant 0 : i32
        %lt3A_1513 = arith.cmpi slt, %rem3A_1509, %lt3A_1512 : i32
        %lt3A_1514 = arith.constant 0 : i32
        %lt3A_1515 = arith.cmpi slt, %select_n3A_1508, %lt3A_1514 : i32
        %ne3A_1516 = arith.xori %lt3A_1513, %lt3A_1515 : i1
        %and3A_1517 = arith.andi %ne3A_1516, %ne3A_1511 : i1
        %add3A_1518 = arith.addi %rem3A_1509, %select_n3A_1508 : i32
        %select_n3A_1519 = arith.select %and3A_1517, %add3A_1518, %rem3A_1509 : i32
        %mul3A_1520 = arith.constant 64 : i32
        %mul3A_1521 = arith.muli %select_n3A_1519, %mul3A_1520 : i32
        %dma_start3A_1522 = arith.constant 0 : i32
        %dma_start3A_1523 = tpu.memref_slice %arg5[%select_n3A_1503, %dma_start3A_1522] : memref<50x128xi32, #tpu.memory_space<vmem>> -> memref<1x128xi32, #tpu.memory_space<vmem>>
        %dma_start3A_1524 = tpu.memref_squeeze %dma_start3A_1523 : memref<1x128xi32, #tpu.memory_space<vmem>> -> memref<128xi32, #tpu.memory_space<vmem>>
        %dma_start3A_1525 = tpu.memref_slice %dma_start3A_1524[%mul3A_1521] : memref<128xi32, #tpu.memory_space<vmem>> -> memref<64xi32, #tpu.memory_space<vmem>>
        %dma_start3A_1526 = arith.constant 0 : i32
        %dma_start3A_1527 = arith.constant 0 : i32
        %dma_start3A_1528 = tpu.memref_slice %arg3[%dma_start3A_1526, %dma_start3A_1527] : memref<100000x128xf32, #tpu.memory_space<hbm>> -> memref<100000x128xf32, #tpu.memory_space<hbm>>
        tpu.enqueue_indirect_dma source(%dma_start3A_1528 : memref<100000x128xf32, #tpu.memory_space<hbm>>) target(%arg12 : memref<64x128xf32, #tpu.memory_space<vmem>>) offsets(%dma_start3A_1525 : memref<64xi32, #tpu.memory_space<vmem>>) semaphore(%arg22 : memref<!tpu.dma_semaphore, #tpu.memory_space<semaphore_mem>>)
      } else {
      }
      %mul3A_1392 = arith.constant 10 : i32
      %mul3A_1393 = arith.muli %scan3A_246, %mul3A_1392 : i32
      %add3A_1394 = arith.constant 7 : i32
      %add3A_1395 = arith.addi %mul3A_1393, %add3A_1394 : i32
      %add3A_1396 = arith.constant 10 : i32
      %add3A_1397 = arith.addi %add3A_1395, %add3A_1396 : i32
      %lt3A_1398 = arith.constant 100 : i32
      %lt3A_1399 = arith.cmpi slt, %add3A_1397, %lt3A_1398 : i32
      %convert_element_type3A_1400 = arith.extui %lt3A_1399 : i1 to i32
      %cond3A_1401 = arith.constant 0 : i32
      %cond3A_1402 = arith.cmpi ne, %convert_element_type3A_1400, %cond3A_1401 : i32
      scf.if %cond3A_1402 {
        %jit3A_1425 = arith.constant 2 : i32
        %div3A_1426 = arith.divsi %add3A_1395, %jit3A_1425 : i32
        %sign3A_1427 = arith.constant 0 : i32
        %sign3A_1428 = arith.cmpi sgt, %add3A_1395, %sign3A_1427 : i32
        %sign3A_1429 = arith.extui %sign3A_1428 : i1 to i32
        %sign3A_1430 = arith.constant 0 : i32
        %sign3A_1431 = arith.cmpi slt, %add3A_1395, %sign3A_1430 : i32
        %sign3A_1432 = arith.extui %sign3A_1431 : i1 to i32
        %sign3A_1433 = arith.subi %sign3A_1429, %sign3A_1432 : i32
        %sign3A_1434 = arith.constant 0 : i32
        %sign3A_1435 = arith.cmpi sgt, %jit3A_1425, %sign3A_1434 : i32
        %sign3A_1436 = arith.extui %sign3A_1435 : i1 to i32
        %sign3A_1437 = arith.constant 0 : i32
        %sign3A_1438 = arith.cmpi slt, %jit3A_1425, %sign3A_1437 : i32
        %sign3A_1439 = arith.extui %sign3A_1438 : i1 to i32
        %sign3A_1440 = arith.subi %sign3A_1436, %sign3A_1439 : i32
        %ne3A_1441 = arith.cmpi ne, %sign3A_1433, %sign3A_1440 : i32
        %rem3A_1442 = arith.remsi %add3A_1395, %jit3A_1425 : i32
        %ne3A_1443 = arith.constant 0 : i32
        %ne3A_1444 = arith.cmpi ne, %rem3A_1442, %ne3A_1443 : i32
        %and3A_1445 = arith.andi %ne3A_1441, %ne3A_1444 : i1
        %sub3A_1446 = arith.constant 1 : i32
        %sub3A_1447 = arith.subi %div3A_1426, %sub3A_1446 : i32
        %select_n3A_1448 = arith.select %and3A_1445, %sub3A_1447, %div3A_1426 : i32
        %jit3A_1449 = arith.constant 2 : i32
        %eq3A_1450 = arith.constant 0 : i32
        %eq3A_1451 = arith.cmpi eq, %jit3A_1449, %eq3A_1450 : i32
        %jit3A_1452 = arith.constant 1 : i32
        %select_n3A_1453 = arith.select %eq3A_1451, %jit3A_1452, %jit3A_1449 : i32
        %rem3A_1454 = arith.remsi %add3A_1395, %select_n3A_1453 : i32
        %ne3A_1455 = arith.constant 0 : i32
        %ne3A_1456 = arith.cmpi ne, %rem3A_1454, %ne3A_1455 : i32
        %lt3A_1457 = arith.constant 0 : i32
        %lt3A_1458 = arith.cmpi slt, %rem3A_1454, %lt3A_1457 : i32
        %lt3A_1459 = arith.constant 0 : i32
        %lt3A_1460 = arith.cmpi slt, %select_n3A_1453, %lt3A_1459 : i32
        %ne3A_1461 = arith.xori %lt3A_1458, %lt3A_1460 : i1
        %and3A_1462 = arith.andi %ne3A_1461, %ne3A_1456 : i1
        %add3A_1463 = arith.addi %rem3A_1454, %select_n3A_1453 : i32
        %select_n3A_1464 = arith.select %and3A_1462, %add3A_1463, %rem3A_1454 : i32
        %mul3A_1465 = arith.constant 64 : i32
        %mul3A_1466 = arith.muli %select_n3A_1464, %mul3A_1465 : i32
        %add3A_1467 = arith.addi %mul3A_2, %mul3A_1466 : i32
        %dma_wait3A_1468 = arith.constant 0 : i32
        %dma_wait3A_1469 = arith.constant 0 : i32
        %dma_wait3A_1470 = tpu.memref_slice %arg4[%select_n3A_1448, %dma_wait3A_1468, %dma_wait3A_1469] : memref<50x4096x128xf32, #tpu.memory_space<hbm>> -> memref<1x4096x128xf32, #tpu.memory_space<hbm>>
        %dma_wait3A_1471 = tpu.memref_squeeze %dma_wait3A_1470 : memref<1x4096x128xf32, #tpu.memory_space<hbm>> -> memref<4096x128xf32, #tpu.memory_space<hbm>>
        %dma_wait3A_1472 = arith.constant 0 : i32
        %dma_wait3A_1473 = tpu.memref_slice %dma_wait3A_1471[%add3A_1467, %dma_wait3A_1472] : memref<4096x128xf32, #tpu.memory_space<hbm>> -> memref<64x128xf32, #tpu.memory_space<hbm>>
        %dma_wait3A_1474 = arith.constant 0 : i32
        %dma_wait3A_1475 = arith.constant 0 : i32
        %dma_wait3A_1476 = tpu.memref_slice %arg4[%select_n3A_1448, %dma_wait3A_1474, %dma_wait3A_1475] : memref<50x4096x128xf32, #tpu.memory_space<hbm>> -> memref<1x4096x128xf32, #tpu.memory_space<hbm>>
        %dma_wait3A_1477 = tpu.memref_squeeze %dma_wait3A_1476 : memref<1x4096x128xf32, #tpu.memory_space<hbm>> -> memref<4096x128xf32, #tpu.memory_space<hbm>>
        %dma_wait3A_1478 = arith.constant 0 : i32
        %dma_wait3A_1479 = tpu.memref_slice %dma_wait3A_1477[%add3A_1467, %dma_wait3A_1478] : memref<4096x128xf32, #tpu.memory_space<hbm>> -> memref<64x128xf32, #tpu.memory_space<hbm>>
        tpu.wait_dma2 semaphore(%arg33 : memref<!tpu.dma_semaphore, #tpu.memory_space<semaphore_mem>>) src(%arg13 : memref<64x128xf32, #tpu.memory_space<vmem>>) dst(%dma_wait3A_1479 : memref<64x128xf32, #tpu.memory_space<hbm>>)
        %jit3A_1480 = arith.constant 2 : i32
        %div3A_1481 = arith.divsi %add3A_1397, %jit3A_1480 : i32
        %sign3A_1482 = arith.constant 0 : i32
        %sign3A_1483 = arith.cmpi sgt, %add3A_1397, %sign3A_1482 : i32
        %sign3A_1484 = arith.extui %sign3A_1483 : i1 to i32
        %sign3A_1485 = arith.constant 0 : i32
        %sign3A_1486 = arith.cmpi slt, %add3A_1397, %sign3A_1485 : i32
        %sign3A_1487 = arith.extui %sign3A_1486 : i1 to i32
        %sign3A_1488 = arith.subi %sign3A_1484, %sign3A_1487 : i32
        %sign3A_1489 = arith.constant 0 : i32
        %sign3A_1490 = arith.cmpi sgt, %jit3A_1480, %sign3A_1489 : i32
        %sign3A_1491 = arith.extui %sign3A_1490 : i1 to i32
        %sign3A_1492 = arith.constant 0 : i32
        %sign3A_1493 = arith.cmpi slt, %jit3A_1480, %sign3A_1492 : i32
        %sign3A_1494 = arith.extui %sign3A_1493 : i1 to i32
        %sign3A_1495 = arith.subi %sign3A_1491, %sign3A_1494 : i32
        %ne3A_1496 = arith.cmpi ne, %sign3A_1488, %sign3A_1495 : i32
        %rem3A_1497 = arith.remsi %add3A_1397, %jit3A_1480 : i32
        %ne3A_1498 = arith.constant 0 : i32
        %ne3A_1499 = arith.cmpi ne, %rem3A_1497, %ne3A_1498 : i32
        %and3A_1500 = arith.andi %ne3A_1496, %ne3A_1499 : i1
        %sub3A_1501 = arith.constant 1 : i32
        %sub3A_1502 = arith.subi %div3A_1481, %sub3A_1501 : i32
        %select_n3A_1503 = arith.select %and3A_1500, %sub3A_1502, %div3A_1481 : i32
        %jit3A_1504 = arith.constant 2 : i32
        %eq3A_1505 = arith.constant 0 : i32
        %eq3A_1506 = arith.cmpi eq, %jit3A_1504, %eq3A_1505 : i32
        %jit3A_1507 = arith.constant 1 : i32
        %select_n3A_1508 = arith.select %eq3A_1506, %jit3A_1507, %jit3A_1504 : i32
        %rem3A_1509 = arith.remsi %add3A_1397, %select_n3A_1508 : i32
        %ne3A_1510 = arith.constant 0 : i32
        %ne3A_1511 = arith.cmpi ne, %rem3A_1509, %ne3A_1510 : i32
        %lt3A_1512 = arith.constant 0 : i32
        %lt3A_1513 = arith.cmpi slt, %rem3A_1509, %lt3A_1512 : i32
        %lt3A_1514 = arith.constant 0 : i32
        %lt3A_1515 = arith.cmpi slt, %select_n3A_1508, %lt3A_1514 : i32
        %ne3A_1516 = arith.xori %lt3A_1513, %lt3A_1515 : i1
        %and3A_1517 = arith.andi %ne3A_1516, %ne3A_1511 : i1
        %add3A_1518 = arith.addi %rem3A_1509, %select_n3A_1508 : i32
        %select_n3A_1519 = arith.select %and3A_1517, %add3A_1518, %rem3A_1509 : i32
        %mul3A_1520 = arith.constant 64 : i32
        %mul3A_1521 = arith.muli %select_n3A_1519, %mul3A_1520 : i32
        %dma_start3A_1522 = arith.constant 0 : i32
        %dma_start3A_1523 = tpu.memref_slice %arg5[%select_n3A_1503, %dma_start3A_1522] : memref<50x128xi32, #tpu.memory_space<vmem>> -> memref<1x128xi32, #tpu.memory_space<vmem>>
        %dma_start3A_1524 = tpu.memref_squeeze %dma_start3A_1523 : memref<1x128xi32, #tpu.memory_space<vmem>> -> memref<128xi32, #tpu.memory_space<vmem>>
        %dma_start3A_1525 = tpu.memref_slice %dma_start3A_1524[%mul3A_1521] : memref<128xi32, #tpu.memory_space<vmem>> -> memref<64xi32, #tpu.memory_space<vmem>>
        %dma_start3A_1526 = arith.constant 0 : i32
        %dma_start3A_1527 = arith.constant 0 : i32
        %dma_start3A_1528 = tpu.memref_slice %arg3[%dma_start3A_1526, %dma_start3A_1527] : memref<100000x128xf32, #tpu.memory_space<hbm>> -> memref<100000x128xf32, #tpu.memory_space<hbm>>
        tpu.enqueue_indirect_dma source(%dma_start3A_1528 : memref<100000x128xf32, #tpu.memory_space<hbm>>) target(%arg13 : memref<64x128xf32, #tpu.memory_space<vmem>>) offsets(%dma_start3A_1525 : memref<64xi32, #tpu.memory_space<vmem>>) semaphore(%arg23 : memref<!tpu.dma_semaphore, #tpu.memory_space<semaphore_mem>>)
      } else {
      }
      %mul3A_1403 = arith.constant 10 : i32
      %mul3A_1404 = arith.muli %scan3A_246, %mul3A_1403 : i32
      %add3A_1405 = arith.constant 8 : i32
      %add3A_1406 = arith.addi %mul3A_1404, %add3A_1405 : i32
      %add3A_1407 = arith.constant 10 : i32
      %add3A_1408 = arith.addi %add3A_1406, %add3A_1407 : i32
      %lt3A_1409 = arith.constant 100 : i32
      %lt3A_1410 = arith.cmpi slt, %add3A_1408, %lt3A_1409 : i32
      %convert_element_type3A_1411 = arith.extui %lt3A_1410 : i1 to i32
      %cond3A_1412 = arith.constant 0 : i32
      %cond3A_1413 = arith.cmpi ne, %convert_element_type3A_1411, %cond3A_1412 : i32
      scf.if %cond3A_1413 {
        %jit3A_1425 = arith.constant 2 : i32
        %div3A_1426 = arith.divsi %add3A_1406, %jit3A_1425 : i32
        %sign3A_1427 = arith.constant 0 : i32
        %sign3A_1428 = arith.cmpi sgt, %add3A_1406, %sign3A_1427 : i32
        %sign3A_1429 = arith.extui %sign3A_1428 : i1 to i32
        %sign3A_1430 = arith.constant 0 : i32
        %sign3A_1431 = arith.cmpi slt, %add3A_1406, %sign3A_1430 : i32
        %sign3A_1432 = arith.extui %sign3A_1431 : i1 to i32
        %sign3A_1433 = arith.subi %sign3A_1429, %sign3A_1432 : i32
        %sign3A_1434 = arith.constant 0 : i32
        %sign3A_1435 = arith.cmpi sgt, %jit3A_1425, %sign3A_1434 : i32
        %sign3A_1436 = arith.extui %sign3A_1435 : i1 to i32
        %sign3A_1437 = arith.constant 0 : i32
        %sign3A_1438 = arith.cmpi slt, %jit3A_1425, %sign3A_1437 : i32
        %sign3A_1439 = arith.extui %sign3A_1438 : i1 to i32
        %sign3A_1440 = arith.subi %sign3A_1436, %sign3A_1439 : i32
        %ne3A_1441 = arith.cmpi ne, %sign3A_1433, %sign3A_1440 : i32
        %rem3A_1442 = arith.remsi %add3A_1406, %jit3A_1425 : i32
        %ne3A_1443 = arith.constant 0 : i32
        %ne3A_1444 = arith.cmpi ne, %rem3A_1442, %ne3A_1443 : i32
        %and3A_1445 = arith.andi %ne3A_1441, %ne3A_1444 : i1
        %sub3A_1446 = arith.constant 1 : i32
        %sub3A_1447 = arith.subi %div3A_1426, %sub3A_1446 : i32
        %select_n3A_1448 = arith.select %and3A_1445, %sub3A_1447, %div3A_1426 : i32
        %jit3A_1449 = arith.constant 2 : i32
        %eq3A_1450 = arith.constant 0 : i32
        %eq3A_1451 = arith.cmpi eq, %jit3A_1449, %eq3A_1450 : i32
        %jit3A_1452 = arith.constant 1 : i32
        %select_n3A_1453 = arith.select %eq3A_1451, %jit3A_1452, %jit3A_1449 : i32
        %rem3A_1454 = arith.remsi %add3A_1406, %select_n3A_1453 : i32
        %ne3A_1455 = arith.constant 0 : i32
        %ne3A_1456 = arith.cmpi ne, %rem3A_1454, %ne3A_1455 : i32
        %lt3A_1457 = arith.constant 0 : i32
        %lt3A_1458 = arith.cmpi slt, %rem3A_1454, %lt3A_1457 : i32
        %lt3A_1459 = arith.constant 0 : i32
        %lt3A_1460 = arith.cmpi slt, %select_n3A_1453, %lt3A_1459 : i32
        %ne3A_1461 = arith.xori %lt3A_1458, %lt3A_1460 : i1
        %and3A_1462 = arith.andi %ne3A_1461, %ne3A_1456 : i1
        %add3A_1463 = arith.addi %rem3A_1454, %select_n3A_1453 : i32
        %select_n3A_1464 = arith.select %and3A_1462, %add3A_1463, %rem3A_1454 : i32
        %mul3A_1465 = arith.constant 64 : i32
        %mul3A_1466 = arith.muli %select_n3A_1464, %mul3A_1465 : i32
        %add3A_1467 = arith.addi %mul3A_2, %mul3A_1466 : i32
        %dma_wait3A_1468 = arith.constant 0 : i32
        %dma_wait3A_1469 = arith.constant 0 : i32
        %dma_wait3A_1470 = tpu.memref_slice %arg4[%select_n3A_1448, %dma_wait3A_1468, %dma_wait3A_1469] : memref<50x4096x128xf32, #tpu.memory_space<hbm>> -> memref<1x4096x128xf32, #tpu.memory_space<hbm>>
        %dma_wait3A_1471 = tpu.memref_squeeze %dma_wait3A_1470 : memref<1x4096x128xf32, #tpu.memory_space<hbm>> -> memref<4096x128xf32, #tpu.memory_space<hbm>>
        %dma_wait3A_1472 = arith.constant 0 : i32
        %dma_wait3A_1473 = tpu.memref_slice %dma_wait3A_1471[%add3A_1467, %dma_wait3A_1472] : memref<4096x128xf32, #tpu.memory_space<hbm>> -> memref<64x128xf32, #tpu.memory_space<hbm>>
        %dma_wait3A_1474 = arith.constant 0 : i32
        %dma_wait3A_1475 = arith.constant 0 : i32
        %dma_wait3A_1476 = tpu.memref_slice %arg4[%select_n3A_1448, %dma_wait3A_1474, %dma_wait3A_1475] : memref<50x4096x128xf32, #tpu.memory_space<hbm>> -> memref<1x4096x128xf32, #tpu.memory_space<hbm>>
        %dma_wait3A_1477 = tpu.memref_squeeze %dma_wait3A_1476 : memref<1x4096x128xf32, #tpu.memory_space<hbm>> -> memref<4096x128xf32, #tpu.memory_space<hbm>>
        %dma_wait3A_1478 = arith.constant 0 : i32
        %dma_wait3A_1479 = tpu.memref_slice %dma_wait3A_1477[%add3A_1467, %dma_wait3A_1478] : memref<4096x128xf32, #tpu.memory_space<hbm>> -> memref<64x128xf32, #tpu.memory_space<hbm>>
        tpu.wait_dma2 semaphore(%arg34 : memref<!tpu.dma_semaphore, #tpu.memory_space<semaphore_mem>>) src(%arg14 : memref<64x128xf32, #tpu.memory_space<vmem>>) dst(%dma_wait3A_1479 : memref<64x128xf32, #tpu.memory_space<hbm>>)
        %jit3A_1480 = arith.constant 2 : i32
        %div3A_1481 = arith.divsi %add3A_1408, %jit3A_1480 : i32
        %sign3A_1482 = arith.constant 0 : i32
        %sign3A_1483 = arith.cmpi sgt, %add3A_1408, %sign3A_1482 : i32
        %sign3A_1484 = arith.extui %sign3A_1483 : i1 to i32
        %sign3A_1485 = arith.constant 0 : i32
        %sign3A_1486 = arith.cmpi slt, %add3A_1408, %sign3A_1485 : i32
        %sign3A_1487 = arith.extui %sign3A_1486 : i1 to i32
        %sign3A_1488 = arith.subi %sign3A_1484, %sign3A_1487 : i32
        %sign3A_1489 = arith.constant 0 : i32
        %sign3A_1490 = arith.cmpi sgt, %jit3A_1480, %sign3A_1489 : i32
        %sign3A_1491 = arith.extui %sign3A_1490 : i1 to i32
        %sign3A_1492 = arith.constant 0 : i32
        %sign3A_1493 = arith.cmpi slt, %jit3A_1480, %sign3A_1492 : i32
        %sign3A_1494 = arith.extui %sign3A_1493 : i1 to i32
        %sign3A_1495 = arith.subi %sign3A_1491, %sign3A_1494 : i32
        %ne3A_1496 = arith.cmpi ne, %sign3A_1488, %sign3A_1495 : i32
        %rem3A_1497 = arith.remsi %add3A_1408, %jit3A_1480 : i32
        %ne3A_1498 = arith.constant 0 : i32
        %ne3A_1499 = arith.cmpi ne, %rem3A_1497, %ne3A_1498 : i32
        %and3A_1500 = arith.andi %ne3A_1496, %ne3A_1499 : i1
        %sub3A_1501 = arith.constant 1 : i32
        %sub3A_1502 = arith.subi %div3A_1481, %sub3A_1501 : i32
        %select_n3A_1503 = arith.select %and3A_1500, %sub3A_1502, %div3A_1481 : i32
        %jit3A_1504 = arith.constant 2 : i32
        %eq3A_1505 = arith.constant 0 : i32
        %eq3A_1506 = arith.cmpi eq, %jit3A_1504, %eq3A_1505 : i32
        %jit3A_1507 = arith.constant 1 : i32
        %select_n3A_1508 = arith.select %eq3A_1506, %jit3A_1507, %jit3A_1504 : i32
        %rem3A_1509 = arith.remsi %add3A_1408, %select_n3A_1508 : i32
        %ne3A_1510 = arith.constant 0 : i32
        %ne3A_1511 = arith.cmpi ne, %rem3A_1509, %ne3A_1510 : i32
        %lt3A_1512 = arith.constant 0 : i32
        %lt3A_1513 = arith.cmpi slt, %rem3A_1509, %lt3A_1512 : i32
        %lt3A_1514 = arith.constant 0 : i32
        %lt3A_1515 = arith.cmpi slt, %select_n3A_1508, %lt3A_1514 : i32
        %ne3A_1516 = arith.xori %lt3A_1513, %lt3A_1515 : i1
        %and3A_1517 = arith.andi %ne3A_1516, %ne3A_1511 : i1
        %add3A_1518 = arith.addi %rem3A_1509, %select_n3A_1508 : i32
        %select_n3A_1519 = arith.select %and3A_1517, %add3A_1518, %rem3A_1509 : i32
        %mul3A_1520 = arith.constant 64 : i32
        %mul3A_1521 = arith.muli %select_n3A_1519, %mul3A_1520 : i32
        %dma_start3A_1522 = arith.constant 0 : i32
        %dma_start3A_1523 = tpu.memref_slice %arg5[%select_n3A_1503, %dma_start3A_1522] : memref<50x128xi32, #tpu.memory_space<vmem>> -> memref<1x128xi32, #tpu.memory_space<vmem>>
        %dma_start3A_1524 = tpu.memref_squeeze %dma_start3A_1523 : memref<1x128xi32, #tpu.memory_space<vmem>> -> memref<128xi32, #tpu.memory_space<vmem>>
        %dma_start3A_1525 = tpu.memref_slice %dma_start3A_1524[%mul3A_1521] : memref<128xi32, #tpu.memory_space<vmem>> -> memref<64xi32, #tpu.memory_space<vmem>>
        %dma_start3A_1526 = arith.constant 0 : i32
        %dma_start3A_1527 = arith.constant 0 : i32
        %dma_start3A_1528 = tpu.memref_slice %arg3[%dma_start3A_1526, %dma_start3A_1527] : memref<100000x128xf32, #tpu.memory_space<hbm>> -> memref<100000x128xf32, #tpu.memory_space<hbm>>
        tpu.enqueue_indirect_dma source(%dma_start3A_1528 : memref<100000x128xf32, #tpu.memory_space<hbm>>) target(%arg14 : memref<64x128xf32, #tpu.memory_space<vmem>>) offsets(%dma_start3A_1525 : memref<64xi32, #tpu.memory_space<vmem>>) semaphore(%arg24 : memref<!tpu.dma_semaphore, #tpu.memory_space<semaphore_mem>>)
      } else {
      }
      %mul3A_1414 = arith.constant 10 : i32
      %mul3A_1415 = arith.muli %scan3A_246, %mul3A_1414 : i32
      %add3A_1416 = arith.constant 9 : i32
      %add3A_1417 = arith.addi %mul3A_1415, %add3A_1416 : i32
      %add3A_1418 = arith.constant 10 : i32
      %add3A_1419 = arith.addi %add3A_1417, %add3A_1418 : i32
      %lt3A_1420 = arith.constant 100 : i32
      %lt3A_1421 = arith.cmpi slt, %add3A_1419, %lt3A_1420 : i32
      %convert_element_type3A_1422 = arith.extui %lt3A_1421 : i1 to i32
      %cond3A_1423 = arith.constant 0 : i32
      %cond3A_1424 = arith.cmpi ne, %convert_element_type3A_1422, %cond3A_1423 : i32
      scf.if %cond3A_1424 {
        %jit3A_1425 = arith.constant 2 : i32
        %div3A_1426 = arith.divsi %add3A_1417, %jit3A_1425 : i32
        %sign3A_1427 = arith.constant 0 : i32
        %sign3A_1428 = arith.cmpi sgt, %add3A_1417, %sign3A_1427 : i32
        %sign3A_1429 = arith.extui %sign3A_1428 : i1 to i32
        %sign3A_1430 = arith.constant 0 : i32
        %sign3A_1431 = arith.cmpi slt, %add3A_1417, %sign3A_1430 : i32
        %sign3A_1432 = arith.extui %sign3A_1431 : i1 to i32
        %sign3A_1433 = arith.subi %sign3A_1429, %sign3A_1432 : i32
        %sign3A_1434 = arith.constant 0 : i32
        %sign3A_1435 = arith.cmpi sgt, %jit3A_1425, %sign3A_1434 : i32
        %sign3A_1436 = arith.extui %sign3A_1435 : i1 to i32
        %sign3A_1437 = arith.constant 0 : i32
        %sign3A_1438 = arith.cmpi slt, %jit3A_1425, %sign3A_1437 : i32
        %sign3A_1439 = arith.extui %sign3A_1438 : i1 to i32
        %sign3A_1440 = arith.subi %sign3A_1436, %sign3A_1439 : i32
        %ne3A_1441 = arith.cmpi ne, %sign3A_1433, %sign3A_1440 : i32
        %rem3A_1442 = arith.remsi %add3A_1417, %jit3A_1425 : i32
        %ne3A_1443 = arith.constant 0 : i32
        %ne3A_1444 = arith.cmpi ne, %rem3A_1442, %ne3A_1443 : i32
        %and3A_1445 = arith.andi %ne3A_1441, %ne3A_1444 : i1
        %sub3A_1446 = arith.constant 1 : i32
        %sub3A_1447 = arith.subi %div3A_1426, %sub3A_1446 : i32
        %select_n3A_1448 = arith.select %and3A_1445, %sub3A_1447, %div3A_1426 : i32
        %jit3A_1449 = arith.constant 2 : i32
        %eq3A_1450 = arith.constant 0 : i32
        %eq3A_1451 = arith.cmpi eq, %jit3A_1449, %eq3A_1450 : i32
        %jit3A_1452 = arith.constant 1 : i32
        %select_n3A_1453 = arith.select %eq3A_1451, %jit3A_1452, %jit3A_1449 : i32
        %rem3A_1454 = arith.remsi %add3A_1417, %select_n3A_1453 : i32
        %ne3A_1455 = arith.constant 0 : i32
        %ne3A_1456 = arith.cmpi ne, %rem3A_1454, %ne3A_1455 : i32
        %lt3A_1457 = arith.constant 0 : i32
        %lt3A_1458 = arith.cmpi slt, %rem3A_1454, %lt3A_1457 : i32
        %lt3A_1459 = arith.constant 0 : i32
        %lt3A_1460 = arith.cmpi slt, %select_n3A_1453, %lt3A_1459 : i32
        %ne3A_1461 = arith.xori %lt3A_1458, %lt3A_1460 : i1
        %and3A_1462 = arith.andi %ne3A_1461, %ne3A_1456 : i1
        %add3A_1463 = arith.addi %rem3A_1454, %select_n3A_1453 : i32
        %select_n3A_1464 = arith.select %and3A_1462, %add3A_1463, %rem3A_1454 : i32
        %mul3A_1465 = arith.constant 64 : i32
        %mul3A_1466 = arith.muli %select_n3A_1464, %mul3A_1465 : i32
        %add3A_1467 = arith.addi %mul3A_2, %mul3A_1466 : i32
        %dma_wait3A_1468 = arith.constant 0 : i32
        %dma_wait3A_1469 = arith.constant 0 : i32
        %dma_wait3A_1470 = tpu.memref_slice %arg4[%select_n3A_1448, %dma_wait3A_1468, %dma_wait3A_1469] : memref<50x4096x128xf32, #tpu.memory_space<hbm>> -> memref<1x4096x128xf32, #tpu.memory_space<hbm>>
        %dma_wait3A_1471 = tpu.memref_squeeze %dma_wait3A_1470 : memref<1x4096x128xf32, #tpu.memory_space<hbm>> -> memref<4096x128xf32, #tpu.memory_space<hbm>>
        %dma_wait3A_1472 = arith.constant 0 : i32
        %dma_wait3A_1473 = tpu.memref_slice %dma_wait3A_1471[%add3A_1467, %dma_wait3A_1472] : memref<4096x128xf32, #tpu.memory_space<hbm>> -> memref<64x128xf32, #tpu.memory_space<hbm>>
        %dma_wait3A_1474 = arith.constant 0 : i32
        %dma_wait3A_1475 = arith.constant 0 : i32
        %dma_wait3A_1476 = tpu.memref_slice %arg4[%select_n3A_1448, %dma_wait3A_1474, %dma_wait3A_1475] : memref<50x4096x128xf32, #tpu.memory_space<hbm>> -> memref<1x4096x128xf32, #tpu.memory_space<hbm>>
        %dma_wait3A_1477 = tpu.memref_squeeze %dma_wait3A_1476 : memref<1x4096x128xf32, #tpu.memory_space<hbm>> -> memref<4096x128xf32, #tpu.memory_space<hbm>>
        %dma_wait3A_1478 = arith.constant 0 : i32
        %dma_wait3A_1479 = tpu.memref_slice %dma_wait3A_1477[%add3A_1467, %dma_wait3A_1478] : memref<4096x128xf32, #tpu.memory_space<hbm>> -> memref<64x128xf32, #tpu.memory_space<hbm>>
        tpu.wait_dma2 semaphore(%arg35 : memref<!tpu.dma_semaphore, #tpu.memory_space<semaphore_mem>>) src(%arg15 : memref<64x128xf32, #tpu.memory_space<vmem>>) dst(%dma_wait3A_1479 : memref<64x128xf32, #tpu.memory_space<hbm>>)
        %jit3A_1480 = arith.constant 2 : i32
        %div3A_1481 = arith.divsi %add3A_1419, %jit3A_1480 : i32
        %sign3A_1482 = arith.constant 0 : i32
        %sign3A_1483 = arith.cmpi sgt, %add3A_1419, %sign3A_1482 : i32
        %sign3A_1484 = arith.extui %sign3A_1483 : i1 to i32
        %sign3A_1485 = arith.constant 0 : i32
        %sign3A_1486 = arith.cmpi slt, %add3A_1419, %sign3A_1485 : i32
        %sign3A_1487 = arith.extui %sign3A_1486 : i1 to i32
        %sign3A_1488 = arith.subi %sign3A_1484, %sign3A_1487 : i32
        %sign3A_1489 = arith.constant 0 : i32
        %sign3A_1490 = arith.cmpi sgt, %jit3A_1480, %sign3A_1489 : i32
        %sign3A_1491 = arith.extui %sign3A_1490 : i1 to i32
        %sign3A_1492 = arith.constant 0 : i32
        %sign3A_1493 = arith.cmpi slt, %jit3A_1480, %sign3A_1492 : i32
        %sign3A_1494 = arith.extui %sign3A_1493 : i1 to i32
        %sign3A_1495 = arith.subi %sign3A_1491, %sign3A_1494 : i32
        %ne3A_1496 = arith.cmpi ne, %sign3A_1488, %sign3A_1495 : i32
        %rem3A_1497 = arith.remsi %add3A_1419, %jit3A_1480 : i32
        %ne3A_1498 = arith.constant 0 : i32
        %ne3A_1499 = arith.cmpi ne, %rem3A_1497, %ne3A_1498 : i32
        %and3A_1500 = arith.andi %ne3A_1496, %ne3A_1499 : i1
        %sub3A_1501 = arith.constant 1 : i32
        %sub3A_1502 = arith.subi %div3A_1481, %sub3A_1501 : i32
        %select_n3A_1503 = arith.select %and3A_1500, %sub3A_1502, %div3A_1481 : i32
        %jit3A_1504 = arith.constant 2 : i32
        %eq3A_1505 = arith.constant 0 : i32
        %eq3A_1506 = arith.cmpi eq, %jit3A_1504, %eq3A_1505 : i32
        %jit3A_1507 = arith.constant 1 : i32
        %select_n3A_1508 = arith.select %eq3A_1506, %jit3A_1507, %jit3A_1504 : i32
        %rem3A_1509 = arith.remsi %add3A_1419, %select_n3A_1508 : i32
        %ne3A_1510 = arith.constant 0 : i32
        %ne3A_1511 = arith.cmpi ne, %rem3A_1509, %ne3A_1510 : i32
        %lt3A_1512 = arith.constant 0 : i32
        %lt3A_1513 = arith.cmpi slt, %rem3A_1509, %lt3A_1512 : i32
        %lt3A_1514 = arith.constant 0 : i32
        %lt3A_1515 = arith.cmpi slt, %select_n3A_1508, %lt3A_1514 : i32
        %ne3A_1516 = arith.xori %lt3A_1513, %lt3A_1515 : i1
        %and3A_1517 = arith.andi %ne3A_1516, %ne3A_1511 : i1
        %add3A_1518 = arith.addi %rem3A_1509, %select_n3A_1508 : i32
        %select_n3A_1519 = arith.select %and3A_1517, %add3A_1518, %rem3A_1509 : i32
        %mul3A_1520 = arith.constant 64 : i32
        %mul3A_1521 = arith.muli %select_n3A_1519, %mul3A_1520 : i32
        %dma_start3A_1522 = arith.constant 0 : i32
        %dma_start3A_1523 = tpu.memref_slice %arg5[%select_n3A_1503, %dma_start3A_1522] : memref<50x128xi32, #tpu.memory_space<vmem>> -> memref<1x128xi32, #tpu.memory_space<vmem>>
        %dma_start3A_1524 = tpu.memref_squeeze %dma_start3A_1523 : memref<1x128xi32, #tpu.memory_space<vmem>> -> memref<128xi32, #tpu.memory_space<vmem>>
        %dma_start3A_1525 = tpu.memref_slice %dma_start3A_1524[%mul3A_1521] : memref<128xi32, #tpu.memory_space<vmem>> -> memref<64xi32, #tpu.memory_space<vmem>>
        %dma_start3A_1526 = arith.constant 0 : i32
        %dma_start3A_1527 = arith.constant 0 : i32
        %dma_start3A_1528 = tpu.memref_slice %arg3[%dma_start3A_1526, %dma_start3A_1527] : memref<100000x128xf32, #tpu.memory_space<hbm>> -> memref<100000x128xf32, #tpu.memory_space<hbm>>
        tpu.enqueue_indirect_dma source(%dma_start3A_1528 : memref<100000x128xf32, #tpu.memory_space<hbm>>) target(%arg15 : memref<64x128xf32, #tpu.memory_space<vmem>>) offsets(%dma_start3A_1525 : memref<64xi32, #tpu.memory_space<vmem>>) semaphore(%arg25 : memref<!tpu.dma_semaphore, #tpu.memory_space<semaphore_mem>>)
      } else {
      }
    }
    %scan3A_96 = arith.constant 10 : i32
    %add3A_97 = arith.constant 0 : i32
    %add3A_98 = arith.addi %mul3A_2, %add3A_97 : i32
    %dma_wait3A = arith.constant 45 : i32
    %dma_wait3A_99 = arith.constant 0 : i32
    %dma_wait3A_100 = arith.constant 0 : i32
    %dma_wait3A_101 = tpu.memref_slice %arg4[%dma_wait3A, %dma_wait3A_99, %dma_wait3A_100] : memref<50x4096x128xf32, #tpu.memory_space<hbm>> -> memref<1x4096x128xf32, #tpu.memory_space<hbm>>
    %dma_wait3A_102 = tpu.memref_squeeze %dma_wait3A_101 : memref<1x4096x128xf32, #tpu.memory_space<hbm>> -> memref<4096x128xf32, #tpu.memory_space<hbm>>
    %dma_wait3A_103 = arith.constant 0 : i32
    %dma_wait3A_104 = tpu.memref_slice %dma_wait3A_102[%add3A_98, %dma_wait3A_103] : memref<4096x128xf32, #tpu.memory_space<hbm>> -> memref<64x128xf32, #tpu.memory_space<hbm>>
    %dma_wait3A_105 = arith.constant 0 : i32
    %dma_wait3A_106 = arith.constant 0 : i32
    %dma_wait3A_107 = tpu.memref_slice %arg4[%dma_wait3A, %dma_wait3A_105, %dma_wait3A_106] : memref<50x4096x128xf32, #tpu.memory_space<hbm>> -> memref<1x4096x128xf32, #tpu.memory_space<hbm>>
    %dma_wait3A_108 = tpu.memref_squeeze %dma_wait3A_107 : memref<1x4096x128xf32, #tpu.memory_space<hbm>> -> memref<4096x128xf32, #tpu.memory_space<hbm>>
    %dma_wait3A_109 = arith.constant 0 : i32
    %dma_wait3A_110 = tpu.memref_slice %dma_wait3A_108[%add3A_98, %dma_wait3A_109] : memref<4096x128xf32, #tpu.memory_space<hbm>> -> memref<64x128xf32, #tpu.memory_space<hbm>>
    tpu.wait_dma2 semaphore(%arg26 : memref<!tpu.dma_semaphore, #tpu.memory_space<semaphore_mem>>) src(%arg6 : memref<64x128xf32, #tpu.memory_space<vmem>>) dst(%dma_wait3A_110 : memref<64x128xf32, #tpu.memory_space<hbm>>)
    %add3A_111 = arith.constant 64 : i32
    %add3A_112 = arith.addi %mul3A_2, %add3A_111 : i32
    %dma_wait3A_113 = arith.constant 45 : i32
    %dma_wait3A_114 = arith.constant 0 : i32
    %dma_wait3A_115 = arith.constant 0 : i32
    %dma_wait3A_116 = tpu.memref_slice %arg4[%dma_wait3A_113, %dma_wait3A_114, %dma_wait3A_115] : memref<50x4096x128xf32, #tpu.memory_space<hbm>> -> memref<1x4096x128xf32, #tpu.memory_space<hbm>>
    %dma_wait3A_117 = tpu.memref_squeeze %dma_wait3A_116 : memref<1x4096x128xf32, #tpu.memory_space<hbm>> -> memref<4096x128xf32, #tpu.memory_space<hbm>>
    %dma_wait3A_118 = arith.constant 0 : i32
    %dma_wait3A_119 = tpu.memref_slice %dma_wait3A_117[%add3A_112, %dma_wait3A_118] : memref<4096x128xf32, #tpu.memory_space<hbm>> -> memref<64x128xf32, #tpu.memory_space<hbm>>
    %dma_wait3A_120 = arith.constant 0 : i32
    %dma_wait3A_121 = arith.constant 0 : i32
    %dma_wait3A_122 = tpu.memref_slice %arg4[%dma_wait3A_113, %dma_wait3A_120, %dma_wait3A_121] : memref<50x4096x128xf32, #tpu.memory_space<hbm>> -> memref<1x4096x128xf32, #tpu.memory_space<hbm>>
    %dma_wait3A_123 = tpu.memref_squeeze %dma_wait3A_122 : memref<1x4096x128xf32, #tpu.memory_space<hbm>> -> memref<4096x128xf32, #tpu.memory_space<hbm>>
    %dma_wait3A_124 = arith.constant 0 : i32
    %dma_wait3A_125 = tpu.memref_slice %dma_wait3A_123[%add3A_112, %dma_wait3A_124] : memref<4096x128xf32, #tpu.memory_space<hbm>> -> memref<64x128xf32, #tpu.memory_space<hbm>>
    tpu.wait_dma2 semaphore(%arg27 : memref<!tpu.dma_semaphore, #tpu.memory_space<semaphore_mem>>) src(%arg7 : memref<64x128xf32, #tpu.memory_space<vmem>>) dst(%dma_wait3A_125 : memref<64x128xf32, #tpu.memory_space<hbm>>)
    %add3A_126 = arith.constant 0 : i32
    %add3A_127 = arith.addi %mul3A_2, %add3A_126 : i32
    %dma_wait3A_128 = arith.constant 46 : i32
    %dma_wait3A_129 = arith.constant 0 : i32
    %dma_wait3A_130 = arith.constant 0 : i32
    %dma_wait3A_131 = tpu.memref_slice %arg4[%dma_wait3A_128, %dma_wait3A_129, %dma_wait3A_130] : memref<50x4096x128xf32, #tpu.memory_space<hbm>> -> memref<1x4096x128xf32, #tpu.memory_space<hbm>>
    %dma_wait3A_132 = tpu.memref_squeeze %dma_wait3A_131 : memref<1x4096x128xf32, #tpu.memory_space<hbm>> -> memref<4096x128xf32, #tpu.memory_space<hbm>>
    %dma_wait3A_133 = arith.constant 0 : i32
    %dma_wait3A_134 = tpu.memref_slice %dma_wait3A_132[%add3A_127, %dma_wait3A_133] : memref<4096x128xf32, #tpu.memory_space<hbm>> -> memref<64x128xf32, #tpu.memory_space<hbm>>
    %dma_wait3A_135 = arith.constant 0 : i32
    %dma_wait3A_136 = arith.constant 0 : i32
    %dma_wait3A_137 = tpu.memref_slice %arg4[%dma_wait3A_128, %dma_wait3A_135, %dma_wait3A_136] : memref<50x4096x128xf32, #tpu.memory_space<hbm>> -> memref<1x4096x128xf32, #tpu.memory_space<hbm>>
    %dma_wait3A_138 = tpu.memref_squeeze %dma_wait3A_137 : memref<1x4096x128xf32, #tpu.memory_space<hbm>> -> memref<4096x128xf32, #tpu.memory_space<hbm>>
    %dma_wait3A_139 = arith.constant 0 : i32
    %dma_wait3A_140 = tpu.memref_slice %dma_wait3A_138[%add3A_127, %dma_wait3A_139] : memref<4096x128xf32, #tpu.memory_space<hbm>> -> memref<64x128xf32, #tpu.memory_space<hbm>>
    tpu.wait_dma2 semaphore(%arg28 : memref<!tpu.dma_semaphore, #tpu.memory_space<semaphore_mem>>) src(%arg8 : memref<64x128xf32, #tpu.memory_space<vmem>>) dst(%dma_wait3A_140 : memref<64x128xf32, #tpu.memory_space<hbm>>)
    %add3A_141 = arith.constant 64 : i32
    %add3A_142 = arith.addi %mul3A_2, %add3A_141 : i32
    %dma_wait3A_143 = arith.constant 46 : i32
    %dma_wait3A_144 = arith.constant 0 : i32
    %dma_wait3A_145 = arith.constant 0 : i32
    %dma_wait3A_146 = tpu.memref_slice %arg4[%dma_wait3A_143, %dma_wait3A_144, %dma_wait3A_145] : memref<50x4096x128xf32, #tpu.memory_space<hbm>> -> memref<1x4096x128xf32, #tpu.memory_space<hbm>>
    %dma_wait3A_147 = tpu.memref_squeeze %dma_wait3A_146 : memref<1x4096x128xf32, #tpu.memory_space<hbm>> -> memref<4096x128xf32, #tpu.memory_space<hbm>>
    %dma_wait3A_148 = arith.constant 0 : i32
    %dma_wait3A_149 = tpu.memref_slice %dma_wait3A_147[%add3A_142, %dma_wait3A_148] : memref<4096x128xf32, #tpu.memory_space<hbm>> -> memref<64x128xf32, #tpu.memory_space<hbm>>
    %dma_wait3A_150 = arith.constant 0 : i32
    %dma_wait3A_151 = arith.constant 0 : i32
    %dma_wait3A_152 = tpu.memref_slice %arg4[%dma_wait3A_143, %dma_wait3A_150, %dma_wait3A_151] : memref<50x4096x128xf32, #tpu.memory_space<hbm>> -> memref<1x4096x128xf32, #tpu.memory_space<hbm>>
    %dma_wait3A_153 = tpu.memref_squeeze %dma_wait3A_152 : memref<1x4096x128xf32, #tpu.memory_space<hbm>> -> memref<4096x128xf32, #tpu.memory_space<hbm>>
    %dma_wait3A_154 = arith.constant 0 : i32
    %dma_wait3A_155 = tpu.memref_slice %dma_wait3A_153[%add3A_142, %dma_wait3A_154] : memref<4096x128xf32, #tpu.memory_space<hbm>> -> memref<64x128xf32, #tpu.memory_space<hbm>>
    tpu.wait_dma2 semaphore(%arg29 : memref<!tpu.dma_semaphore, #tpu.memory_space<semaphore_mem>>) src(%arg9 : memref<64x128xf32, #tpu.memory_space<vmem>>) dst(%dma_wait3A_155 : memref<64x128xf32, #tpu.memory_space<hbm>>)
    %add3A_156 = arith.constant 0 : i32
    %add3A_157 = arith.addi %mul3A_2, %add3A_156 : i32
    %dma_wait3A_158 = arith.constant 47 : i32
    %dma_wait3A_159 = arith.constant 0 : i32
    %dma_wait3A_160 = arith.constant 0 : i32
    %dma_wait3A_161 = tpu.memref_slice %arg4[%dma_wait3A_158, %dma_wait3A_159, %dma_wait3A_160] : memref<50x4096x128xf32, #tpu.memory_space<hbm>> -> memref<1x4096x128xf32, #tpu.memory_space<hbm>>
    %dma_wait3A_162 = tpu.memref_squeeze %dma_wait3A_161 : memref<1x4096x128xf32, #tpu.memory_space<hbm>> -> memref<4096x128xf32, #tpu.memory_space<hbm>>
    %dma_wait3A_163 = arith.constant 0 : i32
    %dma_wait3A_164 = tpu.memref_slice %dma_wait3A_162[%add3A_157, %dma_wait3A_163] : memref<4096x128xf32, #tpu.memory_space<hbm>> -> memref<64x128xf32, #tpu.memory_space<hbm>>
    %dma_wait3A_165 = arith.constant 0 : i32
    %dma_wait3A_166 = arith.constant 0 : i32
    %dma_wait3A_167 = tpu.memref_slice %arg4[%dma_wait3A_158, %dma_wait3A_165, %dma_wait3A_166] : memref<50x4096x128xf32, #tpu.memory_space<hbm>> -> memref<1x4096x128xf32, #tpu.memory_space<hbm>>
    %dma_wait3A_168 = tpu.memref_squeeze %dma_wait3A_167 : memref<1x4096x128xf32, #tpu.memory_space<hbm>> -> memref<4096x128xf32, #tpu.memory_space<hbm>>
    %dma_wait3A_169 = arith.constant 0 : i32
    %dma_wait3A_170 = tpu.memref_slice %dma_wait3A_168[%add3A_157, %dma_wait3A_169] : memref<4096x128xf32, #tpu.memory_space<hbm>> -> memref<64x128xf32, #tpu.memory_space<hbm>>
    tpu.wait_dma2 semaphore(%arg30 : memref<!tpu.dma_semaphore, #tpu.memory_space<semaphore_mem>>) src(%arg10 : memref<64x128xf32, #tpu.memory_space<vmem>>) dst(%dma_wait3A_170 : memref<64x128xf32, #tpu.memory_space<hbm>>)
    %add3A_171 = arith.constant 64 : i32
    %add3A_172 = arith.addi %mul3A_2, %add3A_171 : i32
    %dma_wait3A_173 = arith.constant 47 : i32
    %dma_wait3A_174 = arith.constant 0 : i32
    %dma_wait3A_175 = arith.constant 0 : i32
    %dma_wait3A_176 = tpu.memref_slice %arg4[%dma_wait3A_173, %dma_wait3A_174, %dma_wait3A_175] : memref<50x4096x128xf32, #tpu.memory_space<hbm>> -> memref<1x4096x128xf32, #tpu.memory_space<hbm>>
    %dma_wait3A_177 = tpu.memref_squeeze %dma_wait3A_176 : memref<1x4096x128xf32, #tpu.memory_space<hbm>> -> memref<4096x128xf32, #tpu.memory_space<hbm>>
    %dma_wait3A_178 = arith.constant 0 : i32
    %dma_wait3A_179 = tpu.memref_slice %dma_wait3A_177[%add3A_172, %dma_wait3A_178] : memref<4096x128xf32, #tpu.memory_space<hbm>> -> memref<64x128xf32, #tpu.memory_space<hbm>>
    %dma_wait3A_180 = arith.constant 0 : i32
    %dma_wait3A_181 = arith.constant 0 : i32
    %dma_wait3A_182 = tpu.memref_slice %arg4[%dma_wait3A_173, %dma_wait3A_180, %dma_wait3A_181] : memref<50x4096x128xf32, #tpu.memory_space<hbm>> -> memref<1x4096x128xf32, #tpu.memory_space<hbm>>
    %dma_wait3A_183 = tpu.memref_squeeze %dma_wait3A_182 : memref<1x4096x128xf32, #tpu.memory_space<hbm>> -> memref<4096x128xf32, #tpu.memory_space<hbm>>
    %dma_wait3A_184 = arith.constant 0 : i32
    %dma_wait3A_185 = tpu.memref_slice %dma_wait3A_183[%add3A_172, %dma_wait3A_184] : memref<4096x128xf32, #tpu.memory_space<hbm>> -> memref<64x128xf32, #tpu.memory_space<hbm>>
    tpu.wait_dma2 semaphore(%arg31 : memref<!tpu.dma_semaphore, #tpu.memory_space<semaphore_mem>>) src(%arg11 : memref<64x128xf32, #tpu.memory_space<vmem>>) dst(%dma_wait3A_185 : memref<64x128xf32, #tpu.memory_space<hbm>>)
    %add3A_186 = arith.constant 0 : i32
    %add3A_187 = arith.addi %mul3A_2, %add3A_186 : i32
    %dma_wait3A_188 = arith.constant 48 : i32
    %dma_wait3A_189 = arith.constant 0 : i32
    %dma_wait3A_190 = arith.constant 0 : i32
    %dma_wait3A_191 = tpu.memref_slice %arg4[%dma_wait3A_188, %dma_wait3A_189, %dma_wait3A_190] : memref<50x4096x128xf32, #tpu.memory_space<hbm>> -> memref<1x4096x128xf32, #tpu.memory_space<hbm>>
    %dma_wait3A_192 = tpu.memref_squeeze %dma_wait3A_191 : memref<1x4096x128xf32, #tpu.memory_space<hbm>> -> memref<4096x128xf32, #tpu.memory_space<hbm>>
    %dma_wait3A_193 = arith.constant 0 : i32
    %dma_wait3A_194 = tpu.memref_slice %dma_wait3A_192[%add3A_187, %dma_wait3A_193] : memref<4096x128xf32, #tpu.memory_space<hbm>> -> memref<64x128xf32, #tpu.memory_space<hbm>>
    %dma_wait3A_195 = arith.constant 0 : i32
    %dma_wait3A_196 = arith.constant 0 : i32
    %dma_wait3A_197 = tpu.memref_slice %arg4[%dma_wait3A_188, %dma_wait3A_195, %dma_wait3A_196] : memref<50x4096x128xf32, #tpu.memory_space<hbm>> -> memref<1x4096x128xf32, #tpu.memory_space<hbm>>
    %dma_wait3A_198 = tpu.memref_squeeze %dma_wait3A_197 : memref<1x4096x128xf32, #tpu.memory_space<hbm>> -> memref<4096x128xf32, #tpu.memory_space<hbm>>
    %dma_wait3A_199 = arith.constant 0 : i32
    %dma_wait3A_200 = tpu.memref_slice %dma_wait3A_198[%add3A_187, %dma_wait3A_199] : memref<4096x128xf32, #tpu.memory_space<hbm>> -> memref<64x128xf32, #tpu.memory_space<hbm>>
    tpu.wait_dma2 semaphore(%arg32 : memref<!tpu.dma_semaphore, #tpu.memory_space<semaphore_mem>>) src(%arg12 : memref<64x128xf32, #tpu.memory_space<vmem>>) dst(%dma_wait3A_200 : memref<64x128xf32, #tpu.memory_space<hbm>>)
    %add3A_201 = arith.constant 64 : i32
    %add3A_202 = arith.addi %mul3A_2, %add3A_201 : i32
    %dma_wait3A_203 = arith.constant 48 : i32
    %dma_wait3A_204 = arith.constant 0 : i32
    %dma_wait3A_205 = arith.constant 0 : i32
    %dma_wait3A_206 = tpu.memref_slice %arg4[%dma_wait3A_203, %dma_wait3A_204, %dma_wait3A_205] : memref<50x4096x128xf32, #tpu.memory_space<hbm>> -> memref<1x4096x128xf32, #tpu.memory_space<hbm>>
    %dma_wait3A_207 = tpu.memref_squeeze %dma_wait3A_206 : memref<1x4096x128xf32, #tpu.memory_space<hbm>> -> memref<4096x128xf32, #tpu.memory_space<hbm>>
    %dma_wait3A_208 = arith.constant 0 : i32
    %dma_wait3A_209 = tpu.memref_slice %dma_wait3A_207[%add3A_202, %dma_wait3A_208] : memref<4096x128xf32, #tpu.memory_space<hbm>> -> memref<64x128xf32, #tpu.memory_space<hbm>>
    %dma_wait3A_210 = arith.constant 0 : i32
    %dma_wait3A_211 = arith.constant 0 : i32
    %dma_wait3A_212 = tpu.memref_slice %arg4[%dma_wait3A_203, %dma_wait3A_210, %dma_wait3A_211] : memref<50x4096x128xf32, #tpu.memory_space<hbm>> -> memref<1x4096x128xf32, #tpu.memory_space<hbm>>
    %dma_wait3A_213 = tpu.memref_squeeze %dma_wait3A_212 : memref<1x4096x128xf32, #tpu.memory_space<hbm>> -> memref<4096x128xf32, #tpu.memory_space<hbm>>
    %dma_wait3A_214 = arith.constant 0 : i32
    %dma_wait3A_215 = tpu.memref_slice %dma_wait3A_213[%add3A_202, %dma_wait3A_214] : memref<4096x128xf32, #tpu.memory_space<hbm>> -> memref<64x128xf32, #tpu.memory_space<hbm>>
    tpu.wait_dma2 semaphore(%arg33 : memref<!tpu.dma_semaphore, #tpu.memory_space<semaphore_mem>>) src(%arg13 : memref<64x128xf32, #tpu.memory_space<vmem>>) dst(%dma_wait3A_215 : memref<64x128xf32, #tpu.memory_space<hbm>>)
    %add3A_216 = arith.constant 0 : i32
    %add3A_217 = arith.addi %mul3A_2, %add3A_216 : i32
    %dma_wait3A_218 = arith.constant 49 : i32
    %dma_wait3A_219 = arith.constant 0 : i32
    %dma_wait3A_220 = arith.constant 0 : i32
    %dma_wait3A_221 = tpu.memref_slice %arg4[%dma_wait3A_218, %dma_wait3A_219, %dma_wait3A_220] : memref<50x4096x128xf32, #tpu.memory_space<hbm>> -> memref<1x4096x128xf32, #tpu.memory_space<hbm>>
    %dma_wait3A_222 = tpu.memref_squeeze %dma_wait3A_221 : memref<1x4096x128xf32, #tpu.memory_space<hbm>> -> memref<4096x128xf32, #tpu.memory_space<hbm>>
    %dma_wait3A_223 = arith.constant 0 : i32
    %dma_wait3A_224 = tpu.memref_slice %dma_wait3A_222[%add3A_217, %dma_wait3A_223] : memref<4096x128xf32, #tpu.memory_space<hbm>> -> memref<64x128xf32, #tpu.memory_space<hbm>>
    %dma_wait3A_225 = arith.constant 0 : i32
    %dma_wait3A_226 = arith.constant 0 : i32
    %dma_wait3A_227 = tpu.memref_slice %arg4[%dma_wait3A_218, %dma_wait3A_225, %dma_wait3A_226] : memref<50x4096x128xf32, #tpu.memory_space<hbm>> -> memref<1x4096x128xf32, #tpu.memory_space<hbm>>
    %dma_wait3A_228 = tpu.memref_squeeze %dma_wait3A_227 : memref<1x4096x128xf32, #tpu.memory_space<hbm>> -> memref<4096x128xf32, #tpu.memory_space<hbm>>
    %dma_wait3A_229 = arith.constant 0 : i32
    %dma_wait3A_230 = tpu.memref_slice %dma_wait3A_228[%add3A_217, %dma_wait3A_229] : memref<4096x128xf32, #tpu.memory_space<hbm>> -> memref<64x128xf32, #tpu.memory_space<hbm>>
    tpu.wait_dma2 semaphore(%arg34 : memref<!tpu.dma_semaphore, #tpu.memory_space<semaphore_mem>>) src(%arg14 : memref<64x128xf32, #tpu.memory_space<vmem>>) dst(%dma_wait3A_230 : memref<64x128xf32, #tpu.memory_space<hbm>>)
    %add3A_231 = arith.constant 64 : i32
    %add3A_232 = arith.addi %mul3A_2, %add3A_231 : i32
    %dma_wait3A_233 = arith.constant 49 : i32
    %dma_wait3A_234 = arith.constant 0 : i32
    %dma_wait3A_235 = arith.constant 0 : i32
    %dma_wait3A_236 = tpu.memref_slice %arg4[%dma_wait3A_233, %dma_wait3A_234, %dma_wait3A_235] : memref<50x4096x128xf32, #tpu.memory_space<hbm>> -> memref<1x4096x128xf32, #tpu.memory_space<hbm>>
    %dma_wait3A_237 = tpu.memref_squeeze %dma_wait3A_236 : memref<1x4096x128xf32, #tpu.memory_space<hbm>> -> memref<4096x128xf32, #tpu.memory_space<hbm>>
    %dma_wait3A_238 = arith.constant 0 : i32
    %dma_wait3A_239 = tpu.memref_slice %dma_wait3A_237[%add3A_232, %dma_wait3A_238] : memref<4096x128xf32, #tpu.memory_space<hbm>> -> memref<64x128xf32, #tpu.memory_space<hbm>>
    %dma_wait3A_240 = arith.constant 0 : i32
    %dma_wait3A_241 = arith.constant 0 : i32
    %dma_wait3A_242 = tpu.memref_slice %arg4[%dma_wait3A_233, %dma_wait3A_240, %dma_wait3A_241] : memref<50x4096x128xf32, #tpu.memory_space<hbm>> -> memref<1x4096x128xf32, #tpu.memory_space<hbm>>
    %dma_wait3A_243 = tpu.memref_squeeze %dma_wait3A_242 : memref<1x4096x128xf32, #tpu.memory_space<hbm>> -> memref<4096x128xf32, #tpu.memory_space<hbm>>
    %dma_wait3A_244 = arith.constant 0 : i32
    %dma_wait3A_245 = tpu.memref_slice %dma_wait3A_243[%add3A_232, %dma_wait3A_244] : memref<4096x128xf32, #tpu.memory_space<hbm>> -> memref<64x128xf32, #tpu.memory_space<hbm>>
    tpu.wait_dma2 semaphore(%arg35 : memref<!tpu.dma_semaphore, #tpu.memory_space<semaphore_mem>>) src(%arg15 : memref<64x128xf32, #tpu.memory_space<vmem>>) dst(%dma_wait3A_245 : memref<64x128xf32, #tpu.memory_space<hbm>>)
    return
  }
}

</mosaic_0001>

<sc_bundles>
// kernel: kernel.3.cloned.1.call-start
scs
__scs_entry_jumppad:
0x0: {  	(pc) =	sbr.rel $0x88, $3  }
0x1: {  	(tag) =	ssettag $0x0;
	lr =	simm.s32 $0x1  }
0x2: {  	[smem:$0x3F9F] =	sst lr;
	_ =	strace $0xD0000000  }
0x3: {  	_ = 	snop  }
0x4: {  	_ = 	snop  }
0x5: {  	_ = 	snop  }
0x6: {  	_ = 	snop  }
0x7: {  	_ = 	snop  }
__scs_overlays_trampoline_lowered:
0x8: {  	[smem:$0x3FAE] =	sst s0  }
0x9: {  	[smem:$0x3FAF] =	sst s1  }
0xa: {  	[smem:$0x3FB0] =	sst s2  }
0xb: {  	[smem:$0x3FB1] =	sst s3  }
0xc: {  	[smem:$0x3FB2] =	sst s4  }
0xd: {  	[smem:$0x3FB3] =	sst s5  }
0xe: {  	[smem:$0x3FB4] =	sst s6  }
0xf: {  	[smem:$0x3FB5] =	sst s7  }
0x10: {  	[smem:$0x3FB6] =	sst s8  }
0x11: {  	[smem:$0x3FB7] =	sst s9;
	s0 =	simm.s32 @!p0 $0x0  }
0x12: {  	s1 =	sld [smem:$0x3F9D];
	s0 =	simm.s32 @p0 $0x1  }
0x13: {  	[smem:$0x3FB8] =	sst s0;
	s0 =	simm.s32 @!p1 $0x0  }
0x14: {  	s2 =	sld [smem:$0x3F9C];
	s0 =	simm.s32 @p1 $0x1  }
0x15: {  	[smem:$0x3FB9] =	sst s0;
	s0 =	simm.s32 @!p2 $0x0  }
0x16: {  	s3 =	sld [smem:$0x3FDB];
	s0 =	simm.s32 @p2 $0x1  }
0x17: {  	s4 =	simm.s32 $0x1BF5;
	[smem:$0x3FBB] =	sst s0  }
0x18: {  	s0 =	sld [smem:$0x3F9E];
	_ =	swait.ge [sflag:s4], $0x0  }
0x19: {  	s7 =	sld [smem:$0x3F9F]  }
0x1a: {  	s8 =	sadd.s32 $0xFFFFE003, lr  }
0x1b: {  	s9 =	sadd.s32 $0xFFFFFEF7, lr;
	s5 =	simm.s32 $0xFFFFFFFF;
	p2 =	slt.u32 s8, $0xFFFFF086  }
0x1c: {  	p1 =	slt.u32 s9, $0xF7A;
	s5 =	simm.s32 @!p2 $0x0  }
0x1d: {  	s5 =	simm.s32 @p1 $0x1;
	p0 =	seq.s32 s7, s2  }
0x1e: {  	s7 =	smul.u32 @!p0 $0xF7A, s2;
	p2 =	seq.s32 @!p0 s5, $0x0  }
0x1f: {  	s9 =	smul.u32 $0xF7A, s1;
	s8 =	simm.s32 @!p0 $0x1BF5;
	p2 =	por !p2, p0  }
0x20: {  	[sflag:s8] =	ssyncset.s32 @!p0 $0xFFFFF086;
	s6 =	sadd.s32 @!p0 s3, s7;
	s7 =	simm.s32 @!p0 $0x108  }
0x21: {  	s3 =	sadd.s32 s3, s9;
	s6 =	sadd.s32 @!p0 $0x88, s6;
	s7 =	simm.s32 @p2 $0x1082  }
0x22: {  	[simem:s7], [sflag:s8] =	dma.local @!p0 [hbm:s6], $0xF7A  }
0x23: {  	s9 =	sor.u32 $0xD0000000, s2;
	s6 =	simm.s32 $0x108;
	_ =	swait.ge @!p0 [sflag:s8], $0x0  }
0x24: {  	s3 =	sadd.s32 $0x88, s3;
	s6 =	simm.s32 @!p1 $0x1082;
	[sflag:s4] =	ssyncset.s32 $0xFFFFF086  }
0x25: {  	[simem:s6], [sflag:s4] =	dma.local [hbm:s3], $0xF7A  }
0x26: {  	[smem:$0x3F9F] =	sst s1;
	(tag) =	ssettag s2;
	_ =	strace s9  }
0x27: {  	s1 =	sld [smem:$0x3FAF]  }
0x28: {  	s2 =	sld [smem:$0x3FB0]  }
0x29: {  	s4 =	sld [smem:$0x3FB2]  }
0x2a: {  	p0 =	seq.s32 s5, $0x0;
	s5 =	sld [smem:$0x3FB3]  }
0x2b: {  	s6 =	sld [smem:$0x3FB4]  }
0x2c: {  	s7 =	sld [smem:$0x3FB5]  }
0x2d: {  	s3 =	simm.s32 $0x108;
	s8 =	sld [smem:$0x3FB6]  }
0x2e: {  	s3 =	simm.s32 @!p0 $0x1082;
	s9 =	sld [smem:$0x3FB7]  }
0x2f: {  	lr =	sadd.s32 s0, s3;
	s0 =	sld [smem:$0x3FAE]  }
0x30: {  	s3 =	sld [smem:$0x3FB1]  }
0x31: {  	[smem:$0x3FBA] =	sst s10  }
0x32: {  	s10 =	sld [smem:$0x3FB8];
	_ =	sdelay $0x3  }
0x33: {  	p0 =	seq.s32 s10, $0x1;
	s10 =	sld [smem:$0x3FBA];
	_ =	sdelay $0x3  }
0x34: {  	[smem:$0x3FBA] =	sst s10  }
0x35: {  	s10 =	sld [smem:$0x3FB9];
	_ =	sdelay $0x3  }
0x36: {  	p1 =	seq.s32 s10, $0x1;
	s10 =	sld [smem:$0x3FBA];
	_ =	sdelay $0x3  }
0x37: {  	[smem:$0x3FBA] =	sst s10  }
0x38: {  	s10 =	sld [smem:$0x3FBB]  }
0x39: {  	_ = 	snop;
	(pc) =	sbr.ind lr, $3  }
0x3a: {  	_ = 	snop  }
0x3b: {  	_ = 	snop  }
0x3c: {  	p2 =	seq.s32 s10, $0x1;
	s10 =	sld [smem:$0x3FBA]  }
0x3d: {  	_ =	shalt  }
0x3e: {  	_ =	shalt  }
0x3f: {  	_ =	shalt  }
0x40: {  	_ =	shalt  }
0x41: {  	_ =	shalt  }
0x42: {  	_ =	shalt  }
0x43: {  	_ =	shalt  }
0x44: {  	_ =	shalt  }
0x45: {  	_ =	shalt  }
0x46: {  	_ =	shalt  }
0x47: {  	_ =	shalt  }
0x48: {  	_ =	shalt  }
0x49: {  	_ =	shalt  }
0x4a: {  	_ =	shalt  }
0x4b: {  	_ =	shalt  }
0x4c: {  	_ =	shalt  }
0x4d: {  	_ =	shalt  }
0x4e: {  	_ =	shalt  }
0x4f: {  	_ =	shalt  }
0x50: {  	_ =	shalt  }
0x51: {  	_ =	shalt  }
0x52: {  	_ =	shalt  }
0x53: {  	_ =	shalt  }
0x54: {  	_ =	shalt  }
0x55: {  	_ =	shalt  }
0x56: {  	_ =	shalt  }
0x57: {  	_ =	shalt  }
0x58: {  	_ =	shalt  }
0x59: {  	_ =	shalt  }
0x5a: {  	_ =	shalt  }
0x5b: {  	_ =	shalt  }
0x5c: {  	_ =	shalt  }
0x5d: {  	_ =	shalt  }
0x5e: {  	_ =	shalt  }
0x5f: {  	_ =	shalt  }
0x60: {  	_ =	shalt  }
0x61: {  	_ =	shalt  }
0x62: {  	_ =	shalt  }
0x63: {  	_ =	shalt  }
0x64: {  	_ =	shalt  }
0x65: {  	_ =	shalt  }
0x66: {  	_ =	shalt  }
0x67: {  	_ =	shalt  }
0x68: {  	_ =	shalt  }
0x69: {  	_ =	shalt  }
0x6a: {  	_ =	shalt  }
0x6b: {  	_ =	shalt  }
0x6c: {  	_ =	shalt  }
0x6d: {  	_ =	shalt  }
0x6e: {  	_ =	shalt  }
0x6f: {  	_ =	shalt  }
0x70: {  	_ =	shalt  }
0x71: {  	_ =	shalt  }
0x72: {  	_ =	shalt  }
0x73: {  	_ =	shalt  }
0x74: {  	_ =	shalt  }
0x75: {  	_ =	shalt  }
0x76: {  	_ =	shalt  }
0x77: {  	_ =	shalt  }
0x78: {  	_ =	shalt  }
0x79: {  	_ =	shalt  }
0x7a: {  	_ =	shalt  }
0x7b: {  	_ =	shalt  }
0x7c: {  	_ =	shalt  }
0x7d: {  	_ =	shalt  }
0x7e: {  	_ =	shalt  }
0x7f: {  	_ =	shalt  }
0x80: {  	_ =	shalt  }
0x81: {  	_ =	shalt  }
0x82: {  	_ =	shalt  }
0x83: {  	_ =	shalt  }
0x84: {  	_ =	shalt  }
0x85: {  	_ =	shalt  }
0x86: {  	_ =	shalt  }
0x87: {  	_ =	shalt  }
.Lfunc_end0:
.L_simem_size_0:
called_computation_lowered:
.L_overlay_start_0:
0x88: {  	s2 =	sld [smem:$0x3FD9]  }
0x89: {  	s3 =	sld [smem:$0x3FFE];
	_ =	sdelay $0x1  }
0x8a: {  	s1 =	srdreg.scid  }
0x8b: {  	s0 =	sand.u32 $0x1, s1  }
0x8c: {  	s18 =	sshll.u32 s0, $0xA;
	s2 =	sadd.s32 s3, s2  }
0x8d: {  	s2 =	sadd.s32 s2, s18  }
0x8e: {  	[smem:$0x3FC6] =	sst s2  }
0x8f: {  	_ = 	snop  }
0x90: {  	s2 =	sld [smem:$0x3FC9]  }
0x91: {  	s19 =	sld [smem:$0x3FC8]  }
0x92: {  	s4 =	sld [smem:$0x3FD0];
	(tm) =	ssettm $0x1  }
0x93: {  	s5 =	sld [smem:$0x3FFB];
	_ =	sdelay $0x3  }
0x94: {  	_ =	strace s5  }
0x95: {  	s5 =	sld [smem:$0x3FFC];
	_ =	sdelay $0x3  }
0x96: {  	_ =	strace s5  }
0x97: {  	s5 =	sld [smem:$0x3FFD];
	_ =	sdelay $0x3  }
0x98: {  	_ =	strace s5  }
0x99: {  	_ =	strace $0x8FFFFFFF  }
0x9a: {  	s20 =	sld [smem:$0x3FDB];
	_ =	sdelay $0x1  }
0x9b: {  	s6 =	simm.s32 $_scs_section_size  }
0x9c: {  	s7 =	simm.s32 $_size__tile_overlayer_lowered;
	s8 =	simm.s32 $_tile_overlayer_lowered  }
0x9d: {  	s23 =	simm.s32 $0x1BFF;
	s22 =	sshll.u32 s8, $0x1;
	s5 =	sadd.s32 s6, s20  }
0x9e: {  	s9 =	simm.s32 $0x0;
	s21 =	sshll.u32 s7, $0x1;
	s7 =	sadd.s32 s22, s5  }
0x9f: {  	[timem:s9], [sflag:s23] =	dma.local [hbm:s7], s21  }
0xa0: {  	_ =	swait.ge [sflag:s23], s21  }
0xa1: {  	s6 =	ssub.s32 $0x0, s21;
	[sflag:s23] =	ssyncset.done $0x0  }
0xa2: {  	[sflag:s23] =	ssyncadd.s32 s6;
	_ =	sdelay $0x1  }
0xa3: {  	s24 =	simm.s32 $0x1B8B  }
0xa4: {  	_ =	swait.ge [sflag:s24], $0x1  }
0xa5: {  	[sflag:s24] =	ssyncset.done $0x0  }
0xa6: {  	s25 =	simm.s32 $0x1B8E;
	[sflag:s24] =	ssyncadd.s32 $0xFFFFFFFF  }
0xa7: {  	s26 =	simm.s32 $execute0_lowered;
	[smem:$0x3FD2] =	sst s25  }
0xa8: {  	s6 =	sshll.u32 s26, $0x1;
	_ =	strace $0x80000046;
	[dreg:$0x1] =	wrdreg $0xFFFFFFFF  }
0xa9: {  	s28 =	simm.s32 $_size_execute0_lowered;
	s5 =	sadd.s32 s5, s6;
	[dreg:$0x0] =	wrdreg $0x0  }
0xaa: {  	s6 =	sshll.u32 s28, $0x1;
	[dreg:$0x2] =	wrdreg s5  }
0xab: {  	[dreg:$0x3] =	wrdreg s6  }
0xac: {  	[dreg:$0x4] =	wrdreg $0xC0  }
0xad: {  	_ =	task [dreg:s9], $0x5FFFF  }
0xae: {  	[dreg:$0x1] =	wrdreg $0xFFFFFFFF  }
0xaf: {  	[dreg:$0x0] =	wrdreg $0x60  }
0xb0: {  	[dreg:$0x2] =	wrdreg s2  }
0xb1: {  	[dreg:$0x3] =	wrdreg s19  }
0xb2: {  	[dreg:$0x4] =	wrdreg s4  }
0xb3: {  	[dreg:$0x5] =	wrdreg $0x9  }
0xb4: {  	_ =	task.clear_ibuf [dreg:s9], $0x6FFFF;
	_ =	strace $0x90000046  }
0xb5: {  	s29 =	simm.s32 $0x9;
	_ =	strace $0x80000048  }
0xb6: {  	_ =	swait.ge [sflag:s29], $0x1  }
0xb7: {  	[sflag:s29] =	ssyncadd.s32 $0xFFFFFFFF  }
0xb8: {  	_ =	strace $0x90000048  }
0xb9: {  	_ =	sfence  }
0xba: {  	s30 =	sld [smem:$0x0];
	_ =	sdelay $0x2  }
0xbb: {  	s31 =	sshll.u32 s1, $0xD;
	s1 =	sshrl.u32 s1, $0x2  }
0xbc: {  	s3 =	sand.u32 $0x4000, s31;
	s1 =	sadd.s32 s1, s30  }
0xbd: {  	s0 =	sor.u32 s3, s0;
	s1 =	sshll.u32 s1, $0x11  }
0xbe: {  	s0 =	sor.u32 s1, s0  }
0xbf: {  	s0 =	sadd.s32 $0x8F2B, s0  }
0xc0: {  	[sflag:s0] =	ssyncadd.remote.s32 $0x1  }
0xc1: {  	_ =	sfence.sel $0xFFFF  }
0xc2: {  	[dreg:$0x0] =	wrdreg $0xFFFFFFFF;
	(pc) =	sbr.abs _section_cstart, $3  }
0xc3: {  	[dreg:$0x1] =	wrdreg $0xFFFFFFFF  }
0xc4: {  	_ =	task.clear_ibuf [dreg:s9], $0x2FFFF;
	_ =	strace $0x9FFFFFFF  }
0xc5: {  	(tm) =	ssettm $0x7FFFFFFF  }
tec
execute0_lowered:
.L_overlay_start_1:
0x0: {  	(tag) =	ssettag $0x1  }
0x1: {  	s0 =	rddreg [dreg:$0x0]  }
0x2: {  	s1 =	rddreg [dreg:$0x1]  }
0x3: {  	s2 =	rddreg [dreg:$0x2];
	s3 =	simm.s32 $0x0;
	s4 =	srdreg.scid  }
0x4: {  	s6 =	stileid.u32;
	s14 =	simm.s32 $0x40;
	s29 =	simm.s32 $0x1C00  }
0x5: {  	s10 =	simm.s32 $0x5C00;
	s31 =	simm.s32 $0x7C00;
	s12 =	simm.s32 $0x3  }
0x6: {  	s17 =	simm.s32 $0x4;
	s19 =	simm.s32 $0x5;
	s21 =	simm.s32 $0x6  }
0x7: {  	s23 =	simm.s32 $0x7;
	s28 =	simm.s32 $0x9;
	s30 =	simm.s32 $0xA  }
0x8: {  	s9 =	simm.s32 $0xD;
	s8 =	simm.s32 $0xE;
	s13 =	simm.s32 $0x10  }
0x9: {  	s15 =	simm.s32 $0x11;
	s16 =	simm.s32 $0x12;
	s18 =	simm.s32 $0x13  }
0xa: {  	s20 =	simm.s32 $0x14;
	[smem:$0x7FF] =	sst s3;
	s4 =	sand.u32 $0x1, s4  }
0xb: {  	s6 =	sshll.u32 s6, $0x8;
	s25 =	sadd.s32 $0x40000, s2;
	s2 =	simm.s32 $0x3C00  }
0xc: {  	s5 =	ssub.s32 $0x2, s4;
	s4 =	sshll.u32 s4, $0x7;
	_ =	strace $0x80000047  }
0xd: {  	[dreg:$0x6] =	wrdreg s25;
	s25 =	simm.s32 $0x8;
	s7 =	sshrl.u32 s5, $0x1  }
.Ltmp0:
0xe: {  	s4 =	sor.u32 s4, s6;
	s6 =	simm.s32 $0xC;
	(pc) =	sbr.rel .LBB2_1-.Ltmp0, $4  }
0xf: {  	s24 =	ssub.s32 s5, s7;
	s0 =	sadd.s32 s0, s4;
	s5 =	sshll.u32 s4, $0x4  }
0x10: {  	s4 =	simm.s32 $0xF;
	[dreg:$0x4] =	wrdreg s0;
	s0 =	sadd.s32 $0x6000, s0  }
0x11: {  	s7 =	sor.u32 $0x400, s5;
	s26 =	smax.u32 s24, $0x1;
	[dreg:$0x5] =	wrdreg s0  }
0x12: {  	s24 =	simm.s32 $0x0;
	[dreg:$0x7] =	wrdreg s26;
	s0 =	simm.s32 $0xB  }
.LBB2_4:
0x13: {  	_ =	swait.ge [sflag:s6], $0x2000  }
0x14: {  	[sflag:s6] =	ssyncset.done $0x0  }
0x15: {  	[sflag:s6] =	ssyncadd.s32 $0xFFFFE000  }
0x16: {  	_ =	swait.ge [sflag:s9], $0x2000  }
0x17: {  	[sflag:s9] =	ssyncset.done $0x0  }
0x18: {  	[sflag:s9] =	ssyncadd.s32 $0xFFFFE000  }
0x19: {  	_ =	swait.ge [sflag:s8], $0x2000  }
0x1a: {  	[sflag:s8] =	ssyncset.done $0x0  }
0x1b: {  	[sflag:s8] =	ssyncadd.s32 $0xFFFFE000  }
0x1c: {  	_ =	swait.ge [sflag:s4], $0x2000  }
0x1d: {  	[sflag:s4] =	ssyncset.done $0x0  }
0x1e: {  	[sflag:s4] =	ssyncadd.s32 $0xFFFFE000  }
0x1f: {  	_ =	swait.ge [sflag:s13], $0x2000  }
0x20: {  	[sflag:s13] =	ssyncset.done $0x0  }
0x21: {  	[sflag:s13] =	ssyncadd.s32 $0xFFFFE000  }
0x22: {  	_ =	swait.ge [sflag:s15], $0x2000  }
0x23: {  	[sflag:s15] =	ssyncset.done $0x0  }
0x24: {  	[sflag:s15] =	ssyncadd.s32 $0xFFFFE000  }
0x25: {  	_ =	swait.ge [sflag:s16], $0x2000  }
0x26: {  	[sflag:s16] =	ssyncset.done $0x0  }
0x27: {  	[sflag:s16] =	ssyncadd.s32 $0xFFFFE000  }
0x28: {  	_ =	swait.ge [sflag:s18], $0x2000  }
0x29: {  	[sflag:s18] =	ssyncset.done $0x0  }
0x2a: {  	[sflag:s18] =	ssyncadd.s32 $0xFFFFE000  }
0x2b: {  	_ =	swait.ge [sflag:s20], $0x2000  }
0x2c: {  	s24 =	rddreg [dreg:$0x8]  }
0x2d: {  	s22 =	rddreg [dreg:$0x7];
	s24 =	sadd.s32 $0x1, s24  }
0x2e: {  	p0 =	sne.s32 s24, s22  }
.Ltmp1:
0x2f: {  	_ = 	snop;
	(pc) =	sbr.rel @!p0 .LBB2_5-.Ltmp1, $3  }
0x30: {  	_ =	sdelay $0x1  }
0x31: {  	s29 =	simm.s32 $0x1C00;
	s2 =	simm.s32 $0x3C00;
	[sflag:s20] =	ssyncset.done $0x0  }
0x32: {  	s10 =	simm.s32 $0x5C00;
	s31 =	simm.s32 $0x7C00;
	[sflag:s20] =	ssyncadd.s32 $0xFFFFE000  }
.LBB2_1:
0x33: {  	[dreg:$0x8] =	wrdreg s24  }
0x34: {  	s22 =	rddreg [dreg:$0x4];
	s11 =	simm.s32 $0x400;
	s26 =	simm.s32 $0x8000  }
0x35: {  	[tilespmem:s3], [sflag:$0x15] =	stream.strided.gather [hbm4b:s22+s11], $0x1800, s26, s11, $0x38;
	[tilespmem:$0x15C00] =	vst v63  }
0x36: {  	s24 =	simm.s32 $0x15;
	s26 =	rddreg [dreg:$0x5];
	s11 =	simm.s32 $0x1800  }
0x37: {  	[tilespmem:s11], [sflag:$0x15] =	stream.linear.gather [hbm4b:s26+s3], $0x100, $0x38;
	[tilespmem:$0x15C00] =	vst v63  }
0x38: {  	_ =	swait.ge [sflag:s24], $0x1900  }
0x39: {  	[sflag:s24] =	ssyncset.done $0x0  }
0x3a: {  	[sflag:s24] =	ssyncadd.s32 $0xFFFFE700  }
0x3b: {  	[tilespmem:s29], [sflag:$0x1] =	stream.indirect.gather [hbm4b:s1+s14], $0x80, s3, s14, $0xb8;
	[tilespmem:$0x15C00] =	vst v63  }
0x3c: {  	_ = 	snop  }
0x3d: {  	[tilespmem:s2], [sflag:$0x2] =	stream.indirect.gather [hbm4b:s1+s14], $0x80, s14, s14, $0xb8;
	[tilespmem:$0x15C00] =	vst v63  }
0x3e: {  	s26 =	simm.s32 $0x80  }
0x3f: {  	[tilespmem:s10], [sflag:$0x3] =	stream.indirect.gather [hbm4b:s1+s14], $0x80, s26, s14, $0xb8;
	[tilespmem:$0x15C00] =	vst v63  }
0x40: {  	s29 =	simm.s32 $0xC0  }
0x41: {  	[tilespmem:s31], [sflag:$0x4] =	stream.indirect.gather [hbm4b:s1+s14], $0x80, s29, s14, $0xb8;
	[tilespmem:$0x15C00] =	vst v63  }
0x42: {  	s11 =	simm.s32 $0x9C00;
	s10 =	simm.s32 $0x100  }
0x43: {  	[tilespmem:s11], [sflag:$0x5] =	stream.indirect.gather [hbm4b:s1+s14], $0x80, s10, s14, $0xb8;
	[tilespmem:$0x15C00] =	vst v63  }
0x44: {  	s22 =	simm.s32 $0x140;
	s24 =	simm.s32 $0xBC00;
	s2 =	simm.s32 $0x7C00  }
0x45: {  	[tilespmem:s24], [sflag:$0x6] =	stream.indirect.gather [hbm4b:s1+s14], $0x80, s22, s14, $0xb8;
	[tilespmem:$0x15C00] =	vst v63  }
0x46: {  	s26 =	simm.s32 $0x180;
	s29 =	simm.s32 $0xDC00;
	s31 =	simm.s32 $0x13C00  }
0x47: {  	[tilespmem:s29], [sflag:$0x7] =	stream.indirect.gather [hbm4b:s1+s14], $0x80, s26, s14, $0xb8;
	[tilespmem:$0x15C00] =	vst v63  }
0x48: {  	s10 =	simm.s32 $0x1C0;
	s11 =	simm.s32 $0xFC00;
	s22 =	simm.s32 $0x200  }
0x49: {  	[tilespmem:s11], [sflag:$0x8] =	stream.indirect.gather [hbm4b:s1+s14], $0x80, s10, s14, $0xb8;
	[tilespmem:$0x15C00] =	vst v63  }
0x4a: {  	s24 =	simm.s32 $0x11C00;
	s26 =	simm.s32 $0x240;
	s29 =	simm.s32 $0x13C00  }
0x4b: {  	[tilespmem:s24], [sflag:$0x9] =	stream.indirect.gather [hbm4b:s1+s14], $0x80, s22, s14, $0xb8;
	[tilespmem:$0x15C00] =	vst v63  }
0x4c: {  	s10 =	simm.s32 $0x5C00;
	s22 =	rddreg [dreg:$0x6];
	s24 =	simm.s32 $0x0  }
0x4d: {  	[tilespmem:s29], [sflag:$0xA] =	stream.indirect.gather [hbm4b:s1+s14], $0x80, s26, s14, $0xb8;
	[tilespmem:$0x15C00] =	vst v63  }
.LBB2_2:
0x4e: {  	s29 =	simm.s32 $0x1  }
0x4f: {  	_ =	swait.ge [sflag:s29], $0x2000  }
0x50: {  	s26 =	sadd.s32 $0xFFFC0000, s22;
	[sflag:s29] =	ssyncset.done $0x0  }
0x51: {  	s11 =	simm.s32 $0x1C00;
	[sflag:s29] =	ssyncadd.s32 $0xFFFFE000;
	s29 =	sadd.s32 s5, s26  }
0x52: {  	[hbm4b:s29+s3] =	stream.linear.scatter [tilespmem:s11], [sflag:$0xB], $0x2000, $0x38;
	[tilespmem:$0x15C00] =	vst v63  }
0x53: {  	s29 =	simm.s32 $0x2  }
0x54: {  	_ =	swait.ge [sflag:s29], $0x2000  }
0x55: {  	[sflag:s29] =	ssyncset.done $0x0  }
0x56: {  	s26 =	sadd.s32 s7, s26;
	[sflag:s29] =	ssyncadd.s32 $0xFFFFE000;
	s29 =	simm.s32 $0x3C00  }
0x57: {  	[hbm4b:s26+s3] =	stream.linear.scatter [tilespmem:s29], [sflag:$0xC], $0x2000, $0x38;
	[tilespmem:$0x15C00] =	vst v63  }
0x58: {  	_ =	swait.ge [sflag:s12], $0x2000  }
0x59: {  	s26 =	sadd.s32 $0xFFFD0000, s22;
	[sflag:s12] =	ssyncset.done $0x0  }
0x5a: {  	s11 =	sadd.s32 s5, s26;
	[sflag:s12] =	ssyncadd.s32 $0xFFFFE000  }
0x5b: {  	[hbm4b:s11+s3] =	stream.linear.scatter [tilespmem:s10], [sflag:$0xD], $0x2000, $0x38;
	[tilespmem:$0x15C00] =	vst v63  }
0x5c: {  	_ =	swait.ge [sflag:s17], $0x2000  }
0x5d: {  	[sflag:s17] =	ssyncset.done $0x0  }
0x5e: {  	s26 =	sadd.s32 s7, s26;
	[sflag:s17] =	ssyncadd.s32 $0xFFFFE000  }
0x5f: {  	[hbm4b:s26+s3] =	stream.linear.scatter [tilespmem:s2], [sflag:$0xE], $0x2000, $0x38;
	[tilespmem:$0x15C00] =	vst v63  }
0x60: {  	_ =	swait.ge [sflag:s19], $0x2000  }
0x61: {  	s26 =	sadd.s32 $0xFFFE0000, s22;
	[sflag:s19] =	ssyncset.done $0x0  }
0x62: {  	s11 =	simm.s32 $0x9C00;
	s29 =	sadd.s32 s5, s26;
	[sflag:s19] =	ssyncadd.s32 $0xFFFFE000  }
0x63: {  	[hbm4b:s29+s3] =	stream.linear.scatter [tilespmem:s11], [sflag:$0xF], $0x2000, $0x38;
	[tilespmem:$0x15C00] =	vst v63  }
0x64: {  	_ =	swait.ge [sflag:s21], $0x2000  }
0x65: {  	[sflag:s21] =	ssyncset.done $0x0  }
0x66: {  	s26 =	sadd.s32 s7, s26;
	s29 =	simm.s32 $0xBC00;
	[sflag:s21] =	ssyncadd.s32 $0xFFFFE000  }
0x67: {  	[hbm4b:s26+s3] =	stream.linear.scatter [tilespmem:s29], [sflag:$0x10], $0x2000, $0x38;
	[tilespmem:$0x15C00] =	vst v63  }
0x68: {  	_ =	swait.ge [sflag:s23], $0x2000  }
0x69: {  	s26 =	sadd.s32 $0xFFFF0000, s22;
	[sflag:s23] =	ssyncset.done $0x0  }
0x6a: {  	s11 =	simm.s32 $0xDC00;
	s29 =	sadd.s32 s5, s26;
	[sflag:s23] =	ssyncadd.s32 $0xFFFFE000  }
0x6b: {  	[hbm4b:s29+s3] =	stream.linear.scatter [tilespmem:s11], [sflag:$0x11], $0x2000, $0x38;
	[tilespmem:$0x15C00] =	vst v63  }
0x6c: {  	_ =	swait.ge [sflag:s25], $0x2000  }
0x6d: {  	[sflag:s25] =	ssyncset.done $0x0  }
0x6e: {  	s26 =	sadd.s32 s7, s26;
	s29 =	simm.s32 $0xFC00;
	[sflag:s25] =	ssyncadd.s32 $0xFFFFE000  }
0x6f: {  	[hbm4b:s26+s3] =	stream.linear.scatter [tilespmem:s29], [sflag:$0x12], $0x2000, $0x38;
	[tilespmem:$0x15C00] =	vst v63  }
0x70: {  	_ =	swait.ge [sflag:s28], $0x2000  }
0x71: {  	[sflag:s28] =	ssyncset.done $0x0  }
0x72: {  	s11 =	sadd.s32 s5, s22;
	s29 =	simm.s32 $0x11C00;
	[sflag:s28] =	ssyncadd.s32 $0xFFFFE000  }
0x73: {  	[hbm4b:s11+s3] =	stream.linear.scatter [tilespmem:s29], [sflag:$0x13], $0x2000, $0x38;
	[tilespmem:$0x15C00] =	vst v63  }
0x74: {  	_ =	swait.ge [sflag:s30], $0x2000  }
0x75: {  	p0 =	seq.s32 s24, $0x5A00;
	[sflag:s30] =	ssyncset.done $0x0  }
.Ltmp2:
0x76: {  	s29 =	sadd.s32 s7, s22;
	[sflag:s30] =	ssyncadd.s32 $0xFFFFE000;
	(pc) =	sbr.rel @p0 .LBB2_4-.Ltmp2, $4  }
0x77: {  	[hbm4b:s29+s3] =	stream.linear.scatter [tilespmem:s31], [sflag:$0x14], $0x2000, $0x38;
	[tilespmem:$0x15C00] =	vst v63  }
0x78: {  	_ =	swait.ge [sflag:s0], $0x2000  }
0x79: {  	[sflag:s0] =	ssyncset.done $0x0  }
0x7a: {  	[sflag:s0] =	ssyncadd.s32 $0xFFFFE000  }
0x7b: {  	s26 =	sshra.s32 s24, $0x2  }
0x7c: {  	s11 =	simm.s32 $0x1C00;
	s29 =	sadd.s32 $0x280, s26  }
0x7d: {  	[tilespmem:s11], [sflag:$0x1] =	stream.indirect.gather [hbm4b:s1+s14], $0x80, s29, s14, $0xb8;
	[tilespmem:$0x15C00] =	vst v63  }
0x7e: {  	_ =	swait.ge [sflag:s6], $0x2000  }
0x7f: {  	[sflag:s6] =	ssyncset.done $0x0  }
0x80: {  	s29 =	sadd.s32 $0x2C0, s26;
	s11 =	simm.s32 $0x3C00;
	[sflag:s6] =	ssyncadd.s32 $0xFFFFE000  }
0x81: {  	[tilespmem:s11], [sflag:$0x2] =	stream.indirect.gather [hbm4b:s1+s14], $0x80, s29, s14, $0xb8;
	[tilespmem:$0x15C00] =	vst v63  }
0x82: {  	_ =	swait.ge [sflag:s9], $0x2000  }
0x83: {  	[sflag:s9] =	ssyncset.done $0x0  }
0x84: {  	s11 =	sadd.s32 $0x300, s26;
	[sflag:s9] =	ssyncadd.s32 $0xFFFFE000  }
0x85: {  	[tilespmem:s10], [sflag:$0x3] =	stream.indirect.gather [hbm4b:s1+s14], $0x80, s11, s14, $0xb8;
	[tilespmem:$0x15C00] =	vst v63  }
0x86: {  	_ =	swait.ge [sflag:s8], $0x2000  }
0x87: {  	[sflag:s8] =	ssyncset.done $0x0  }
0x88: {  	s11 =	sadd.s32 $0x340, s26;
	[sflag:s8] =	ssyncadd.s32 $0xFFFFE000  }
0x89: {  	[tilespmem:s2], [sflag:$0x4] =	stream.indirect.gather [hbm4b:s1+s14], $0x80, s11, s14, $0xb8;
	[tilespmem:$0x15C00] =	vst v63  }
0x8a: {  	_ =	swait.ge [sflag:s4], $0x2000  }
0x8b: {  	[sflag:s4] =	ssyncset.done $0x0  }
0x8c: {  	s29 =	sadd.s32 $0x380, s26;
	s11 =	simm.s32 $0x9C00;
	[sflag:s4] =	ssyncadd.s32 $0xFFFFE000  }
0x8d: {  	[tilespmem:s11], [sflag:$0x5] =	stream.indirect.gather [hbm4b:s1+s14], $0x80, s29, s14, $0xb8;
	[tilespmem:$0x15C00] =	vst v63  }
0x8e: {  	_ =	swait.ge [sflag:s13], $0x2000  }
0x8f: {  	[sflag:s13] =	ssyncset.done $0x0  }
0x90: {  	s29 =	sadd.s32 $0x3C0, s26;
	s11 =	simm.s32 $0xBC00;
	[sflag:s13] =	ssyncadd.s32 $0xFFFFE000  }
0x91: {  	[tilespmem:s11], [sflag:$0x6] =	stream.indirect.gather [hbm4b:s1+s14], $0x80, s29, s14, $0xb8;
	[tilespmem:$0x15C00] =	vst v63  }
0x92: {  	_ =	swait.ge [sflag:s15], $0x2000  }
0x93: {  	[sflag:s15] =	ssyncset.done $0x0  }
0x94: {  	s29 =	sadd.s32 $0x400, s26;
	s11 =	simm.s32 $0xDC00;
	[sflag:s15] =	ssyncadd.s32 $0xFFFFE000  }
0x95: {  	[tilespmem:s11], [sflag:$0x7] =	stream.indirect.gather [hbm4b:s1+s14], $0x80, s29, s14, $0xb8;
	[tilespmem:$0x15C00] =	vst v63  }
0x96: {  	_ =	swait.ge [sflag:s16], $0x2000  }
0x97: {  	[sflag:s16] =	ssyncset.done $0x0  }
0x98: {  	s29 =	sadd.s32 $0x440, s26;
	s11 =	simm.s32 $0xFC00;
	[sflag:s16] =	ssyncadd.s32 $0xFFFFE000  }
0x99: {  	[tilespmem:s11], [sflag:$0x8] =	stream.indirect.gather [hbm4b:s1+s14], $0x80, s29, s14, $0xb8;
	[tilespmem:$0x15C00] =	vst v63  }
0x9a: {  	_ =	swait.ge [sflag:s18], $0x2000  }
0x9b: {  	[sflag:s18] =	ssyncset.done $0x0  }
0x9c: {  	s29 =	sadd.s32 $0x480, s26;
	s11 =	simm.s32 $0x11C00;
	[sflag:s18] =	ssyncadd.s32 $0xFFFFE000  }
0x9d: {  	[tilespmem:s11], [sflag:$0x9] =	stream.indirect.gather [hbm4b:s1+s14], $0x80, s29, s14, $0xb8;
	[tilespmem:$0x15C00] =	vst v63  }
.Ltmp3:
0x9e: {  	_ = 	snop;
	(pc) =	sbr.rel .LBB2_2-.Ltmp3, $4  }
0x9f: {  	_ =	swait.ge [sflag:s20], $0x2000  }
0xa0: {  	s24 =	sadd.s32 $0xA00, s24;
	[sflag:s20] =	ssyncset.done $0x0  }
0xa1: {  	s22 =	sadd.s32 $0x50000, s22;
	s26 =	sadd.s32 $0x4C0, s26;
	[sflag:s20] =	ssyncadd.s32 $0xFFFFE000  }
0xa2: {  	[tilespmem:s31], [sflag:$0xA] =	stream.indirect.gather [hbm4b:s1+s14], $0x80, s26, s14, $0xb8;
	[tilespmem:$0x15C00] =	vst v63  }
.LBB2_5:
0xa3: {  	_ =	sfence.sel $0x180000  }
0xa4: {  	[bflag:$0x0] =	sbarrier.arrive $0xFFFF  }
0xa5: {  	_ =	strace $0x90000047  }
0xa6: {  	s0 =	stileid.u32;
	[bflag:$0x2] =	sbarrier.arrive $0xFFFF  }
0xa7: {  	p0 =	sne.s32 s0, $0x0;
	s0 =	rddreg [dreg:$0x3]  }
0xa8: {  	s0 =	sadd.s32 @!p0 $0x100000, s0  }
0xa9: {  	[sflag:s0] =	ssyncadd.tile.s32 @!p0 $0x1;
	_ =	shalt  }
.Lfunc_end2:
_tile_overlayer_lowered:
.L_overlay_start_2:
0xaa: {  	(tag) =	ssettag $0x2  }
0xab: {  	s0 =	rddreg [dreg:$0x0];
	s2 =	stileid.u32  }
0xac: {  	s1 =	rddreg [dreg:$0x1];
	p0 =	sne.s32 s2, $0x0  }
0xad: {  	s3 =	rddreg [dreg:$0x2];
	[bflag:$0x3] =	sbarrier.arrive $0xFFFF;
	s2 =	simm.s32 @!p0 $0x1C15  }
0xae: {  	[timem:s3], [sflag:s2] =	dma.local @!p0 [hbm:s0], s1  }
0xaf: {  	s0 =	simm.s32 @!p0 $0x15  }
0xb0: {  	_ =	swait.ge @!p0 [sflag:s0], s1  }
0xb1: {  	s1 =	ssub.s32 @!p0 $0x0, s1;
	[sflag:s0] =	ssyncset.done @!p0 $0x0  }
0xb2: {  	[sflag:s0] =	ssyncadd.s32 @!p0 s1  }
0xb3: {  	[bflag:$0x3] =	sbarrier.arrive $0xFFFF  }
0xb4: {  	_ =	shalt  }

</sc_bundles>
